<compile_context>
chip_gen: v7x
topology: tpu7x:2x2x1
jax: 0.10.2.dev20260603
libtpu: 0.0.44.dev20260713+nightly
codegen_flags: <defaults>
</compile_context>

<pallas_src>
import functools

import jax
import jax.numpy as jnp
from jax import lax
from jax.experimental import pallas as pl
from jax.experimental.pallas import tpu as pltpu
from jax.experimental.pallas import tpu_sc as plsc

U = 100000
Q = 1024
C = 16
KNN = 50
NBINS = 403
BSTRIDE = 408
UB = 2000
NBLK = U // UB
CH = 2000
NCH = U // CH
SLOT = 64
CAP = 512
NW = 32
L = 16



def _tc_body(uid_ref, qt_ref, r_ref, keys_ref, aux_ref, meanq_ref, zeroq_ref):
    i = pl.program_id(0)
    qt = qt_ref[...]
    mqt = (qt != 0.0).astype(jnp.float32)
    rmat = jnp.concatenate([qt * qt, -2.0 * qt, mqt], axis=0)
    r = r_ref[...]
    mr = (r != 0.0).astype(jnp.float32)
    lmat = jnp.concatenate([mr, r, r * r], axis=1)
    sq = lax.dot_general(lmat, rmat, (((1,), (0,)), ((), ())),
                         preferred_element_type=jnp.float32)
    mc = lax.dot_general(mr, mqt, (((1,), (0,)), ((), ())),
                         preferred_element_type=jnp.float32)
    key = (jnp.maximum(sq, 0.0) + 0.5).astype(jnp.int32)
    key = jnp.where(mc > 0.5, key, 401)
    keys_ref[...] = key[:, :512] + key[:, 512:] * 32768

    @pl.when(i == 0)
    def _init():
        sumq = jnp.sum(qt, axis=0)
        meanq_ref[...] = (sumq * (1.0 / 16.0)).reshape(8, 128)
        zeroq_ref[...] = (sumq == 0.0).astype(jnp.float32).reshape(8, 128)
        aux_ref[...] = jnp.zeros((8, 128), jnp.float32)

    cnt = jnp.stack([jnp.sum((r == float(v)).astype(jnp.float32), axis=0)
                     for v in range(6)], axis=0)
    aux_ref[...] += jnp.pad(cnt, ((0, 2), (0, 112)))

    @pl.when(i == NBLK - 1)
    def _finish():
        a = aux_ref[...]
        bestc = a[0:1, :]
        bestv = jnp.zeros((1, 128), jnp.float32)
        for v in range(1, 6):
            cv = a[v:v + 1, :]
            take = cv > bestc
            bestv = jnp.where(take, float(v), bestv)
            bestc = jnp.maximum(bestc, cv)
        aux_ref[6:7, :] = bestv


def _tc_keys(qt, r, uid, interpret=False):
    return pl.pallas_call(
        _tc_body,
        grid=(NBLK,),
        in_specs=[
            pl.BlockSpec(memory_space=pltpu.SMEM),
            pl.BlockSpec((16, Q), lambda i: (0, 0)),
            pl.BlockSpec((UB, 16), lambda i: (i, 0)),
        ],
        out_specs=[
            pl.BlockSpec((UB, 512), lambda i: (i, 0)),
            pl.BlockSpec((8, 128), lambda i: (0, 0)),
            pl.BlockSpec((8, 128), lambda i: (0, 0)),
            pl.BlockSpec((8, 128), lambda i: (0, 0)),
        ],
        out_shape=[
            jax.ShapeDtypeStruct((U, 512), jnp.int32),
            jax.ShapeDtypeStruct((8, 128), jnp.float32),
            jax.ShapeDtypeStruct((8, 128), jnp.float32),
            jax.ShapeDtypeStruct((8, 128), jnp.float32),
        ],
        interpret=interpret,
    )(uid, qt, r)



def _sc_stage(keys, users, wlut, meanq, zeroq, mostpop):
    mesh = plsc.VectorSubcoreMesh(core_axis_name="c", subcore_axis_name="s")

    @functools.partial(
        pl.kernel,
        mesh=mesh,
        compiler_params=pltpu.CompilerParams(needs_layout_passes=False,
                                             use_tc_tiling_on_sc=False),
        out_type=jax.ShapeDtypeStruct((Q, C), jnp.float32),
        scratch_types=[
            pltpu.VMEM((CH, L), jnp.int32),
            pltpu.VMEM((CH, L), jnp.int32),
            pltpu.VMEM((NW * BSTRIDE,), jnp.int32),
            pltpu.VMEM((2 * SLOT * L,), jnp.int32),
            pltpu.VMEM((2 * CAP * L,), jnp.int32),
            pltpu.VMEM((2 * SLOT * L,), jnp.int32),
            pltpu.VMEM((2 * SLOT * L,), jnp.int32),
            pltpu.VMEM((KNN, C), jnp.float32),
            pltpu.VMEM((BSTRIDE,), jnp.float32),
            pltpu.VMEM((Q,), jnp.float32),
            pltpu.VMEM((Q,), jnp.float32),
            pltpu.VMEM((L,), jnp.float32),
            pltpu.VMEM((L, C), jnp.float32),
            pltpu.VMEM((L, C), jnp.float32),
            pltpu.SemaphoreType.DMA,
            pltpu.SemaphoreType.DMA,
            pltpu.SemaphoreType.DMA,
        ],
    )
    def body(keys_hbm, users_hbm, wlut_hbm, meanq_hbm, zeroq_hbm, mp_hbm,
             out_hbm, buf0, buf1, hist, selbuf, candbuf, idxall, keyall, rows,
             wl, mqv, zqv, mpv, preda, predb, sem0, sem1, semg):
        def sload(ref, idx):
            v = plsc.load_gather(ref, [jnp.zeros((16,), jnp.int32) + idx])
            return v[0]

        wid = lax.axis_index("s") * 2 + lax.axis_index("c")
        col0 = wid * L
        lane = lax.iota(jnp.int32, 16)
        ones = jnp.ones((16,), jnp.int32)
        offa = lane * BSTRIDE
        offb = offa + L * BSTRIDE

        pltpu.sync_copy(wlut_hbm, wl)
        pltpu.sync_copy(meanq_hbm, mqv)
        pltpu.sync_copy(zeroq_hbm, zqv)
        pltpu.sync_copy(mp_hbm, mpv)

        def zinit(j, _):
            hist[pl.ds(j * 16, 16)] = jnp.zeros((16,), jnp.int32)
            return 0
        lax.fori_loop(0, NW * BSTRIDE // 16, zinit, 0)

        bufs = (buf0, buf1)
        sems = (sem0, sem1)

        def dma(c, b):
            return pltpu.make_async_copy(
                keys_hbm.at[pl.ds(c * CH, CH), pl.ds(col0, L)],
                bufs[b], sems[b])

        sc1 = jax.named_scope("p1_hist")
        sc1.__enter__()
        dma(0, 0).start()
        dma(1, 1).start()

        def hist_user(buf):
            @plsc.parallel_loop(0, CH, unroll=8)
            def _(j):
                k32 = buf[j]
                ka = k32 & 0x7FFF
                kb = lax.shift_right_logical(k32, 15)
                plsc.addupdate_scatter(hist, [offa + ka], ones)
                plsc.addupdate_scatter(hist, [offb + kb], ones)

        def hist_chunk(c2, _):
            for b in range(2):
                cc = c2 * 2 + b
                dma(cc, b).wait()
                hist_user(bufs[b])
                nxt = cc + 2

                @pl.when(nxt < NCH)
                def _():
                    dma(nxt, b).start()
            return 0
        lax.fori_loop(0, NCH // 2, hist_chunk, 0)
        sc1.__exit__(None, None, None)
        sc2 = jax.named_scope("p2_scan")
        sc2.__enter__()

        def scan_half(off):
            def sbody(b, st):
                cum, tt, cl, ca = st
                h = plsc.load_gather(hist, [off + b])
                ncum = cum + h
                newly = (tt < 0) & (ncum >= KNN)
                tt = jnp.where(newly, b, tt)
                cl = jnp.where(newly, cum, cl)
                ca = jnp.where(newly, ncum, ca)
                return (ncum, tt, cl, ca)
            z = jnp.zeros((16,), jnp.int32)
            _, tt, cl, ca = lax.fori_loop(0, NBINS, sbody,
                                          (z, z - 1, z, z))
            return tt, (KNN - cl), ca
        ta, ma, ca_a = scan_half(offa)
        tb, mb, ca_b = scan_half(offb)
        fits = (ca_a <= CAP) & (ca_b <= CAP)
        allok = lax.reduce_and(fits, (0,))
        nmax = lax.reduce_max(jnp.maximum(ca_a, ca_b), (0,))

        sc2.__exit__(None, None, None)
        sc3 = jax.named_scope("p3_select")
        sc3.__enter__()

        @pl.when(allok)
        def _cheap():
            dma(0, 0).start()
            dma(1, 1).start()

            def cand_users(buf, u0, st):
                @plsc.parallel_loop(0, CH, unroll=8, carry=st)
                def step(j, st):
                    pa, pb = st
                    k32 = buf[j]
                    u = u0 + j
                    ka = k32 & 0x7FFF
                    kb = lax.shift_right_logical(k32, 15)
                    fa = ka <= ta
                    fb = kb <= tb
                    plsc.store_scatter(candbuf, [pa],
                                       lax.shift_left(ka, 17) + u, mask=fa)
                    plsc.store_scatter(candbuf, [pb],
                                       lax.shift_left(kb, 17) + u, mask=fb)
                    return (pa + fa.astype(jnp.int32),
                            pb + fb.astype(jnp.int32))
                return step

            def cand_chunk(c2, st):
                for b in range(2):
                    cc = c2 * 2 + b
                    dma(cc, b).wait()
                    st = cand_users(bufs[b], cc * CH, st)
                    nxt = cc + 2

                    @pl.when(nxt < NCH)
                    def _():
                        dma(nxt, b).start()
                return st
            lax.fori_loop(0, NCH // 2, cand_chunk,
                          (lane * CAP, lane * CAP + L * CAP))

            def walk_half(base, tt, mm, cnt, pinit):
                def wbody(i, st):
                    ptr, ec = st
                    v = plsc.load_gather(candbuf, [base + i])
                    k = lax.shift_right_logical(v, 17)
                    valid = i < cnt
                    eq = (k == tt) & valid
                    sel = ((k < tt) & valid) | (eq & (ec < mm))
                    plsc.store_scatter(selbuf, [ptr], v, mask=sel)
                    return (ptr + sel.astype(jnp.int32),
                            ec + eq.astype(jnp.int32))
                lax.fori_loop(0, nmax, wbody,
                              (pinit, jnp.zeros((16,), jnp.int32)))
            walk_half(lane * CAP, ta, ma, ca_a, lane * SLOT)
            walk_half(lane * CAP + L * CAP, tb, mb, ca_b,
                      lane * SLOT + L * SLOT)

        def sel_users(buf, u0, st):
            @plsc.parallel_loop(0, CH, unroll=8, carry=st)
            def step(j, st):
                pa, pb, ea, eb = st
                k32 = buf[j]
                u = u0 + j
                ka = k32 & 0x7FFF
                kb = lax.shift_right_logical(k32, 15)
                eqa = ka == ta
                sela = (ka < ta) | (eqa & (ea < ma))
                eqb = kb == tb
                selb = (kb < tb) | (eqb & (eb < mb))
                pka = lax.shift_left(ka, 17) + u
                pkb = lax.shift_left(kb, 17) + u
                plsc.store_scatter(selbuf, [pa], pka, mask=sela)
                plsc.store_scatter(selbuf, [pb], pkb, mask=selb)
                pa = pa + sela.astype(jnp.int32)
                pb = pb + selb.astype(jnp.int32)
                ea = ea + eqa.astype(jnp.int32)
                eb = eb + eqb.astype(jnp.int32)
                return (pa, pb, ea, eb)
            return step

        def sel_chunk(c2, st):
            for b in range(2):
                cc = c2 * 2 + b
                dma(cc, b).wait()
                st = sel_users(bufs[b], cc * CH, st)
                nxt = cc + 2

                @pl.when(nxt < NCH)
                def _():
                    dma(nxt, b).start()
            return st

        @pl.when(jnp.logical_not(allok))
        def _full():
            dma(0, 0).start()
            dma(1, 1).start()
            z = jnp.zeros((16,), jnp.int32)
            lax.fori_loop(0, NCH // 2, sel_chunk,
                          (lane * SLOT, lane * SLOT + L * SLOT, z, z))

        sc3.__exit__(None, None, None)
        sc4 = jax.named_scope("p4_agg")
        sc4.__enter__()
        def unp(t, _):
            v = selbuf[pl.ds(t * 16, 16)]
            idxall[pl.ds(t * 16, 16)] = v & 0x1FFFF
            keyall[pl.ds(t * 16, 16)] = lax.shift_right_logical(v, 17)
            return 0
        lax.fori_loop(0, 2 * SLOT * L // 16, unp, 0)

        def aggregate(l, _):
            pltpu.async_copy(
                users_hbm.at[idxall.at[pl.ds(l * SLOT, KNN)]],
                rows, semg).wait()

            def nstep(n, st):
                acc, sumw = st
                row = rows[n]
                w = sload(wl, sload(keyall, l * SLOT + n))
                nm = jnp.sum(row) * (1.0 / 16.0)
                return (acc + w * (row - nm), sumw + w)
            acc, sumw = lax.fori_loop(
                0, KNN, nstep, (jnp.zeros((16,), jnp.float32),
                                jnp.float32(0.0)), unroll=5)

            qi = col0 + jnp.where(l < L, l, 512 - L + l)
            pred = sload(mqv, qi) + acc / sumw
            pred = jnp.clip(pred, 0.0, 5.0)
            pred = jnp.where(sload(zqv, qi) > 0.5, mpv[...], pred)
            ll = jnp.where(l < L, l, l - L)

            @pl.when(l < L)
            def _():
                plsc.store_scatter(preda, [jnp.full((16,), 0, jnp.int32) + ll,
                                           lane], pred)

            @pl.when(l >= L)
            def _():
                plsc.store_scatter(predb, [jnp.full((16,), 0, jnp.int32) + ll,
                                           lane], pred)
            return 0
        lax.fori_loop(0, 2 * L, aggregate, 0)

        pltpu.sync_copy(preda, out_hbm.at[pl.ds(col0, L), :])
        pltpu.sync_copy(predb, out_hbm.at[pl.ds(512 + col0, L), :])
        sc4.__exit__(None, None, None)

    return body(keys, users, wlut, meanq, zeroq, mostpop)



def kernel(input, users_matrix, user_id):
    qt = jnp.transpose(input)
    uid = jnp.asarray(user_id, jnp.int32).reshape(1)
    keys, aux, meanq, zeroq = _tc_keys(qt, users_matrix, uid)
    keys = lax.dynamic_update_slice(
        keys, jnp.full((1, 512), 402 + 402 * 32768, jnp.int32),
        (jnp.asarray(user_id, jnp.int32), jnp.int32(0)))
    wlut = jnp.concatenate([
        1.0 / (1.0 + jnp.sqrt(jnp.arange(401, dtype=jnp.float32))),
        jnp.array([-1000.0, -3000.0], jnp.float32),
        jnp.zeros((BSTRIDE - NBINS,), jnp.float32)])
    pred = _sc_stage(keys, users_matrix, wlut,
                     meanq.reshape(Q), zeroq.reshape(Q), aux[6, :16])
    return pred

# --- scband reference (transcript-rebuilt; emitter-appended) ---
"""Pipeline reference for scband-user-knnmodel-15676630630751 (READ-ONLY COPY).

The authoritative reference and input builder live on the scoring server;
editing this copy changes nothing except your own understanding.
"""

import jax, jax.numpy as jnp
import numpy as np

K_NEIGHBORS = 50
NUM_USERS = 100000
NUM_ITEMS = 16
NUM_QUERIES = 1024
MAX_RATING = 6


def setup_inputs(seed: int = 0) -> dict:
    key = jax.random.key(seed)
    k1, k2 = jax.random.split(key)
    users_matrix = jax.random.randint(k1, (NUM_USERS, NUM_ITEMS), 0, MAX_RATING).astype(jnp.float32)
    inp = jax.random.randint(k2, (NUM_QUERIES, NUM_ITEMS), 0, MAX_RATING).astype(jnp.float32)
    return {"input": inp, "users_matrix": users_matrix, "user_id": 0}


def _knn_predict(q, r, user_id):
    # masked euclidean distance over co-rated (both nonzero) items, computed
    # via matmul decomposition: mask = mq*mr, dist^2 = sum(mask*(q-r)^2)
    #   = q^2 @ mr.T - 2 q @ r.T + mq @ r^2.T   (since mq*q == q, mr*r == r)
    mq = (q != 0).astype(jnp.float32)
    mr = (r != 0).astype(jnp.float32)
    term1 = (q * q) @ mr.T
    term2 = q @ r.T
    term3 = mq @ (r * r).T
    sqdist = jnp.maximum(term1 - 2.0 * term2 + term3, 0.0)
    match_count = mq @ mr.T  # number of co-rated items per (query, user)
    safe = jnp.where(sqdist > 0, sqdist, 1.0)
    dist = jnp.where(sqdist > 0, jnp.sqrt(safe), 0.0)
    sim = jnp.where(match_count > 0, 1.0 / (1.0 + dist), -1000.0)
    sim = sim.at[:, user_id].set(-3000.0)
    # top-k most similar stored users
    w, idx = jax.lax.top_k(sim, K_NEIGHBORS)  # [Q, k]
    neigh = jnp.take(r, idx, axis=0)  # [Q, k, C] gather
    neigh_mean = jnp.mean(neigh, axis=2, keepdims=True)
    vals = w[:, :, None] * (neigh - neigh_mean)  # weighted mean-centered neighbors
    norm = 1.0 / jnp.sum(w, axis=1, keepdims=True)
    mean_user = jnp.mean(q, axis=1, keepdims=True)
    pred = jnp.clip(mean_user + norm * jnp.sum(vals, axis=1), 0.0, 5.0)
    # zero-vector fallback: per-column most common rating (Counter.most_common)
    vals_range = jnp.arange(MAX_RATING, dtype=jnp.float32)
    counts = (r[None, :, :] == vals_range[:, None, None]).sum(axis=1)  # [6, C]
    most_pop = jnp.argmax(counts, axis=0).astype(jnp.float32)  # [C]
    zero_row = jnp.all(q == 0, axis=1, keepdims=True)
    pred = jnp.where(zero_row, most_pop[None, :], pred)
    return pred


def reference(input, users_matrix, user_id):
    return _knn_predict(input, users_matrix, user_id)

if __name__ == "__main__":
    import jax
    _d = setup_inputs()
    print(jax.jit(kernel)(*tuple(_d.values())))

</pallas_src>

<mosaic_0001>
#map = affine_map<(d0, d1) -> (0, 0)>
#map1 = affine_map<(d0, d1) -> (0)>
module attributes {stable_mosaic.version = 14 : i64} {
  func.func @body(%arg0: i32, %arg1: i32, %arg2: memref<100000x512xi32, #tpu.memory_space<hbm>>, %arg3: memref<100000x16xf32, #tpu.memory_space<hbm>>, %arg4: memref<408xf32, #tpu.memory_space<hbm>>, %arg5: memref<1024xf32, #tpu.memory_space<hbm>>, %arg6: memref<1024xf32, #tpu.memory_space<hbm>>, %arg7: memref<16xf32, #tpu.memory_space<hbm>>, %arg8: memref<1024x16xf32, #tpu.memory_space<hbm>>, %arg9: memref<2000x16xi32, #tpu.memory_space<vmem>>, %arg10: memref<2000x16xi32, #tpu.memory_space<vmem>>, %arg11: memref<13056xi32, #tpu.memory_space<vmem>>, %arg12: memref<2048xi32, #tpu.memory_space<vmem>>, %arg13: memref<16384xi32, #tpu.memory_space<vmem>>, %arg14: memref<2048xi32, #tpu.memory_space<vmem>>, %arg15: memref<2048xi32, #tpu.memory_space<vmem>>, %arg16: memref<50x16xf32, #tpu.memory_space<vmem>>, %arg17: memref<408xf32, #tpu.memory_space<vmem>>, %arg18: memref<1024xf32, #tpu.memory_space<vmem>>, %arg19: memref<1024xf32, #tpu.memory_space<vmem>>, %arg20: memref<16xf32, #tpu.memory_space<vmem>>, %arg21: memref<16x16xf32, #tpu.memory_space<vmem>>, %arg22: memref<16x16xf32, #tpu.memory_space<vmem>>, %arg23: memref<!tpu.dma_semaphore, #tpu.memory_space<semaphore_mem>>, %arg24: memref<!tpu.dma_semaphore, #tpu.memory_space<semaphore_mem>>, %arg25: memref<!tpu.dma_semaphore, #tpu.memory_space<semaphore_mem>>) attributes {dimension_semantics = [#tpu.dimension_semantics<core_parallel>, #tpu.dimension_semantics<subcore_parallel>], iteration_bounds = array<i64: 2, 16>, scalar_prefetch = 0 : i64, scratch_operands = 17 : i64, tpu.core_type = #tpu.core_type<sc_vector_subcore>, window_params = [{transform_indices = #map}, {transform_indices = #map}, {transform_indices = #map1}, {transform_indices = #map1}, {transform_indices = #map1}, {transform_indices = #map1}, {transform_indices = #map}]} {
    %mul3A = arith.constant 2 : i32
    %mul3A_0 = arith.muli %arg1, %mul3A : i32
    %add3A = arith.addi %mul3A_0, %arg0 : i32
    %mul3A_1 = arith.constant 16 : i32
    %mul3A_2 = arith.muli %add3A, %mul3A_1 : i32
    %iota3A = tpu.iota {dimensions = array<i32: 0>} : vector<16xi32>
    %broadcast_in_dim3A = arith.constant 1 : i32
    %broadcast_in_dim3A_3 = vector.broadcast %broadcast_in_dim3A : i32 to vector<16xi32>
    %mul3A_4 = arith.constant 408 : i32
    %mul3A_5 = vector.broadcast %mul3A_4 : i32 to vector<16xi32>
    %mul3A_6 = arith.muli %iota3A, %mul3A_5 : vector<16xi32>
    %add3A_7 = arith.constant 6528 : i32
    %add3A_8 = vector.broadcast %add3A_7 : i32 to vector<16xi32>
    %add3A_9 = arith.addi %mul3A_6, %add3A_8 : vector<16xi32>
    "tpu.region"() ({
      %run_scoped3A = tpu.sem_alloc : memref<!tpu.dma_semaphore, #tpu.memory_space<semaphore_mem>>
      tpu.enqueue_dma source(%arg4 : memref<408xf32, #tpu.memory_space<hbm>>) target(%arg17 : memref<408xf32, #tpu.memory_space<vmem>>) target_semaphore(%run_scoped3A : memref<!tpu.dma_semaphore, #tpu.memory_space<semaphore_mem>>)
      tpu.wait_dma2 semaphore(%run_scoped3A : memref<!tpu.dma_semaphore, #tpu.memory_space<semaphore_mem>>) src(%arg4 : memref<408xf32, #tpu.memory_space<hbm>>) dst(%arg17 : memref<408xf32, #tpu.memory_space<vmem>>)
      tpu.yield
    }) : () -> ()
    "tpu.region"() ({
      %run_scoped3A = tpu.sem_alloc : memref<!tpu.dma_semaphore, #tpu.memory_space<semaphore_mem>>
      tpu.enqueue_dma source(%arg5 : memref<1024xf32, #tpu.memory_space<hbm>>) target(%arg18 : memref<1024xf32, #tpu.memory_space<vmem>>) target_semaphore(%run_scoped3A : memref<!tpu.dma_semaphore, #tpu.memory_space<semaphore_mem>>)
      tpu.wait_dma2 semaphore(%run_scoped3A : memref<!tpu.dma_semaphore, #tpu.memory_space<semaphore_mem>>) src(%arg5 : memref<1024xf32, #tpu.memory_space<hbm>>) dst(%arg18 : memref<1024xf32, #tpu.memory_space<vmem>>)
      tpu.yield
    }) : () -> ()
    "tpu.region"() ({
      %run_scoped3A = tpu.sem_alloc : memref<!tpu.dma_semaphore, #tpu.memory_space<semaphore_mem>>
      tpu.enqueue_dma source(%arg6 : memref<1024xf32, #tpu.memory_space<hbm>>) target(%arg19 : memref<1024xf32, #tpu.memory_space<vmem>>) target_semaphore(%run_scoped3A : memref<!tpu.dma_semaphore, #tpu.memory_space<semaphore_mem>>)
      tpu.wait_dma2 semaphore(%run_scoped3A : memref<!tpu.dma_semaphore, #tpu.memory_space<semaphore_mem>>) src(%arg6 : memref<1024xf32, #tpu.memory_space<hbm>>) dst(%arg19 : memref<1024xf32, #tpu.memory_space<vmem>>)
      tpu.yield
    }) : () -> ()
    "tpu.region"() ({
      %run_scoped3A = tpu.sem_alloc : memref<!tpu.dma_semaphore, #tpu.memory_space<semaphore_mem>>
      tpu.enqueue_dma source(%arg7 : memref<16xf32, #tpu.memory_space<hbm>>) target(%arg20 : memref<16xf32, #tpu.memory_space<vmem>>) target_semaphore(%run_scoped3A : memref<!tpu.dma_semaphore, #tpu.memory_space<semaphore_mem>>)
      tpu.wait_dma2 semaphore(%run_scoped3A : memref<!tpu.dma_semaphore, #tpu.memory_space<semaphore_mem>>) src(%arg7 : memref<16xf32, #tpu.memory_space<hbm>>) dst(%arg20 : memref<16xf32, #tpu.memory_space<vmem>>)
      tpu.yield
    }) : () -> ()
    %scan3A = arith.constant 0 : i32
    %scan3A_10 = arith.constant 0 : i32
    %scan3A_11 = arith.constant 816 : i32
    %scan3A_12 = arith.addi %scan3A_10, %scan3A_11 : i32
    %scan3A_13 = arith.constant 1 : i32
    %scan3A_14 = scf.for %scan3A_100 = %scan3A_10 to %scan3A_12 step %scan3A_13 iter_args(%scan3A_101 = %scan3A) -> (i32)  : i32 {
      %broadcast_in_dim3A_102 = arith.constant 0 : i32
      %broadcast_in_dim3A_103 = vector.broadcast %broadcast_in_dim3A_102 : i32 to vector<16xi32>
      %mul3A_104 = arith.constant 16 : i32
      %mul3A_105 = arith.muli %scan3A_100, %mul3A_104 : i32
      %swap3A = arith.index_cast %mul3A_105 : i32 to index
      %swap3A_106 = tpu.vector_load %arg11[%swap3A] {strides = array<i32>} : memref<13056xi32, #tpu.memory_space<vmem>>, vector<16xi32>,
      tpu.vector_store %arg11[%swap3A], %broadcast_in_dim3A_103 {strides = array<i32>} : memref<13056xi32, #tpu.memory_space<vmem>>, vector<16xi32>,
      %scan3A_107 = arith.constant 0 : i32
      scf.yield %scan3A_107 : i32
    }
    %scan3A_15 = arith.constant 816 : i32
    "tpu.trace_start"() <{level = 10 : i32, message = "p1_hist"}> : () -> ()
    %dma_start3A = arith.constant 0 : i32
    %dma_start3A_16 = tpu.memref_slice %arg2[%dma_start3A, %mul3A_2] : memref<100000x512xi32, #tpu.memory_space<hbm>> -> memref<2000x16xi32, #tpu.memory_space<hbm>>
    %dma_start3A_17 = arith.constant 0 : i32
    %dma_start3A_18 = tpu.memref_slice %arg2[%dma_start3A_17, %mul3A_2] : memref<100000x512xi32, #tpu.memory_space<hbm>> -> memref<2000x16xi32, #tpu.memory_space<hbm>>
    tpu.enqueue_dma source(%dma_start3A_18 : memref<2000x16xi32, #tpu.memory_space<hbm>>) target(%arg9 : memref<2000x16xi32, #tpu.memory_space<vmem>>) target_semaphore(%arg23 : memref<!tpu.dma_semaphore, #tpu.memory_space<semaphore_mem>>)
    %dma_start3A_19 = arith.constant 2000 : i32
    %dma_start3A_20 = tpu.memref_slice %arg2[%dma_start3A_19, %mul3A_2] : memref<100000x512xi32, #tpu.memory_space<hbm>> -> memref<2000x16xi32, #tpu.memory_space<hbm>>
    %dma_start3A_21 = arith.constant 2000 : i32
    %dma_start3A_22 = tpu.memref_slice %arg2[%dma_start3A_21, %mul3A_2] : memref<100000x512xi32, #tpu.memory_space<hbm>> -> memref<2000x16xi32, #tpu.memory_space<hbm>>
    tpu.enqueue_dma source(%dma_start3A_22 : memref<2000x16xi32, #tpu.memory_space<hbm>>) target(%arg10 : memref<2000x16xi32, #tpu.memory_space<vmem>>) target_semaphore(%arg24 : memref<!tpu.dma_semaphore, #tpu.memory_space<semaphore_mem>>)
    %scan3A_23 = arith.constant 0 : i32
    %scan3A_24 = arith.constant 0 : i32
    %scan3A_25 = arith.constant 25 : i32
    %scan3A_26 = arith.addi %scan3A_24, %scan3A_25 : i32
    %scan3A_27 = arith.constant 1 : i32
    %scan3A_28 = scf.for %scan3A_100 = %scan3A_24 to %scan3A_26 step %scan3A_27 iter_args(%scan3A_101 = %scan3A_23) -> (i32)  : i32 {
      %mul3A_102 = arith.constant 2 : i32
      %mul3A_103 = arith.muli %scan3A_100, %mul3A_102 : i32
      %add3A_104 = arith.constant 0 : i32
      %add3A_105 = arith.addi %mul3A_103, %add3A_104 : i32
      %mul3A_106 = arith.constant 2000 : i32
      %mul3A_107 = arith.muli %add3A_105, %mul3A_106 : i32
      %dma_wait3A = tpu.memref_slice %arg2[%mul3A_107, %mul3A_2] : memref<100000x512xi32, #tpu.memory_space<hbm>> -> memref<2000x16xi32, #tpu.memory_space<hbm>>
      %dma_wait3A_108 = tpu.memref_slice %arg2[%mul3A_107, %mul3A_2] : memref<100000x512xi32, #tpu.memory_space<hbm>> -> memref<2000x16xi32, #tpu.memory_space<hbm>>
      tpu.wait_dma2 semaphore(%arg23 : memref<!tpu.dma_semaphore, #tpu.memory_space<semaphore_mem>>) src(%dma_wait3A_108 : memref<2000x16xi32, #tpu.memory_space<hbm>>) dst(%arg9 : memref<2000x16xi32, #tpu.memory_space<vmem>>)
      %parallel_loop3A = arith.constant 0 : i32
      %parallel_loop3A_109 = arith.constant 2000 : i32
      %parallel_loop3A_110 = arith.constant 1 : i32
      scf.for %parallel_loop3A_136 = %parallel_loop3A to %parallel_loop3A_109 step %parallel_loop3A_110  : i32 {
        %parallel_loop3A_137 = arith.index_cast %parallel_loop3A_136 : i32 to index
        %parallel_loop3A_138 = arith.constant 0 : index
        %parallel_loop3A_139 = tpu.vector_load %arg9[%parallel_loop3A_137, %parallel_loop3A_138] {strides = array<i32>} : memref<2000x16xi32, #tpu.memory_space<vmem>>, vector<16xi32>,
        %parallel_loop3A_140 = arith.constant 32767 : i32
        %parallel_loop3A_141 = vector.broadcast %parallel_loop3A_140 : i32 to vector<16xi32>
        %parallel_loop3A_142 = arith.andi %parallel_loop3A_139, %parallel_loop3A_141 : vector<16xi32>
        %parallel_loop3A_143 = arith.constant 15 : i32
        %parallel_loop3A_144 = vector.broadcast %parallel_loop3A_143 : i32 to vector<16xi32>
        %parallel_loop3A_145 = arith.shrui %parallel_loop3A_139, %parallel_loop3A_144 : vector<16xi32>
        %parallel_loop3A_146 = arith.addi %mul3A_6, %parallel_loop3A_142 : vector<16xi32>
        tpu.vector_store_idx %arg11[%parallel_loop3A_146], %broadcast_in_dim3A_3 {add = true} : memref<13056xi32, #tpu.memory_space<vmem>>[vector<16xi32>], vector<16xi32>,
        %parallel_loop3A_147 = arith.addi %add3A_9, %parallel_loop3A_145 : vector<16xi32>
        tpu.vector_store_idx %arg11[%parallel_loop3A_147], %broadcast_in_dim3A_3 {add = true} : memref<13056xi32, #tpu.memory_space<vmem>>[vector<16xi32>], vector<16xi32>,
      } {sc.loop_unroll_factor = 8 : i64, sc.parallel_access}
      %add3A_111 = arith.constant 2 : i32
      %add3A_112 = arith.addi %add3A_105, %add3A_111 : i32
      %lt3A = arith.constant 50 : i32
      %lt3A_113 = arith.cmpi slt, %add3A_112, %lt3A : i32
      %convert_element_type3A_114 = arith.extui %lt3A_113 : i1 to i32
      %cond3A_115 = arith.constant 0 : i32
      %cond3A_116 = arith.cmpi ne, %convert_element_type3A_114, %cond3A_115 : i32
      scf.if %cond3A_116 {
        %mul3A_136 = arith.constant 2000 : i32
        %mul3A_137 = arith.muli %add3A_112, %mul3A_136 : i32
        %dma_start3A_138 = tpu.memref_slice %arg2[%mul3A_137, %mul3A_2] : memref<100000x512xi32, #tpu.memory_space<hbm>> -> memref<2000x16xi32, #tpu.memory_space<hbm>>
        %dma_start3A_139 = tpu.memref_slice %arg2[%mul3A_137, %mul3A_2] : memref<100000x512xi32, #tpu.memory_space<hbm>> -> memref<2000x16xi32, #tpu.memory_space<hbm>>
        tpu.enqueue_dma source(%dma_start3A_139 : memref<2000x16xi32, #tpu.memory_space<hbm>>) target(%arg9 : memref<2000x16xi32, #tpu.memory_space<vmem>>) target_semaphore(%arg23 : memref<!tpu.dma_semaphore, #tpu.memory_space<semaphore_mem>>)
      } else {
      }
      %mul3A_117 = arith.constant 2 : i32
      %mul3A_118 = arith.muli %scan3A_100, %mul3A_117 : i32
      %add3A_119 = arith.constant 1 : i32
      %add3A_120 = arith.addi %mul3A_118, %add3A_119 : i32
      %mul3A_121 = arith.constant 2000 : i32
      %mul3A_122 = arith.muli %add3A_120, %mul3A_121 : i32
      %dma_wait3A_123 = tpu.memref_slice %arg2[%mul3A_122, %mul3A_2] : memref<100000x512xi32, #tpu.memory_space<hbm>> -> memref<2000x16xi32, #tpu.memory_space<hbm>>
      %dma_wait3A_124 = tpu.memref_slice %arg2[%mul3A_122, %mul3A_2] : memref<100000x512xi32, #tpu.memory_space<hbm>> -> memref<2000x16xi32, #tpu.memory_space<hbm>>
      tpu.wait_dma2 semaphore(%arg24 : memref<!tpu.dma_semaphore, #tpu.memory_space<semaphore_mem>>) src(%dma_wait3A_124 : memref<2000x16xi32, #tpu.memory_space<hbm>>) dst(%arg10 : memref<2000x16xi32, #tpu.memory_space<vmem>>)
      %parallel_loop3A_125 = arith.constant 0 : i32
      %parallel_loop3A_126 = arith.constant 2000 : i32
      %parallel_loop3A_127 = arith.constant 1 : i32
      scf.for %parallel_loop3A_136 = %parallel_loop3A_125 to %parallel_loop3A_126 step %parallel_loop3A_127  : i32 {
        %parallel_loop3A_137 = arith.index_cast %parallel_loop3A_136 : i32 to index
        %parallel_loop3A_138 = arith.constant 0 : index
        %parallel_loop3A_139 = tpu.vector_load %arg10[%parallel_loop3A_137, %parallel_loop3A_138] {strides = array<i32>} : memref<2000x16xi32, #tpu.memory_space<vmem>>, vector<16xi32>,
        %parallel_loop3A_140 = arith.constant 32767 : i32
        %parallel_loop3A_141 = vector.broadcast %parallel_loop3A_140 : i32 to vector<16xi32>
        %parallel_loop3A_142 = arith.andi %parallel_loop3A_139, %parallel_loop3A_141 : vector<16xi32>
        %parallel_loop3A_143 = arith.constant 15 : i32
        %parallel_loop3A_144 = vector.broadcast %parallel_loop3A_143 : i32 to vector<16xi32>
        %parallel_loop3A_145 = arith.shrui %parallel_loop3A_139, %parallel_loop3A_144 : vector<16xi32>
        %parallel_loop3A_146 = arith.addi %mul3A_6, %parallel_loop3A_142 : vector<16xi32>
        tpu.vector_store_idx %arg11[%parallel_loop3A_146], %broadcast_in_dim3A_3 {add = true} : memref<13056xi32, #tpu.memory_space<vmem>>[vector<16xi32>], vector<16xi32>,
        %parallel_loop3A_147 = arith.addi %add3A_9, %parallel_loop3A_145 : vector<16xi32>
        tpu.vector_store_idx %arg11[%parallel_loop3A_147], %broadcast_in_dim3A_3 {add = true} : memref<13056xi32, #tpu.memory_space<vmem>>[vector<16xi32>], vector<16xi32>,
      } {sc.loop_unroll_factor = 8 : i64, sc.parallel_access}
      %add3A_128 = arith.constant 2 : i32
      %add3A_129 = arith.addi %add3A_120, %add3A_128 : i32
      %lt3A_130 = arith.constant 50 : i32
      %lt3A_131 = arith.cmpi slt, %add3A_129, %lt3A_130 : i32
      %convert_element_type3A_132 = arith.extui %lt3A_131 : i1 to i32
      %cond3A_133 = arith.constant 0 : i32
      %cond3A_134 = arith.cmpi ne, %convert_element_type3A_132, %cond3A_133 : i32
      scf.if %cond3A_134 {
        %mul3A_136 = arith.constant 2000 : i32
        %mul3A_137 = arith.muli %add3A_129, %mul3A_136 : i32
        %dma_start3A_138 = tpu.memref_slice %arg2[%mul3A_137, %mul3A_2] : memref<100000x512xi32, #tpu.memory_space<hbm>> -> memref<2000x16xi32, #tpu.memory_space<hbm>>
        %dma_start3A_139 = tpu.memref_slice %arg2[%mul3A_137, %mul3A_2] : memref<100000x512xi32, #tpu.memory_space<hbm>> -> memref<2000x16xi32, #tpu.memory_space<hbm>>
        tpu.enqueue_dma source(%dma_start3A_139 : memref<2000x16xi32, #tpu.memory_space<hbm>>) target(%arg10 : memref<2000x16xi32, #tpu.memory_space<vmem>>) target_semaphore(%arg24 : memref<!tpu.dma_semaphore, #tpu.memory_space<semaphore_mem>>)
      } else {
      }
      %scan3A_135 = arith.constant 0 : i32
      scf.yield %scan3A_135 : i32
    }
    %scan3A_29 = arith.constant 25 : i32
    %broadcast_in_dim3A_30 = arith.constant 0 : i32
    "tpu.trace_stop"() : () -> ()
    "tpu.trace_start"() <{level = 10 : i32, message = "p2_scan"}> : () -> ()
    %broadcast_in_dim3A_31 = vector.broadcast %broadcast_in_dim3A_30 : i32 to vector<16xi32>
    %sub3A = arith.constant 1 : i32
    %sub3A_32 = vector.broadcast %sub3A : i32 to vector<16xi32>
    %sub3A_33 = arith.subi %broadcast_in_dim3A_31, %sub3A_32 : vector<16xi32>
    %scan3A_34 = arith.constant 0 : i32
    %scan3A_35 = arith.constant 403 : i32
    %scan3A_36 = arith.addi %scan3A_34, %scan3A_35 : i32
    %scan3A_37 = arith.constant 1 : i32
    %scan3A_38:4 = scf.for %scan3A_100 = %scan3A_34 to %scan3A_36 step %scan3A_37 iter_args(%scan3A_101 = %broadcast_in_dim3A_31, %scan3A_102 = %sub3A_33, %scan3A_103 = %broadcast_in_dim3A_31, %scan3A_104 = %broadcast_in_dim3A_31) -> (vector<16xi32>, vector<16xi32>, vector<16xi32>, vector<16xi32>)  : i32 {
      %add3A_105 = vector.broadcast %scan3A_100 : i32 to vector<16xi32>
      %add3A_106 = arith.addi %mul3A_6, %add3A_105 : vector<16xi32>
      %gather3A = tpu.vector_load_idx %arg11[%add3A_106] : memref<13056xi32, #tpu.memory_space<vmem>>[vector<16xi32>], vector<16xi32>,
      %add3A_107 = arith.addi %scan3A_101, %gather3A : vector<16xi32>
      %lt3A = arith.constant 0 : i32
      %lt3A_108 = vector.broadcast %lt3A : i32 to vector<16xi32>
      %lt3A_109 = arith.cmpi slt, %scan3A_102, %lt3A_108 : vector<16xi32>
      %ge3A = arith.constant 50 : i32
      %ge3A_110 = vector.broadcast %ge3A : i32 to vector<16xi32>
      %ge3A_111 = arith.cmpi sge, %add3A_107, %ge3A_110 : vector<16xi32>
      %and3A_112 = arith.andi %lt3A_109, %ge3A_111 : vector<16xi1>
      %broadcast_in_dim3A_113 = vector.broadcast %scan3A_100 : i32 to vector<16xi32>
      %select_n3A = arith.select %and3A_112, %broadcast_in_dim3A_113, %scan3A_102 : vector<16xi1>, vector<16xi32>
      %select_n3A_114 = arith.select %and3A_112, %scan3A_101, %scan3A_103 : vector<16xi1>, vector<16xi32>
      %select_n3A_115 = arith.select %and3A_112, %add3A_107, %scan3A_104 : vector<16xi1>, vector<16xi32>
      scf.yield %add3A_107, %select_n3A, %select_n3A_114, %select_n3A_115 : vector<16xi32>, vector<16xi32>, vector<16xi32>, vector<16xi32>
    }
    %scan3A_39 = arith.constant 403 : i32
    %sub3A_40 = arith.constant 50 : i32
    %sub3A_41 = vector.broadcast %sub3A_40 : i32 to vector<16xi32>
    %sub3A_42 = arith.subi %sub3A_41, %scan3A_38#2 : vector<16xi32>
    %broadcast_in_dim3A_43 = arith.constant 0 : i32
    %broadcast_in_dim3A_44 = vector.broadcast %broadcast_in_dim3A_43 : i32 to vector<16xi32>
    %sub3A_45 = arith.constant 1 : i32
    %sub3A_46 = vector.broadcast %sub3A_45 : i32 to vector<16xi32>
    %sub3A_47 = arith.subi %broadcast_in_dim3A_44, %sub3A_46 : vector<16xi32>
    %scan3A_48 = arith.constant 0 : i32
    %scan3A_49 = arith.constant 403 : i32
    %scan3A_50 = arith.addi %scan3A_48, %scan3A_49 : i32
    %scan3A_51 = arith.constant 1 : i32
    %scan3A_52:4 = scf.for %scan3A_100 = %scan3A_48 to %scan3A_50 step %scan3A_51 iter_args(%scan3A_101 = %broadcast_in_dim3A_44, %scan3A_102 = %sub3A_47, %scan3A_103 = %broadcast_in_dim3A_44, %scan3A_104 = %broadcast_in_dim3A_44) -> (vector<16xi32>, vector<16xi32>, vector<16xi32>, vector<16xi32>)  : i32 {
      %add3A_105 = vector.broadcast %scan3A_100 : i32 to vector<16xi32>
      %add3A_106 = arith.addi %add3A_9, %add3A_105 : vector<16xi32>
      %gather3A = tpu.vector_load_idx %arg11[%add3A_106] : memref<13056xi32, #tpu.memory_space<vmem>>[vector<16xi32>], vector<16xi32>,
      %add3A_107 = arith.addi %scan3A_101, %gather3A : vector<16xi32>
      %lt3A = arith.constant 0 : i32
      %lt3A_108 = vector.broadcast %lt3A : i32 to vector<16xi32>
      %lt3A_109 = arith.cmpi slt, %scan3A_102, %lt3A_108 : vector<16xi32>
      %ge3A = arith.constant 50 : i32
      %ge3A_110 = vector.broadcast %ge3A : i32 to vector<16xi32>
      %ge3A_111 = arith.cmpi sge, %add3A_107, %ge3A_110 : vector<16xi32>
      %and3A_112 = arith.andi %lt3A_109, %ge3A_111 : vector<16xi1>
      %broadcast_in_dim3A_113 = vector.broadcast %scan3A_100 : i32 to vector<16xi32>
      %select_n3A = arith.select %and3A_112, %broadcast_in_dim3A_113, %scan3A_102 : vector<16xi1>, vector<16xi32>
      %select_n3A_114 = arith.select %and3A_112, %scan3A_101, %scan3A_103 : vector<16xi1>, vector<16xi32>
      %select_n3A_115 = arith.select %and3A_112, %add3A_107, %scan3A_104 : vector<16xi1>, vector<16xi32>
      scf.yield %add3A_107, %select_n3A, %select_n3A_114, %select_n3A_115 : vector<16xi32>, vector<16xi32>, vector<16xi32>, vector<16xi32>
    }
    %scan3A_53 = arith.constant 403 : i32
    %sub3A_54 = arith.constant 50 : i32
    %sub3A_55 = vector.broadcast %sub3A_54 : i32 to vector<16xi32>
    %sub3A_56 = arith.subi %sub3A_55, %scan3A_52#2 : vector<16xi32>
    %le3A = arith.constant 512 : i32
    %le3A_57 = vector.broadcast %le3A : i32 to vector<16xi32>
    %le3A_58 = arith.cmpi sle, %scan3A_38#3, %le3A_57 : vector<16xi32>
    %le3A_59 = arith.constant 512 : i32
    %le3A_60 = vector.broadcast %le3A_59 : i32 to vector<16xi32>
    %le3A_61 = arith.cmpi sle, %scan3A_52#3, %le3A_60 : vector<16xi32>
    %and3A = arith.andi %le3A_58, %le3A_61 : vector<16xi1>
    %reduce_and3A = arith.constant 1.000000e+00 : f32
    %reduce_and3A_62 = arith.constant 0.000000e+00 : f32
    %reduce_and3A_63 = vector.broadcast %reduce_and3A : f32 to vector<16xf32>
    %reduce_and3A_64 = vector.broadcast %reduce_and3A_62 : f32 to vector<16xf32>
    %reduce_and3A_65 = arith.select %and3A, %reduce_and3A_63, %reduce_and3A_64 : vector<16xi1>, vector<16xf32>
    %reduce_and3A_66 = arith.constant true
    %reduce_and3A_67 = vector.broadcast %reduce_and3A_66 : i1 to vector<16xi1>
    %reduce_and3A_68 = tpu.scan <min>, %reduce_and3A_65 masked %reduce_and3A_67 : vector<16xf32>, vector<16xi1> -> vector<16xf32>
    %reduce_and3A_69 = vector.extract %reduce_and3A_68[15] : f32 from vector<16xf32>
    %reduce_and3A_70 = arith.constant 0.000000e+00 : f32
    %reduce_and3A_71 = arith.cmpf ogt, %reduce_and3A_69, %reduce_and3A_70 : f32
    %max3A = arith.maxsi %scan3A_38#3, %scan3A_52#3 : vector<16xi32>
    %reduce_max3A = arith.constant true
    %reduce_max3A_72 = vector.broadcast %reduce_max3A : i1 to vector<16xi1>
    %reduce_max3A_73 = arith.constant -2147483648 : i32
    %reduce_max3A_74 = vector.broadcast %reduce_max3A_73 : i32 to vector<16xi32>
    %reduce_max3A_75 = arith.xori %max3A, %reduce_max3A_74 : vector<16xi32>
    %reduce_max3A_76 = tpu.scan <max>, %reduce_max3A_75 masked %reduce_max3A_72 : vector<16xi32>, vector<16xi1> -> vector<16xi32>
    %reduce_max3A_77 = arith.xori %reduce_max3A_76, %reduce_max3A_74 : vector<16xi32>
    %reduce_max3A_78 = vector.extract %reduce_max3A_77[15] : i32 from vector<16xi32>
    "tpu.trace_stop"() : () -> ()
    "tpu.trace_start"() <{level = 10 : i32, message = "p3_select"}> : () -> ()
    %convert_element_type3A = arith.extui %reduce_and3A_71 : i1 to i32
    %cond3A = arith.constant 0 : i32
    %cond3A_79 = arith.cmpi ne, %convert_element_type3A, %cond3A : i32
    scf.if %cond3A_79 {
      %dma_start3A_100 = arith.constant 0 : i32
      %dma_start3A_101 = tpu.memref_slice %arg2[%dma_start3A_100, %mul3A_2] : memref<100000x512xi32, #tpu.memory_space<hbm>> -> memref<2000x16xi32, #tpu.memory_space<hbm>>
      %dma_start3A_102 = arith.constant 0 : i32
      %dma_start3A_103 = tpu.memref_slice %arg2[%dma_start3A_102, %mul3A_2] : memref<100000x512xi32, #tpu.memory_space<hbm>> -> memref<2000x16xi32, #tpu.memory_space<hbm>>
      tpu.enqueue_dma source(%dma_start3A_103 : memref<2000x16xi32, #tpu.memory_space<hbm>>) target(%arg9 : memref<2000x16xi32, #tpu.memory_space<vmem>>) target_semaphore(%arg23 : memref<!tpu.dma_semaphore, #tpu.memory_space<semaphore_mem>>)
      %dma_start3A_104 = arith.constant 2000 : i32
      %dma_start3A_105 = tpu.memref_slice %arg2[%dma_start3A_104, %mul3A_2] : memref<100000x512xi32, #tpu.memory_space<hbm>> -> memref<2000x16xi32, #tpu.memory_space<hbm>>
      %dma_start3A_106 = arith.constant 2000 : i32
      %dma_start3A_107 = tpu.memref_slice %arg2[%dma_start3A_106, %mul3A_2] : memref<100000x512xi32, #tpu.memory_space<hbm>> -> memref<2000x16xi32, #tpu.memory_space<hbm>>
      tpu.enqueue_dma source(%dma_start3A_107 : memref<2000x16xi32, #tpu.memory_space<hbm>>) target(%arg10 : memref<2000x16xi32, #tpu.memory_space<vmem>>) target_semaphore(%arg24 : memref<!tpu.dma_semaphore, #tpu.memory_space<semaphore_mem>>)
      %mul3A_108 = arith.constant 512 : i32
      %mul3A_109 = vector.broadcast %mul3A_108 : i32 to vector<16xi32>
      %mul3A_110 = arith.muli %iota3A, %mul3A_109 : vector<16xi32>
      %mul3A_111 = arith.constant 512 : i32
      %mul3A_112 = vector.broadcast %mul3A_111 : i32 to vector<16xi32>
      %mul3A_113 = arith.muli %iota3A, %mul3A_112 : vector<16xi32>
      %add3A_114 = arith.constant 8192 : i32
      %add3A_115 = vector.broadcast %add3A_114 : i32 to vector<16xi32>
      %add3A_116 = arith.addi %mul3A_113, %add3A_115 : vector<16xi32>
      %scan3A_117 = arith.constant 0 : i32
      %scan3A_118 = arith.constant 25 : i32
      %scan3A_119 = arith.addi %scan3A_117, %scan3A_118 : i32
      %scan3A_120 = arith.constant 1 : i32
      %scan3A_121:2 = scf.for %scan3A_166 = %scan3A_117 to %scan3A_119 step %scan3A_120 iter_args(%scan3A_167 = %mul3A_110, %scan3A_168 = %add3A_116) -> (vector<16xi32>, vector<16xi32>)  : i32 {
        %mul3A_169 = arith.constant 2 : i32
        %mul3A_170 = arith.muli %scan3A_166, %mul3A_169 : i32
        %add3A_171 = arith.constant 0 : i32
        %add3A_172 = arith.addi %mul3A_170, %add3A_171 : i32
        %mul3A_173 = arith.constant 2000 : i32
        %mul3A_174 = arith.muli %add3A_172, %mul3A_173 : i32
        %dma_wait3A = tpu.memref_slice %arg2[%mul3A_174, %mul3A_2] : memref<100000x512xi32, #tpu.memory_space<hbm>> -> memref<2000x16xi32, #tpu.memory_space<hbm>>
        %dma_wait3A_175 = tpu.memref_slice %arg2[%mul3A_174, %mul3A_2] : memref<100000x512xi32, #tpu.memory_space<hbm>> -> memref<2000x16xi32, #tpu.memory_space<hbm>>
        tpu.wait_dma2 semaphore(%arg23 : memref<!tpu.dma_semaphore, #tpu.memory_space<semaphore_mem>>) src(%dma_wait3A_175 : memref<2000x16xi32, #tpu.memory_space<hbm>>) dst(%arg9 : memref<2000x16xi32, #tpu.memory_space<vmem>>)
        %mul3A_176 = arith.constant 2000 : i32
        %mul3A_177 = arith.muli %add3A_172, %mul3A_176 : i32
        %parallel_loop3A = arith.constant 0 : i32
        %parallel_loop3A_178 = arith.constant 2000 : i32
        %parallel_loop3A_179 = arith.constant 1 : i32
        %parallel_loop3A_180:2 = scf.for %parallel_loop3A_208 = %parallel_loop3A to %parallel_loop3A_178 step %parallel_loop3A_179 iter_args(%parallel_loop3A_209 = %scan3A_167, %parallel_loop3A_210 = %scan3A_168) -> (vector<16xi32>, vector<16xi32>)  : i32 {
          %parallel_loop3A_211 = arith.index_cast %parallel_loop3A_208 : i32 to index
          %parallel_loop3A_212 = arith.constant 0 : index
          %parallel_loop3A_213 = tpu.vector_load %arg9[%parallel_loop3A_211, %parallel_loop3A_212] {strides = array<i32>} : memref<2000x16xi32, #tpu.memory_space<vmem>>, vector<16xi32>,
          %parallel_loop3A_214 = arith.addi %mul3A_177, %parallel_loop3A_208 : i32
          %parallel_loop3A_215 = arith.constant 32767 : i32
          %parallel_loop3A_216 = vector.broadcast %parallel_loop3A_215 : i32 to vector<16xi32>
          %parallel_loop3A_217 = arith.andi %parallel_loop3A_213, %parallel_loop3A_216 : vector<16xi32>
          %parallel_loop3A_218 = arith.constant 15 : i32
          %parallel_loop3A_219 = vector.broadcast %parallel_loop3A_218 : i32 to vector<16xi32>
          %parallel_loop3A_220 = arith.shrui %parallel_loop3A_213, %parallel_loop3A_219 : vector<16xi32>
          %parallel_loop3A_221 = arith.cmpi sle, %parallel_loop3A_217, %scan3A_38#1 : vector<16xi32>
          %parallel_loop3A_222 = arith.cmpi sle, %parallel_loop3A_220, %scan3A_52#1 : vector<16xi32>
          %parallel_loop3A_223 = arith.constant 17 : i32
          %parallel_loop3A_224 = vector.broadcast %parallel_loop3A_223 : i32 to vector<16xi32>
          %parallel_loop3A_225 = arith.shli %parallel_loop3A_217, %parallel_loop3A_224 : vector<16xi32>
          %parallel_loop3A_226 = vector.broadcast %parallel_loop3A_214 : i32 to vector<16xi32>
          %parallel_loop3A_227 = arith.addi %parallel_loop3A_225, %parallel_loop3A_226 : vector<16xi32>
          tpu.vector_store_idx %arg13[%parallel_loop3A_209], %parallel_loop3A_227 masked %parallel_loop3A_221 : memref<16384xi32, #tpu.memory_space<vmem>>[vector<16xi32>], vector<16xi32>, vector<16xi1>
          %parallel_loop3A_228 = arith.constant 17 : i32
          %parallel_loop3A_229 = vector.broadcast %parallel_loop3A_228 : i32 to vector<16xi32>
          %parallel_loop3A_230 = arith.shli %parallel_loop3A_220, %parallel_loop3A_229 : vector<16xi32>
          %parallel_loop3A_231 = vector.broadcast %parallel_loop3A_214 : i32 to vector<16xi32>
          %parallel_loop3A_232 = arith.addi %parallel_loop3A_230, %parallel_loop3A_231 : vector<16xi32>
          tpu.vector_store_idx %arg13[%parallel_loop3A_210], %parallel_loop3A_232 masked %parallel_loop3A_222 : memref<16384xi32, #tpu.memory_space<vmem>>[vector<16xi32>], vector<16xi32>, vector<16xi1>
          %parallel_loop3A_233 = arith.extui %parallel_loop3A_221 : vector<16xi1> to vector<16xi32>
          %parallel_loop3A_234 = arith.addi %parallel_loop3A_209, %parallel_loop3A_233 : vector<16xi32>
          %parallel_loop3A_235 = arith.extui %parallel_loop3A_222 : vector<16xi1> to vector<16xi32>
          %parallel_loop3A_236 = arith.addi %parallel_loop3A_210, %parallel_loop3A_235 : vector<16xi32>
          scf.yield %parallel_loop3A_234, %parallel_loop3A_236 : vector<16xi32>, vector<16xi32>
        } {sc.loop_unroll_factor = 8 : i64, sc.parallel_access}
        %add3A_181 = arith.constant 2 : i32
        %add3A_182 = arith.addi %add3A_172, %add3A_181 : i32
        %lt3A = arith.constant 50 : i32
        %lt3A_183 = arith.cmpi slt, %add3A_182, %lt3A : i32
        %convert_element_type3A_184 = arith.extui %lt3A_183 : i1 to i32
        %cond3A_185 = arith.constant 0 : i32
        %cond3A_186 = arith.cmpi ne, %convert_element_type3A_184, %cond3A_185 : i32
        scf.if %cond3A_186 {
          %mul3A_208 = arith.constant 2000 : i32
          %mul3A_209 = arith.muli %add3A_182, %mul3A_208 : i32
          %dma_start3A_210 = tpu.memref_slice %arg2[%mul3A_209, %mul3A_2] : memref<100000x512xi32, #tpu.memory_space<hbm>> -> memref<2000x16xi32, #tpu.memory_space<hbm>>
          %dma_start3A_211 = tpu.memref_slice %arg2[%mul3A_209, %mul3A_2] : memref<100000x512xi32, #tpu.memory_space<hbm>> -> memref<2000x16xi32, #tpu.memory_space<hbm>>
          tpu.enqueue_dma source(%dma_start3A_211 : memref<2000x16xi32, #tpu.memory_space<hbm>>) target(%arg9 : memref<2000x16xi32, #tpu.memory_space<vmem>>) target_semaphore(%arg23 : memref<!tpu.dma_semaphore, #tpu.memory_space<semaphore_mem>>)
        } else {
        }
        %mul3A_187 = arith.constant 2 : i32
        %mul3A_188 = arith.muli %scan3A_166, %mul3A_187 : i32
        %add3A_189 = arith.constant 1 : i32
        %add3A_190 = arith.addi %mul3A_188, %add3A_189 : i32
        %mul3A_191 = arith.constant 2000 : i32
        %mul3A_192 = arith.muli %add3A_190, %mul3A_191 : i32
        %dma_wait3A_193 = tpu.memref_slice %arg2[%mul3A_192, %mul3A_2] : memref<100000x512xi32, #tpu.memory_space<hbm>> -> memref<2000x16xi32, #tpu.memory_space<hbm>>
        %dma_wait3A_194 = tpu.memref_slice %arg2[%mul3A_192, %mul3A_2] : memref<100000x512xi32, #tpu.memory_space<hbm>> -> memref<2000x16xi32, #tpu.memory_space<hbm>>
        tpu.wait_dma2 semaphore(%arg24 : memref<!tpu.dma_semaphore, #tpu.memory_space<semaphore_mem>>) src(%dma_wait3A_194 : memref<2000x16xi32, #tpu.memory_space<hbm>>) dst(%arg10 : memref<2000x16xi32, #tpu.memory_space<vmem>>)
        %mul3A_195 = arith.constant 2000 : i32
        %mul3A_196 = arith.muli %add3A_190, %mul3A_195 : i32
        %parallel_loop3A_197 = arith.constant 0 : i32
        %parallel_loop3A_198 = arith.constant 2000 : i32
        %parallel_loop3A_199 = arith.constant 1 : i32
        %parallel_loop3A_200:2 = scf.for %parallel_loop3A_208 = %parallel_loop3A_197 to %parallel_loop3A_198 step %parallel_loop3A_199 iter_args(%parallel_loop3A_209 = %parallel_loop3A_180#0, %parallel_loop3A_210 = %parallel_loop3A_180#1) -> (vector<16xi32>, vector<16xi32>)  : i32 {
          %parallel_loop3A_211 = arith.index_cast %parallel_loop3A_208 : i32 to index
          %parallel_loop3A_212 = arith.constant 0 : index
          %parallel_loop3A_213 = tpu.vector_load %arg10[%parallel_loop3A_211, %parallel_loop3A_212] {strides = array<i32>} : memref<2000x16xi32, #tpu.memory_space<vmem>>, vector<16xi32>,
          %parallel_loop3A_214 = arith.addi %mul3A_196, %parallel_loop3A_208 : i32
          %parallel_loop3A_215 = arith.constant 32767 : i32
          %parallel_loop3A_216 = vector.broadcast %parallel_loop3A_215 : i32 to vector<16xi32>
          %parallel_loop3A_217 = arith.andi %parallel_loop3A_213, %parallel_loop3A_216 : vector<16xi32>
          %parallel_loop3A_218 = arith.constant 15 : i32
          %parallel_loop3A_219 = vector.broadcast %parallel_loop3A_218 : i32 to vector<16xi32>
          %parallel_loop3A_220 = arith.shrui %parallel_loop3A_213, %parallel_loop3A_219 : vector<16xi32>
          %parallel_loop3A_221 = arith.cmpi sle, %parallel_loop3A_217, %scan3A_38#1 : vector<16xi32>
          %parallel_loop3A_222 = arith.cmpi sle, %parallel_loop3A_220, %scan3A_52#1 : vector<16xi32>
          %parallel_loop3A_223 = arith.constant 17 : i32
          %parallel_loop3A_224 = vector.broadcast %parallel_loop3A_223 : i32 to vector<16xi32>
          %parallel_loop3A_225 = arith.shli %parallel_loop3A_217, %parallel_loop3A_224 : vector<16xi32>
          %parallel_loop3A_226 = vector.broadcast %parallel_loop3A_214 : i32 to vector<16xi32>
          %parallel_loop3A_227 = arith.addi %parallel_loop3A_225, %parallel_loop3A_226 : vector<16xi32>
          tpu.vector_store_idx %arg13[%parallel_loop3A_209], %parallel_loop3A_227 masked %parallel_loop3A_221 : memref<16384xi32, #tpu.memory_space<vmem>>[vector<16xi32>], vector<16xi32>, vector<16xi1>
          %parallel_loop3A_228 = arith.constant 17 : i32
          %parallel_loop3A_229 = vector.broadcast %parallel_loop3A_228 : i32 to vector<16xi32>
          %parallel_loop3A_230 = arith.shli %parallel_loop3A_220, %parallel_loop3A_229 : vector<16xi32>
          %parallel_loop3A_231 = vector.broadcast %parallel_loop3A_214 : i32 to vector<16xi32>
          %parallel_loop3A_232 = arith.addi %parallel_loop3A_230, %parallel_loop3A_231 : vector<16xi32>
          tpu.vector_store_idx %arg13[%parallel_loop3A_210], %parallel_loop3A_232 masked %parallel_loop3A_222 : memref<16384xi32, #tpu.memory_space<vmem>>[vector<16xi32>], vector<16xi32>, vector<16xi1>
          %parallel_loop3A_233 = arith.extui %parallel_loop3A_221 : vector<16xi1> to vector<16xi32>
          %parallel_loop3A_234 = arith.addi %parallel_loop3A_209, %parallel_loop3A_233 : vector<16xi32>
          %parallel_loop3A_235 = arith.extui %parallel_loop3A_222 : vector<16xi1> to vector<16xi32>
          %parallel_loop3A_236 = arith.addi %parallel_loop3A_210, %parallel_loop3A_235 : vector<16xi32>
          scf.yield %parallel_loop3A_234, %parallel_loop3A_236 : vector<16xi32>, vector<16xi32>
        } {sc.loop_unroll_factor = 8 : i64, sc.parallel_access}
        %add3A_201 = arith.constant 2 : i32
        %add3A_202 = arith.addi %add3A_190, %add3A_201 : i32
        %lt3A_203 = arith.constant 50 : i32
        %lt3A_204 = arith.cmpi slt, %add3A_202, %lt3A_203 : i32
        %convert_element_type3A_205 = arith.extui %lt3A_204 : i1 to i32
        %cond3A_206 = arith.constant 0 : i32
        %cond3A_207 = arith.cmpi ne, %convert_element_type3A_205, %cond3A_206 : i32
        scf.if %cond3A_207 {
          %mul3A_208 = arith.constant 2000 : i32
          %mul3A_209 = arith.muli %add3A_202, %mul3A_208 : i32
          %dma_start3A_210 = tpu.memref_slice %arg2[%mul3A_209, %mul3A_2] : memref<100000x512xi32, #tpu.memory_space<hbm>> -> memref<2000x16xi32, #tpu.memory_space<hbm>>
          %dma_start3A_211 = tpu.memref_slice %arg2[%mul3A_209, %mul3A_2] : memref<100000x512xi32, #tpu.memory_space<hbm>> -> memref<2000x16xi32, #tpu.memory_space<hbm>>
          tpu.enqueue_dma source(%dma_start3A_211 : memref<2000x16xi32, #tpu.memory_space<hbm>>) target(%arg10 : memref<2000x16xi32, #tpu.memory_space<vmem>>) target_semaphore(%arg24 : memref<!tpu.dma_semaphore, #tpu.memory_space<semaphore_mem>>)
        } else {
        }
        scf.yield %parallel_loop3A_200#0, %parallel_loop3A_200#1 : vector<16xi32>, vector<16xi32>
      }
      %scan3A_122 = arith.constant 25 : i32
      %mul3A_123 = arith.constant 512 : i32
      %mul3A_124 = vector.broadcast %mul3A_123 : i32 to vector<16xi32>
      %mul3A_125 = arith.muli %iota3A, %mul3A_124 : vector<16xi32>
      %mul3A_126 = arith.constant 64 : i32
      %mul3A_127 = vector.broadcast %mul3A_126 : i32 to vector<16xi32>
      %mul3A_128 = arith.muli %iota3A, %mul3A_127 : vector<16xi32>
      %broadcast_in_dim3A_129 = arith.constant 0 : i32
      %broadcast_in_dim3A_130 = vector.broadcast %broadcast_in_dim3A_129 : i32 to vector<16xi32>
      %while3A = arith.constant 0 : i32
      %while3A_131 = arith.subi %reduce_max3A_78, %while3A : i32
      %while3A_132 = arith.addi %while3A, %while3A_131 : i32
      %while3A_133 = arith.constant 1 : i32
      %while3A_134 = arith.divsi %while3A_131, %while3A_133 : i32
      %while3A_135 = arith.muli %while3A_134, %while3A_133 : i32
      %while3A_136 = arith.addi %while3A, %while3A_135 : i32
      %while3A_137 = arith.constant 1 : i32
      %while3A_138:2 = scf.for %while3A_166 = %while3A to %while3A_136 step %while3A_137 iter_args(%while3A_167 = %mul3A_128, %while3A_168 = %broadcast_in_dim3A_130) -> (vector<16xi32>, vector<16xi32>)  : i32 {
        %add3A_169 = vector.broadcast %while3A_166 : i32 to vector<16xi32>
        %add3A_170 = arith.addi %mul3A_125, %add3A_169 : vector<16xi32>
        %gather3A = tpu.vector_load_idx %arg13[%add3A_170] : memref<16384xi32, #tpu.memory_space<vmem>>[vector<16xi32>], vector<16xi32>,
        %shift_right_logical3A = arith.constant 17 : i32
        %shift_right_logical3A_171 = vector.broadcast %shift_right_logical3A : i32 to vector<16xi32>
        %shift_right_logical3A_172 = arith.shrui %gather3A, %shift_right_logical3A_171 : vector<16xi32>
        %lt3A = vector.broadcast %while3A_166 : i32 to vector<16xi32>
        %lt3A_173 = arith.cmpi slt, %lt3A, %scan3A_38#3 : vector<16xi32>
        %eq3A = arith.cmpi eq, %shift_right_logical3A_172, %scan3A_38#1 : vector<16xi32>
        %and3A_174 = arith.andi %eq3A, %lt3A_173 : vector<16xi1>
        %lt3A_175 = arith.cmpi slt, %shift_right_logical3A_172, %scan3A_38#1 : vector<16xi32>
        %and3A_176 = arith.andi %lt3A_175, %lt3A_173 : vector<16xi1>
        %lt3A_177 = arith.cmpi slt, %while3A_168, %sub3A_42 : vector<16xi32>
        %and3A_178 = arith.andi %and3A_174, %lt3A_177 : vector<16xi1>
        %or3A = arith.ori %and3A_176, %and3A_178 : vector<16xi1>
        tpu.vector_store_idx %arg12[%while3A_167], %gather3A masked %or3A : memref<2048xi32, #tpu.memory_space<vmem>>[vector<16xi32>], vector<16xi32>, vector<16xi1>
        %convert_element_type3A_179 = arith.extui %or3A : vector<16xi1> to vector<16xi32>
        %add3A_180 = arith.addi %while3A_167, %convert_element_type3A_179 : vector<16xi32>
        %convert_element_type3A_181 = arith.extui %and3A_174 : vector<16xi1> to vector<16xi32>
        %add3A_182 = arith.addi %while3A_168, %convert_element_type3A_181 : vector<16xi32>
        scf.yield %add3A_180, %add3A_182 : vector<16xi32>, vector<16xi32>
      }
      %while3A_139 = arith.constant 1 : i32
      %while3A_140:2 = scf.for %while3A_166 = %while3A_136 to %while3A_132 step %while3A_139 iter_args(%while3A_167 = %while3A_138#0, %while3A_168 = %while3A_138#1) -> (vector<16xi32>, vector<16xi32>)  : i32 {
        %add3A_169 = vector.broadcast %while3A_166 : i32 to vector<16xi32>
        %add3A_170 = arith.addi %mul3A_125, %add3A_169 : vector<16xi32>
        %gather3A = tpu.vector_load_idx %arg13[%add3A_170] : memref<16384xi32, #tpu.memory_space<vmem>>[vector<16xi32>], vector<16xi32>,
        %shift_right_logical3A = arith.constant 17 : i32
        %shift_right_logical3A_171 = vector.broadcast %shift_right_logical3A : i32 to vector<16xi32>
        %shift_right_logical3A_172 = arith.shrui %gather3A, %shift_right_logical3A_171 : vector<16xi32>
        %lt3A = vector.broadcast %while3A_166 : i32 to vector<16xi32>
        %lt3A_173 = arith.cmpi slt, %lt3A, %scan3A_38#3 : vector<16xi32>
        %eq3A = arith.cmpi eq, %shift_right_logical3A_172, %scan3A_38#1 : vector<16xi32>
        %and3A_174 = arith.andi %eq3A, %lt3A_173 : vector<16xi1>
        %lt3A_175 = arith.cmpi slt, %shift_right_logical3A_172, %scan3A_38#1 : vector<16xi32>
        %and3A_176 = arith.andi %lt3A_175, %lt3A_173 : vector<16xi1>
        %lt3A_177 = arith.cmpi slt, %while3A_168, %sub3A_42 : vector<16xi32>
        %and3A_178 = arith.andi %and3A_174, %lt3A_177 : vector<16xi1>
        %or3A = arith.ori %and3A_176, %and3A_178 : vector<16xi1>
        tpu.vector_store_idx %arg12[%while3A_167], %gather3A masked %or3A : memref<2048xi32, #tpu.memory_space<vmem>>[vector<16xi32>], vector<16xi32>, vector<16xi1>
        %convert_element_type3A_179 = arith.extui %or3A : vector<16xi1> to vector<16xi32>
        %add3A_180 = arith.addi %while3A_167, %convert_element_type3A_179 : vector<16xi32>
        %convert_element_type3A_181 = arith.extui %and3A_174 : vector<16xi1> to vector<16xi32>
        %add3A_182 = arith.addi %while3A_168, %convert_element_type3A_181 : vector<16xi32>
        scf.yield %add3A_180, %add3A_182 : vector<16xi32>, vector<16xi32>
      }
      %mul3A_141 = arith.constant 512 : i32
      %mul3A_142 = vector.broadcast %mul3A_141 : i32 to vector<16xi32>
      %mul3A_143 = arith.muli %iota3A, %mul3A_142 : vector<16xi32>
      %add3A_144 = arith.constant 8192 : i32
      %add3A_145 = vector.broadcast %add3A_144 : i32 to vector<16xi32>
      %add3A_146 = arith.addi %mul3A_143, %add3A_145 : vector<16xi32>
      %mul3A_147 = arith.constant 64 : i32
      %mul3A_148 = vector.broadcast %mul3A_147 : i32 to vector<16xi32>
      %mul3A_149 = arith.muli %iota3A, %mul3A_148 : vector<16xi32>
      %add3A_150 = arith.constant 1024 : i32
      %add3A_151 = vector.broadcast %add3A_150 : i32 to vector<16xi32>
      %add3A_152 = arith.addi %mul3A_149, %add3A_151 : vector<16xi32>
      %broadcast_in_dim3A_153 = arith.constant 0 : i32
      %broadcast_in_dim3A_154 = vector.broadcast %broadcast_in_dim3A_153 : i32 to vector<16xi32>
      %while3A_155 = arith.constant 0 : i32
      %while3A_156 = arith.subi %reduce_max3A_78, %while3A_155 : i32
      %while3A_157 = arith.addi %while3A_155, %while3A_156 : i32
      %while3A_158 = arith.constant 1 : i32
      %while3A_159 = arith.divsi %while3A_156, %while3A_158 : i32
      %while3A_160 = arith.muli %while3A_159, %while3A_158 : i32
      %while3A_161 = arith.addi %while3A_155, %while3A_160 : i32
      %while3A_162 = arith.constant 1 : i32
      %while3A_163:2 = scf.for %while3A_166 = %while3A_155 to %while3A_161 step %while3A_162 iter_args(%while3A_167 = %add3A_152, %while3A_168 = %broadcast_in_dim3A_154) -> (vector<16xi32>, vector<16xi32>)  : i32 {
        %add3A_169 = vector.broadcast %while3A_166 : i32 to vector<16xi32>
        %add3A_170 = arith.addi %add3A_146, %add3A_169 : vector<16xi32>
        %gather3A = tpu.vector_load_idx %arg13[%add3A_170] : memref<16384xi32, #tpu.memory_space<vmem>>[vector<16xi32>], vector<16xi32>,
        %shift_right_logical3A = arith.constant 17 : i32
        %shift_right_logical3A_171 = vector.broadcast %shift_right_logical3A : i32 to vector<16xi32>
        %shift_right_logical3A_172 = arith.shrui %gather3A, %shift_right_logical3A_171 : vector<16xi32>
        %lt3A = vector.broadcast %while3A_166 : i32 to vector<16xi32>
        %lt3A_173 = arith.cmpi slt, %lt3A, %scan3A_52#3 : vector<16xi32>
        %eq3A = arith.cmpi eq, %shift_right_logical3A_172, %scan3A_52#1 : vector<16xi32>
        %and3A_174 = arith.andi %eq3A, %lt3A_173 : vector<16xi1>
        %lt3A_175 = arith.cmpi slt, %shift_right_logical3A_172, %scan3A_52#1 : vector<16xi32>
        %and3A_176 = arith.andi %lt3A_175, %lt3A_173 : vector<16xi1>
        %lt3A_177 = arith.cmpi slt, %while3A_168, %sub3A_56 : vector<16xi32>
        %and3A_178 = arith.andi %and3A_174, %lt3A_177 : vector<16xi1>
        %or3A = arith.ori %and3A_176, %and3A_178 : vector<16xi1>
        tpu.vector_store_idx %arg12[%while3A_167], %gather3A masked %or3A : memref<2048xi32, #tpu.memory_space<vmem>>[vector<16xi32>], vector<16xi32>, vector<16xi1>
        %convert_element_type3A_179 = arith.extui %or3A : vector<16xi1> to vector<16xi32>
        %add3A_180 = arith.addi %while3A_167, %convert_element_type3A_179 : vector<16xi32>
        %convert_element_type3A_181 = arith.extui %and3A_174 : vector<16xi1> to vector<16xi32>
        %add3A_182 = arith.addi %while3A_168, %convert_element_type3A_181 : vector<16xi32>
        scf.yield %add3A_180, %add3A_182 : vector<16xi32>, vector<16xi32>
      }
      %while3A_164 = arith.constant 1 : i32
      %while3A_165:2 = scf.for %while3A_166 = %while3A_161 to %while3A_157 step %while3A_164 iter_args(%while3A_167 = %while3A_163#0, %while3A_168 = %while3A_163#1) -> (vector<16xi32>, vector<16xi32>)  : i32 {
        %add3A_169 = vector.broadcast %while3A_166 : i32 to vector<16xi32>
        %add3A_170 = arith.addi %add3A_146, %add3A_169 : vector<16xi32>
        %gather3A = tpu.vector_load_idx %arg13[%add3A_170] : memref<16384xi32, #tpu.memory_space<vmem>>[vector<16xi32>], vector<16xi32>,
        %shift_right_logical3A = arith.constant 17 : i32
        %shift_right_logical3A_171 = vector.broadcast %shift_right_logical3A : i32 to vector<16xi32>
        %shift_right_logical3A_172 = arith.shrui %gather3A, %shift_right_logical3A_171 : vector<16xi32>
        %lt3A = vector.broadcast %while3A_166 : i32 to vector<16xi32>
        %lt3A_173 = arith.cmpi slt, %lt3A, %scan3A_52#3 : vector<16xi32>
        %eq3A = arith.cmpi eq, %shift_right_logical3A_172, %scan3A_52#1 : vector<16xi32>
        %and3A_174 = arith.andi %eq3A, %lt3A_173 : vector<16xi1>
        %lt3A_175 = arith.cmpi slt, %shift_right_logical3A_172, %scan3A_52#1 : vector<16xi32>
        %and3A_176 = arith.andi %lt3A_175, %lt3A_173 : vector<16xi1>
        %lt3A_177 = arith.cmpi slt, %while3A_168, %sub3A_56 : vector<16xi32>
        %and3A_178 = arith.andi %and3A_174, %lt3A_177 : vector<16xi1>
        %or3A = arith.ori %and3A_176, %and3A_178 : vector<16xi1>
        tpu.vector_store_idx %arg12[%while3A_167], %gather3A masked %or3A : memref<2048xi32, #tpu.memory_space<vmem>>[vector<16xi32>], vector<16xi32>, vector<16xi1>
        %convert_element_type3A_179 = arith.extui %or3A : vector<16xi1> to vector<16xi32>
        %add3A_180 = arith.addi %while3A_167, %convert_element_type3A_179 : vector<16xi32>
        %convert_element_type3A_181 = arith.extui %and3A_174 : vector<16xi1> to vector<16xi32>
        %add3A_182 = arith.addi %while3A_168, %convert_element_type3A_181 : vector<16xi32>
        scf.yield %add3A_180, %add3A_182 : vector<16xi32>, vector<16xi32>
      }
    } else {
    }
    %not3A = arith.constant true
    %not3A_80 = arith.xori %reduce_and3A_71, %not3A : i1
    %convert_element_type3A_81 = arith.extui %not3A_80 : i1 to i32
    %cond3A_82 = arith.constant 0 : i32
    %cond3A_83 = arith.cmpi ne, %convert_element_type3A_81, %cond3A_82 : i32
    scf.if %cond3A_83 {
      %dma_start3A_100 = arith.constant 0 : i32
      %dma_start3A_101 = tpu.memref_slice %arg2[%dma_start3A_100, %mul3A_2] : memref<100000x512xi32, #tpu.memory_space<hbm>> -> memref<2000x16xi32, #tpu.memory_space<hbm>>
      %dma_start3A_102 = arith.constant 0 : i32
      %dma_start3A_103 = tpu.memref_slice %arg2[%dma_start3A_102, %mul3A_2] : memref<100000x512xi32, #tpu.memory_space<hbm>> -> memref<2000x16xi32, #tpu.memory_space<hbm>>
      tpu.enqueue_dma source(%dma_start3A_103 : memref<2000x16xi32, #tpu.memory_space<hbm>>) target(%arg9 : memref<2000x16xi32, #tpu.memory_space<vmem>>) target_semaphore(%arg23 : memref<!tpu.dma_semaphore, #tpu.memory_space<semaphore_mem>>)
      %dma_start3A_104 = arith.constant 2000 : i32
      %dma_start3A_105 = tpu.memref_slice %arg2[%dma_start3A_104, %mul3A_2] : memref<100000x512xi32, #tpu.memory_space<hbm>> -> memref<2000x16xi32, #tpu.memory_space<hbm>>
      %dma_start3A_106 = arith.constant 2000 : i32
      %dma_start3A_107 = tpu.memref_slice %arg2[%dma_start3A_106, %mul3A_2] : memref<100000x512xi32, #tpu.memory_space<hbm>> -> memref<2000x16xi32, #tpu.memory_space<hbm>>
      tpu.enqueue_dma source(%dma_start3A_107 : memref<2000x16xi32, #tpu.memory_space<hbm>>) target(%arg10 : memref<2000x16xi32, #tpu.memory_space<vmem>>) target_semaphore(%arg24 : memref<!tpu.dma_semaphore, #tpu.memory_space<semaphore_mem>>)
      %broadcast_in_dim3A_108 = arith.constant 0 : i32
      %broadcast_in_dim3A_109 = vector.broadcast %broadcast_in_dim3A_108 : i32 to vector<16xi32>
      %mul3A_110 = arith.constant 64 : i32
      %mul3A_111 = vector.broadcast %mul3A_110 : i32 to vector<16xi32>
      %mul3A_112 = arith.muli %iota3A, %mul3A_111 : vector<16xi32>
      %mul3A_113 = arith.constant 64 : i32
      %mul3A_114 = vector.broadcast %mul3A_113 : i32 to vector<16xi32>
      %mul3A_115 = arith.muli %iota3A, %mul3A_114 : vector<16xi32>
      %add3A_116 = arith.constant 1024 : i32
      %add3A_117 = vector.broadcast %add3A_116 : i32 to vector<16xi32>
      %add3A_118 = arith.addi %mul3A_115, %add3A_117 : vector<16xi32>
      %scan3A_119 = arith.constant 0 : i32
      %scan3A_120 = arith.constant 25 : i32
      %scan3A_121 = arith.addi %scan3A_119, %scan3A_120 : i32
      %scan3A_122 = arith.constant 1 : i32
      %scan3A_123:4 = scf.for %scan3A_125 = %scan3A_119 to %scan3A_121 step %scan3A_122 iter_args(%scan3A_126 = %mul3A_112, %scan3A_127 = %add3A_118, %scan3A_128 = %broadcast_in_dim3A_109, %scan3A_129 = %broadcast_in_dim3A_109) -> (vector<16xi32>, vector<16xi32>, vector<16xi32>, vector<16xi32>)  : i32 {
        %mul3A_130 = arith.constant 2 : i32
        %mul3A_131 = arith.muli %scan3A_125, %mul3A_130 : i32
        %add3A_132 = arith.constant 0 : i32
        %add3A_133 = arith.addi %mul3A_131, %add3A_132 : i32
        %mul3A_134 = arith.constant 2000 : i32
        %mul3A_135 = arith.muli %add3A_133, %mul3A_134 : i32
        %dma_wait3A = tpu.memref_slice %arg2[%mul3A_135, %mul3A_2] : memref<100000x512xi32, #tpu.memory_space<hbm>> -> memref<2000x16xi32, #tpu.memory_space<hbm>>
        %dma_wait3A_136 = tpu.memref_slice %arg2[%mul3A_135, %mul3A_2] : memref<100000x512xi32, #tpu.memory_space<hbm>> -> memref<2000x16xi32, #tpu.memory_space<hbm>>
        tpu.wait_dma2 semaphore(%arg23 : memref<!tpu.dma_semaphore, #tpu.memory_space<semaphore_mem>>) src(%dma_wait3A_136 : memref<2000x16xi32, #tpu.memory_space<hbm>>) dst(%arg9 : memref<2000x16xi32, #tpu.memory_space<vmem>>)
        %mul3A_137 = arith.constant 2000 : i32
        %mul3A_138 = arith.muli %add3A_133, %mul3A_137 : i32
        %parallel_loop3A = arith.constant 0 : i32
        %parallel_loop3A_139 = arith.constant 2000 : i32
        %parallel_loop3A_140 = arith.constant 1 : i32
        %parallel_loop3A_141:4 = scf.for %parallel_loop3A_169 = %parallel_loop3A to %parallel_loop3A_139 step %parallel_loop3A_140 iter_args(%parallel_loop3A_170 = %scan3A_126, %parallel_loop3A_171 = %scan3A_127, %parallel_loop3A_172 = %scan3A_128, %parallel_loop3A_173 = %scan3A_129) -> (vector<16xi32>, vector<16xi32>, vector<16xi32>, vector<16xi32>)  : i32 {
          %parallel_loop3A_174 = arith.index_cast %parallel_loop3A_169 : i32 to index
          %parallel_loop3A_175 = arith.constant 0 : index
          %parallel_loop3A_176 = tpu.vector_load %arg9[%parallel_loop3A_174, %parallel_loop3A_175] {strides = array<i32>} : memref<2000x16xi32, #tpu.memory_space<vmem>>, vector<16xi32>,
          %parallel_loop3A_177 = arith.addi %mul3A_138, %parallel_loop3A_169 : i32
          %parallel_loop3A_178 = arith.constant 32767 : i32
          %parallel_loop3A_179 = vector.broadcast %parallel_loop3A_178 : i32 to vector<16xi32>
          %parallel_loop3A_180 = arith.andi %parallel_loop3A_176, %parallel_loop3A_179 : vector<16xi32>
          %parallel_loop3A_181 = arith.constant 15 : i32
          %parallel_loop3A_182 = vector.broadcast %parallel_loop3A_181 : i32 to vector<16xi32>
          %parallel_loop3A_183 = arith.shrui %parallel_loop3A_176, %parallel_loop3A_182 : vector<16xi32>
          %parallel_loop3A_184 = arith.cmpi eq, %parallel_loop3A_180, %scan3A_38#1 : vector<16xi32>
          %parallel_loop3A_185 = arith.cmpi slt, %parallel_loop3A_180, %scan3A_38#1 : vector<16xi32>
          %parallel_loop3A_186 = arith.cmpi slt, %parallel_loop3A_172, %sub3A_42 : vector<16xi32>
          %parallel_loop3A_187 = arith.andi %parallel_loop3A_184, %parallel_loop3A_186 : vector<16xi1>
          %parallel_loop3A_188 = arith.ori %parallel_loop3A_185, %parallel_loop3A_187 : vector<16xi1>
          %parallel_loop3A_189 = arith.cmpi eq, %parallel_loop3A_183, %scan3A_52#1 : vector<16xi32>
          %parallel_loop3A_190 = arith.cmpi slt, %parallel_loop3A_183, %scan3A_52#1 : vector<16xi32>
          %parallel_loop3A_191 = arith.cmpi slt, %parallel_loop3A_173, %sub3A_56 : vector<16xi32>
          %parallel_loop3A_192 = arith.andi %parallel_loop3A_189, %parallel_loop3A_191 : vector<16xi1>
          %parallel_loop3A_193 = arith.ori %parallel_loop3A_190, %parallel_loop3A_192 : vector<16xi1>
          %parallel_loop3A_194 = arith.constant 17 : i32
          %parallel_loop3A_195 = vector.broadcast %parallel_loop3A_194 : i32 to vector<16xi32>
          %parallel_loop3A_196 = arith.shli %parallel_loop3A_180, %parallel_loop3A_195 : vector<16xi32>
          %parallel_loop3A_197 = vector.broadcast %parallel_loop3A_177 : i32 to vector<16xi32>
          %parallel_loop3A_198 = arith.addi %parallel_loop3A_196, %parallel_loop3A_197 : vector<16xi32>
          %parallel_loop3A_199 = arith.constant 17 : i32
          %parallel_loop3A_200 = vector.broadcast %parallel_loop3A_199 : i32 to vector<16xi32>
          %parallel_loop3A_201 = arith.shli %parallel_loop3A_183, %parallel_loop3A_200 : vector<16xi32>
          %parallel_loop3A_202 = vector.broadcast %parallel_loop3A_177 : i32 to vector<16xi32>
          %parallel_loop3A_203 = arith.addi %parallel_loop3A_201, %parallel_loop3A_202 : vector<16xi32>
          tpu.vector_store_idx %arg12[%parallel_loop3A_170], %parallel_loop3A_198 masked %parallel_loop3A_188 : memref<2048xi32, #tpu.memory_space<vmem>>[vector<16xi32>], vector<16xi32>, vector<16xi1>
          tpu.vector_store_idx %arg12[%parallel_loop3A_171], %parallel_loop3A_203 masked %parallel_loop3A_193 : memref<2048xi32, #tpu.memory_space<vmem>>[vector<16xi32>], vector<16xi32>, vector<16xi1>
          %parallel_loop3A_204 = arith.extui %parallel_loop3A_188 : vector<16xi1> to vector<16xi32>
          %parallel_loop3A_205 = arith.addi %parallel_loop3A_170, %parallel_loop3A_204 : vector<16xi32>
          %parallel_loop3A_206 = arith.extui %parallel_loop3A_193 : vector<16xi1> to vector<16xi32>
          %parallel_loop3A_207 = arith.addi %parallel_loop3A_171, %parallel_loop3A_206 : vector<16xi32>
          %parallel_loop3A_208 = arith.extui %parallel_loop3A_184 : vector<16xi1> to vector<16xi32>
          %parallel_loop3A_209 = arith.addi %parallel_loop3A_172, %parallel_loop3A_208 : vector<16xi32>
          %parallel_loop3A_210 = arith.extui %parallel_loop3A_189 : vector<16xi1> to vector<16xi32>
          %parallel_loop3A_211 = arith.addi %parallel_loop3A_173, %parallel_loop3A_210 : vector<16xi32>
          scf.yield %parallel_loop3A_205, %parallel_loop3A_207, %parallel_loop3A_209, %parallel_loop3A_211 : vector<16xi32>, vector<16xi32>, vector<16xi32>, vector<16xi32>
        } {sc.loop_unroll_factor = 8 : i64, sc.parallel_access}
        %add3A_142 = arith.constant 2 : i32
        %add3A_143 = arith.addi %add3A_133, %add3A_142 : i32
        %lt3A = arith.constant 50 : i32
        %lt3A_144 = arith.cmpi slt, %add3A_143, %lt3A : i32
        %convert_element_type3A_145 = arith.extui %lt3A_144 : i1 to i32
        %cond3A_146 = arith.constant 0 : i32
        %cond3A_147 = arith.cmpi ne, %convert_element_type3A_145, %cond3A_146 : i32
        scf.if %cond3A_147 {
          %mul3A_169 = arith.constant 2000 : i32
          %mul3A_170 = arith.muli %add3A_143, %mul3A_169 : i32
          %dma_start3A_171 = tpu.memref_slice %arg2[%mul3A_170, %mul3A_2] : memref<100000x512xi32, #tpu.memory_space<hbm>> -> memref<2000x16xi32, #tpu.memory_space<hbm>>
          %dma_start3A_172 = tpu.memref_slice %arg2[%mul3A_170, %mul3A_2] : memref<100000x512xi32, #tpu.memory_space<hbm>> -> memref<2000x16xi32, #tpu.memory_space<hbm>>
          tpu.enqueue_dma source(%dma_start3A_172 : memref<2000x16xi32, #tpu.memory_space<hbm>>) target(%arg9 : memref<2000x16xi32, #tpu.memory_space<vmem>>) target_semaphore(%arg23 : memref<!tpu.dma_semaphore, #tpu.memory_space<semaphore_mem>>)
        } else {
        }
        %mul3A_148 = arith.constant 2 : i32
        %mul3A_149 = arith.muli %scan3A_125, %mul3A_148 : i32
        %add3A_150 = arith.constant 1 : i32
        %add3A_151 = arith.addi %mul3A_149, %add3A_150 : i32
        %mul3A_152 = arith.constant 2000 : i32
        %mul3A_153 = arith.muli %add3A_151, %mul3A_152 : i32
        %dma_wait3A_154 = tpu.memref_slice %arg2[%mul3A_153, %mul3A_2] : memref<100000x512xi32, #tpu.memory_space<hbm>> -> memref<2000x16xi32, #tpu.memory_space<hbm>>
        %dma_wait3A_155 = tpu.memref_slice %arg2[%mul3A_153, %mul3A_2] : memref<100000x512xi32, #tpu.memory_space<hbm>> -> memref<2000x16xi32, #tpu.memory_space<hbm>>
        tpu.wait_dma2 semaphore(%arg24 : memref<!tpu.dma_semaphore, #tpu.memory_space<semaphore_mem>>) src(%dma_wait3A_155 : memref<2000x16xi32, #tpu.memory_space<hbm>>) dst(%arg10 : memref<2000x16xi32, #tpu.memory_space<vmem>>)
        %mul3A_156 = arith.constant 2000 : i32
        %mul3A_157 = arith.muli %add3A_151, %mul3A_156 : i32
        %parallel_loop3A_158 = arith.constant 0 : i32
        %parallel_loop3A_159 = arith.constant 2000 : i32
        %parallel_loop3A_160 = arith.constant 1 : i32
        %parallel_loop3A_161:4 = scf.for %parallel_loop3A_169 = %parallel_loop3A_158 to %parallel_loop3A_159 step %parallel_loop3A_160 iter_args(%parallel_loop3A_170 = %parallel_loop3A_141#0, %parallel_loop3A_171 = %parallel_loop3A_141#1, %parallel_loop3A_172 = %parallel_loop3A_141#2, %parallel_loop3A_173 = %parallel_loop3A_141#3) -> (vector<16xi32>, vector<16xi32>, vector<16xi32>, vector<16xi32>)  : i32 {
          %parallel_loop3A_174 = arith.index_cast %parallel_loop3A_169 : i32 to index
          %parallel_loop3A_175 = arith.constant 0 : index
          %parallel_loop3A_176 = tpu.vector_load %arg10[%parallel_loop3A_174, %parallel_loop3A_175] {strides = array<i32>} : memref<2000x16xi32, #tpu.memory_space<vmem>>, vector<16xi32>,
          %parallel_loop3A_177 = arith.addi %mul3A_157, %parallel_loop3A_169 : i32
          %parallel_loop3A_178 = arith.constant 32767 : i32
          %parallel_loop3A_179 = vector.broadcast %parallel_loop3A_178 : i32 to vector<16xi32>
          %parallel_loop3A_180 = arith.andi %parallel_loop3A_176, %parallel_loop3A_179 : vector<16xi32>
          %parallel_loop3A_181 = arith.constant 15 : i32
          %parallel_loop3A_182 = vector.broadcast %parallel_loop3A_181 : i32 to vector<16xi32>
          %parallel_loop3A_183 = arith.shrui %parallel_loop3A_176, %parallel_loop3A_182 : vector<16xi32>
          %parallel_loop3A_184 = arith.cmpi eq, %parallel_loop3A_180, %scan3A_38#1 : vector<16xi32>
          %parallel_loop3A_185 = arith.cmpi slt, %parallel_loop3A_180, %scan3A_38#1 : vector<16xi32>
          %parallel_loop3A_186 = arith.cmpi slt, %parallel_loop3A_172, %sub3A_42 : vector<16xi32>
          %parallel_loop3A_187 = arith.andi %parallel_loop3A_184, %parallel_loop3A_186 : vector<16xi1>
          %parallel_loop3A_188 = arith.ori %parallel_loop3A_185, %parallel_loop3A_187 : vector<16xi1>
          %parallel_loop3A_189 = arith.cmpi eq, %parallel_loop3A_183, %scan3A_52#1 : vector<16xi32>
          %parallel_loop3A_190 = arith.cmpi slt, %parallel_loop3A_183, %scan3A_52#1 : vector<16xi32>
          %parallel_loop3A_191 = arith.cmpi slt, %parallel_loop3A_173, %sub3A_56 : vector<16xi32>
          %parallel_loop3A_192 = arith.andi %parallel_loop3A_189, %parallel_loop3A_191 : vector<16xi1>
          %parallel_loop3A_193 = arith.ori %parallel_loop3A_190, %parallel_loop3A_192 : vector<16xi1>
          %parallel_loop3A_194 = arith.constant 17 : i32
          %parallel_loop3A_195 = vector.broadcast %parallel_loop3A_194 : i32 to vector<16xi32>
          %parallel_loop3A_196 = arith.shli %parallel_loop3A_180, %parallel_loop3A_195 : vector<16xi32>
          %parallel_loop3A_197 = vector.broadcast %parallel_loop3A_177 : i32 to vector<16xi32>
          %parallel_loop3A_198 = arith.addi %parallel_loop3A_196, %parallel_loop3A_197 : vector<16xi32>
          %parallel_loop3A_199 = arith.constant 17 : i32
          %parallel_loop3A_200 = vector.broadcast %parallel_loop3A_199 : i32 to vector<16xi32>
          %parallel_loop3A_201 = arith.shli %parallel_loop3A_183, %parallel_loop3A_200 : vector<16xi32>
          %parallel_loop3A_202 = vector.broadcast %parallel_loop3A_177 : i32 to vector<16xi32>
          %parallel_loop3A_203 = arith.addi %parallel_loop3A_201, %parallel_loop3A_202 : vector<16xi32>
          tpu.vector_store_idx %arg12[%parallel_loop3A_170], %parallel_loop3A_198 masked %parallel_loop3A_188 : memref<2048xi32, #tpu.memory_space<vmem>>[vector<16xi32>], vector<16xi32>, vector<16xi1>
          tpu.vector_store_idx %arg12[%parallel_loop3A_171], %parallel_loop3A_203 masked %parallel_loop3A_193 : memref<2048xi32, #tpu.memory_space<vmem>>[vector<16xi32>], vector<16xi32>, vector<16xi1>
          %parallel_loop3A_204 = arith.extui %parallel_loop3A_188 : vector<16xi1> to vector<16xi32>
          %parallel_loop3A_205 = arith.addi %parallel_loop3A_170, %parallel_loop3A_204 : vector<16xi32>
          %parallel_loop3A_206 = arith.extui %parallel_loop3A_193 : vector<16xi1> to vector<16xi32>
          %parallel_loop3A_207 = arith.addi %parallel_loop3A_171, %parallel_loop3A_206 : vector<16xi32>
          %parallel_loop3A_208 = arith.extui %parallel_loop3A_184 : vector<16xi1> to vector<16xi32>
          %parallel_loop3A_209 = arith.addi %parallel_loop3A_172, %parallel_loop3A_208 : vector<16xi32>
          %parallel_loop3A_210 = arith.extui %parallel_loop3A_189 : vector<16xi1> to vector<16xi32>
          %parallel_loop3A_211 = arith.addi %parallel_loop3A_173, %parallel_loop3A_210 : vector<16xi32>
          scf.yield %parallel_loop3A_205, %parallel_loop3A_207, %parallel_loop3A_209, %parallel_loop3A_211 : vector<16xi32>, vector<16xi32>, vector<16xi32>, vector<16xi32>
        } {sc.loop_unroll_factor = 8 : i64, sc.parallel_access}
        %add3A_162 = arith.constant 2 : i32
        %add3A_163 = arith.addi %add3A_151, %add3A_162 : i32
        %lt3A_164 = arith.constant 50 : i32
        %lt3A_165 = arith.cmpi slt, %add3A_163, %lt3A_164 : i32
        %convert_element_type3A_166 = arith.extui %lt3A_165 : i1 to i32
        %cond3A_167 = arith.constant 0 : i32
        %cond3A_168 = arith.cmpi ne, %convert_element_type3A_166, %cond3A_167 : i32
        scf.if %cond3A_168 {
          %mul3A_169 = arith.constant 2000 : i32
          %mul3A_170 = arith.muli %add3A_163, %mul3A_169 : i32
          %dma_start3A_171 = tpu.memref_slice %arg2[%mul3A_170, %mul3A_2] : memref<100000x512xi32, #tpu.memory_space<hbm>> -> memref<2000x16xi32, #tpu.memory_space<hbm>>
          %dma_start3A_172 = tpu.memref_slice %arg2[%mul3A_170, %mul3A_2] : memref<100000x512xi32, #tpu.memory_space<hbm>> -> memref<2000x16xi32, #tpu.memory_space<hbm>>
          tpu.enqueue_dma source(%dma_start3A_172 : memref<2000x16xi32, #tpu.memory_space<hbm>>) target(%arg10 : memref<2000x16xi32, #tpu.memory_space<vmem>>) target_semaphore(%arg24 : memref<!tpu.dma_semaphore, #tpu.memory_space<semaphore_mem>>)
        } else {
        }
        scf.yield %parallel_loop3A_161#0, %parallel_loop3A_161#1, %parallel_loop3A_161#2, %parallel_loop3A_161#3 : vector<16xi32>, vector<16xi32>, vector<16xi32>, vector<16xi32>
      }
      %scan3A_124 = arith.constant 25 : i32
    } else {
    }
    "tpu.trace_stop"() : () -> ()
    "tpu.trace_start"() <{level = 10 : i32, message = "p4_agg"}> : () -> ()
    %scan3A_84 = arith.constant 0 : i32
    %scan3A_85 = arith.constant 0 : i32
    %scan3A_86 = arith.constant 128 : i32
    %scan3A_87 = arith.addi %scan3A_85, %scan3A_86 : i32
    %scan3A_88 = arith.constant 1 : i32
    %scan3A_89 = scf.for %scan3A_100 = %scan3A_85 to %scan3A_87 step %scan3A_88 iter_args(%scan3A_101 = %scan3A_84) -> (i32)  : i32 {
      %mul3A_102 = arith.constant 16 : i32
      %mul3A_103 = arith.muli %scan3A_100, %mul3A_102 : i32
      %get3A = arith.index_cast %mul3A_103 : i32 to index
      %get3A_104 = tpu.vector_load %arg12[%get3A] {strides = array<i32>} : memref<2048xi32, #tpu.memory_space<vmem>>, vector<16xi32>,
      %and3A_105 = arith.constant 131071 : i32
      %and3A_106 = vector.broadcast %and3A_105 : i32 to vector<16xi32>
      %and3A_107 = arith.andi %get3A_104, %and3A_106 : vector<16xi32>
      %mul3A_108 = arith.constant 16 : i32
      %mul3A_109 = arith.muli %scan3A_100, %mul3A_108 : i32
      %swap3A = arith.index_cast %mul3A_109 : i32 to index
      %swap3A_110 = tpu.vector_load %arg14[%swap3A] {strides = array<i32>} : memref<2048xi32, #tpu.memory_space<vmem>>, vector<16xi32>,
      tpu.vector_store %arg14[%swap3A], %and3A_107 {strides = array<i32>} : memref<2048xi32, #tpu.memory_space<vmem>>, vector<16xi32>,
      %shift_right_logical3A = arith.constant 17 : i32
      %shift_right_logical3A_111 = vector.broadcast %shift_right_logical3A : i32 to vector<16xi32>
      %shift_right_logical3A_112 = arith.shrui %get3A_104, %shift_right_logical3A_111 : vector<16xi32>
      %mul3A_113 = arith.constant 16 : i32
      %mul3A_114 = arith.muli %scan3A_100, %mul3A_113 : i32
      %swap3A_115 = arith.index_cast %mul3A_114 : i32 to index
      %swap3A_116 = tpu.vector_load %arg15[%swap3A_115] {strides = array<i32>} : memref<2048xi32, #tpu.memory_space<vmem>>, vector<16xi32>,
      tpu.vector_store %arg15[%swap3A_115], %shift_right_logical3A_112 {strides = array<i32>} : memref<2048xi32, #tpu.memory_space<vmem>>, vector<16xi32>,
      %scan3A_117 = arith.constant 0 : i32
      scf.yield %scan3A_117 : i32
    }
    %scan3A_90 = arith.constant 128 : i32
    %scan3A_91 = arith.constant 0 : i32
    %scan3A_92 = arith.constant 0 : i32
    %scan3A_93 = arith.constant 32 : i32
    %scan3A_94 = arith.addi %scan3A_92, %scan3A_93 : i32
    %scan3A_95 = arith.constant 1 : i32
    %scan3A_96 = scf.for %scan3A_100 = %scan3A_92 to %scan3A_94 step %scan3A_95 iter_args(%scan3A_101 = %scan3A_91) -> (i32)  : i32 {
      %mul3A_102 = arith.constant 64 : i32
      %mul3A_103 = arith.muli %scan3A_100, %mul3A_102 : i32
      %dma_start3A_104 = tpu.memref_slice %arg14[%mul3A_103] : memref<2048xi32, #tpu.memory_space<vmem>> -> memref<50xi32, #tpu.memory_space<vmem>>
      %dma_start3A_105 = arith.constant 0 : i32
      %dma_start3A_106 = arith.constant 0 : i32
      %dma_start3A_107 = tpu.memref_slice %arg3[%dma_start3A_105, %dma_start3A_106] : memref<100000x16xf32, #tpu.memory_space<hbm>> -> memref<100000x16xf32, #tpu.memory_space<hbm>>
      tpu.enqueue_indirect_dma source(%dma_start3A_107 : memref<100000x16xf32, #tpu.memory_space<hbm>>) target(%arg16 : memref<50x16xf32, #tpu.memory_space<vmem>>) offsets(%dma_start3A_104 : memref<50xi32, #tpu.memory_space<vmem>>) semaphore(%arg25 : memref<!tpu.dma_semaphore, #tpu.memory_space<semaphore_mem>>)
      %dma_wait3A = tpu.memref_slice %arg14[%mul3A_103] : memref<2048xi32, #tpu.memory_space<vmem>> -> memref<50xi32, #tpu.memory_space<vmem>>
      %dma_wait3A_108 = arith.constant 0 : i32
      %dma_wait3A_109 = arith.constant 0 : i32
      %dma_wait3A_110 = tpu.memref_slice %arg3[%dma_wait3A_108, %dma_wait3A_109] : memref<100000x16xf32, #tpu.memory_space<hbm>> -> memref<100000x16xf32, #tpu.memory_space<hbm>>
      tpu.wait_indirect_dma semaphore(%arg25 : memref<!tpu.dma_semaphore, #tpu.memory_space<semaphore_mem>>) src(%dma_wait3A_110 : memref<100000x16xf32, #tpu.memory_space<hbm>>) dst(%arg16 : memref<50x16xf32, #tpu.memory_space<vmem>>)
      %broadcast_in_dim3A_111 = arith.constant 0.000000e+00 : f32
      %broadcast_in_dim3A_112 = vector.broadcast %broadcast_in_dim3A_111 : f32 to vector<16xf32>
      %scan3A_113 = arith.constant 0.000000e+00 : f32
      %scan3A_114 = arith.constant 0 : i32
      %scan3A_115 = arith.constant 50 : i32
      %scan3A_116 = arith.addi %scan3A_114, %scan3A_115 : i32
      %scan3A_117 = arith.constant 5 : i32
      %scan3A_118:2 = scf.for %scan3A_160 = %scan3A_114 to %scan3A_116 step %scan3A_117 iter_args(%scan3A_161 = %broadcast_in_dim3A_112, %scan3A_162 = %scan3A_113) -> (vector<16xf32>, f32)  : i32 {
        %get3A_163 = arith.index_cast %scan3A_160 : i32 to index
        %get3A_164 = arith.constant 0 : index
        %get3A_165 = tpu.vector_load %arg16[%get3A_163, %get3A_164] {strides = array<i32>} : memref<50x16xf32, #tpu.memory_space<vmem>>, vector<16xf32>,
        %mul3A_166 = arith.constant 64 : i32
        %mul3A_167 = arith.muli %scan3A_100, %mul3A_166 : i32
        %add3A_168 = arith.addi %mul3A_167, %scan3A_160 : i32
        %broadcast_in_dim3A_169 = arith.constant 0 : i32
        %broadcast_in_dim3A_170 = vector.broadcast %broadcast_in_dim3A_169 : i32 to vector<16xi32>
        %add3A_171 = vector.broadcast %add3A_168 : i32 to vector<16xi32>
        %add3A_172 = arith.addi %broadcast_in_dim3A_170, %add3A_171 : vector<16xi32>
        %gather3A_173 = tpu.vector_load_idx %arg15[%add3A_172] : memref<2048xi32, #tpu.memory_space<vmem>>[vector<16xi32>], vector<16xi32>,
        %slice3A_174 = vector.extract_strided_slice %gather3A_173 {offsets = [0], sizes = [1], strides = [1]} : vector<16xi32> to vector<1xi32>
        %squeeze3A_175 = vector.extract %slice3A_174[0] : i32 from vector<1xi32>
        %broadcast_in_dim3A_176 = arith.constant 0 : i32
        %broadcast_in_dim3A_177 = vector.broadcast %broadcast_in_dim3A_176 : i32 to vector<16xi32>
        %add3A_178 = vector.broadcast %squeeze3A_175 : i32 to vector<16xi32>
        %add3A_179 = arith.addi %broadcast_in_dim3A_177, %add3A_178 : vector<16xi32>
        %gather3A_180 = tpu.vector_load_idx %arg17[%add3A_179] : memref<408xf32, #tpu.memory_space<vmem>>[vector<16xi32>], vector<16xf32>,
        %slice3A_181 = vector.extract_strided_slice %gather3A_180 {offsets = [0], sizes = [1], strides = [1]} : vector<16xf32> to vector<1xf32>
        %squeeze3A_182 = vector.extract %slice3A_181[0] : f32 from vector<1xf32>
        %reduce_sum3A = arith.constant true
        %reduce_sum3A_183 = vector.broadcast %reduce_sum3A : i1 to vector<16xi1>
        %reduce_sum3A_184 = tpu.scan <sum>, %get3A_165 masked %reduce_sum3A_183 : vector<16xf32>, vector<16xi1> -> vector<16xf32>
        %reduce_sum3A_185 = vector.extract %reduce_sum3A_184[15] : f32 from vector<16xf32>
        %mul3A_186 = arith.constant 6.250000e-02 : f32
        %mul3A_187 = arith.mulf %reduce_sum3A_185, %mul3A_186 : f32
        %sub3A_188 = vector.broadcast %mul3A_187 : f32 to vector<16xf32>
        %sub3A_189 = arith.subf %get3A_165, %sub3A_188 : vector<16xf32>
        %mul3A_190 = vector.broadcast %squeeze3A_182 : f32 to vector<16xf32>
        %mul3A_191 = arith.mulf %mul3A_190, %sub3A_189 : vector<16xf32>
        %add3A_192 = arith.addf %scan3A_161, %mul3A_191 : vector<16xf32>
        %add3A_193 = arith.addf %scan3A_162, %squeeze3A_182 : f32
        %scan3A_194 = arith.constant 1 : i32
        %scan3A_195 = arith.addi %scan3A_160, %scan3A_194 : i32
        %get3A_196 = arith.index_cast %scan3A_195 : i32 to index
        %get3A_197 = arith.constant 0 : index
        %get3A_198 = tpu.vector_load %arg16[%get3A_196, %get3A_197] {strides = array<i32>} : memref<50x16xf32, #tpu.memory_space<vmem>>, vector<16xf32>,
        %mul3A_199 = arith.constant 64 : i32
        %mul3A_200 = arith.muli %scan3A_100, %mul3A_199 : i32
        %add3A_201 = arith.addi %mul3A_200, %scan3A_195 : i32
        %broadcast_in_dim3A_202 = arith.constant 0 : i32
        %broadcast_in_dim3A_203 = vector.broadcast %broadcast_in_dim3A_202 : i32 to vector<16xi32>
        %add3A_204 = vector.broadcast %add3A_201 : i32 to vector<16xi32>
        %add3A_205 = arith.addi %broadcast_in_dim3A_203, %add3A_204 : vector<16xi32>
        %gather3A_206 = tpu.vector_load_idx %arg15[%add3A_205] : memref<2048xi32, #tpu.memory_space<vmem>>[vector<16xi32>], vector<16xi32>,
        %slice3A_207 = vector.extract_strided_slice %gather3A_206 {offsets = [0], sizes = [1], strides = [1]} : vector<16xi32> to vector<1xi32>
        %squeeze3A_208 = vector.extract %slice3A_207[0] : i32 from vector<1xi32>
        %broadcast_in_dim3A_209 = arith.constant 0 : i32
        %broadcast_in_dim3A_210 = vector.broadcast %broadcast_in_dim3A_209 : i32 to vector<16xi32>
        %add3A_211 = vector.broadcast %squeeze3A_208 : i32 to vector<16xi32>
        %add3A_212 = arith.addi %broadcast_in_dim3A_210, %add3A_211 : vector<16xi32>
        %gather3A_213 = tpu.vector_load_idx %arg17[%add3A_212] : memref<408xf32, #tpu.memory_space<vmem>>[vector<16xi32>], vector<16xf32>,
        %slice3A_214 = vector.extract_strided_slice %gather3A_213 {offsets = [0], sizes = [1], strides = [1]} : vector<16xf32> to vector<1xf32>
        %squeeze3A_215 = vector.extract %slice3A_214[0] : f32 from vector<1xf32>
        %reduce_sum3A_216 = arith.constant true
        %reduce_sum3A_217 = vector.broadcast %reduce_sum3A_216 : i1 to vector<16xi1>
        %reduce_sum3A_218 = tpu.scan <sum>, %get3A_198 masked %reduce_sum3A_217 : vector<16xf32>, vector<16xi1> -> vector<16xf32>
        %reduce_sum3A_219 = vector.extract %reduce_sum3A_218[15] : f32 from vector<16xf32>
        %mul3A_220 = arith.constant 6.250000e-02 : f32
        %mul3A_221 = arith.mulf %reduce_sum3A_219, %mul3A_220 : f32
        %sub3A_222 = vector.broadcast %mul3A_221 : f32 to vector<16xf32>
        %sub3A_223 = arith.subf %get3A_198, %sub3A_222 : vector<16xf32>
        %mul3A_224 = vector.broadcast %squeeze3A_215 : f32 to vector<16xf32>
        %mul3A_225 = arith.mulf %mul3A_224, %sub3A_223 : vector<16xf32>
        %add3A_226 = arith.addf %add3A_192, %mul3A_225 : vector<16xf32>
        %add3A_227 = arith.addf %add3A_193, %squeeze3A_215 : f32
        %scan3A_228 = arith.constant 2 : i32
        %scan3A_229 = arith.addi %scan3A_160, %scan3A_228 : i32
        %get3A_230 = arith.index_cast %scan3A_229 : i32 to index
        %get3A_231 = arith.constant 0 : index
        %get3A_232 = tpu.vector_load %arg16[%get3A_230, %get3A_231] {strides = array<i32>} : memref<50x16xf32, #tpu.memory_space<vmem>>, vector<16xf32>,
        %mul3A_233 = arith.constant 64 : i32
        %mul3A_234 = arith.muli %scan3A_100, %mul3A_233 : i32
        %add3A_235 = arith.addi %mul3A_234, %scan3A_229 : i32
        %broadcast_in_dim3A_236 = arith.constant 0 : i32
        %broadcast_in_dim3A_237 = vector.broadcast %broadcast_in_dim3A_236 : i32 to vector<16xi32>
        %add3A_238 = vector.broadcast %add3A_235 : i32 to vector<16xi32>
        %add3A_239 = arith.addi %broadcast_in_dim3A_237, %add3A_238 : vector<16xi32>
        %gather3A_240 = tpu.vector_load_idx %arg15[%add3A_239] : memref<2048xi32, #tpu.memory_space<vmem>>[vector<16xi32>], vector<16xi32>,
        %slice3A_241 = vector.extract_strided_slice %gather3A_240 {offsets = [0], sizes = [1], strides = [1]} : vector<16xi32> to vector<1xi32>
        %squeeze3A_242 = vector.extract %slice3A_241[0] : i32 from vector<1xi32>
        %broadcast_in_dim3A_243 = arith.constant 0 : i32
        %broadcast_in_dim3A_244 = vector.broadcast %broadcast_in_dim3A_243 : i32 to vector<16xi32>
        %add3A_245 = vector.broadcast %squeeze3A_242 : i32 to vector<16xi32>
        %add3A_246 = arith.addi %broadcast_in_dim3A_244, %add3A_245 : vector<16xi32>
        %gather3A_247 = tpu.vector_load_idx %arg17[%add3A_246] : memref<408xf32, #tpu.memory_space<vmem>>[vector<16xi32>], vector<16xf32>,
        %slice3A_248 = vector.extract_strided_slice %gather3A_247 {offsets = [0], sizes = [1], strides = [1]} : vector<16xf32> to vector<1xf32>
        %squeeze3A_249 = vector.extract %slice3A_248[0] : f32 from vector<1xf32>
        %reduce_sum3A_250 = arith.constant true
        %reduce_sum3A_251 = vector.broadcast %reduce_sum3A_250 : i1 to vector<16xi1>
        %reduce_sum3A_252 = tpu.scan <sum>, %get3A_232 masked %reduce_sum3A_251 : vector<16xf32>, vector<16xi1> -> vector<16xf32>
        %reduce_sum3A_253 = vector.extract %reduce_sum3A_252[15] : f32 from vector<16xf32>
        %mul3A_254 = arith.constant 6.250000e-02 : f32
        %mul3A_255 = arith.mulf %reduce_sum3A_253, %mul3A_254 : f32
        %sub3A_256 = vector.broadcast %mul3A_255 : f32 to vector<16xf32>
        %sub3A_257 = arith.subf %get3A_232, %sub3A_256 : vector<16xf32>
        %mul3A_258 = vector.broadcast %squeeze3A_249 : f32 to vector<16xf32>
        %mul3A_259 = arith.mulf %mul3A_258, %sub3A_257 : vector<16xf32>
        %add3A_260 = arith.addf %add3A_226, %mul3A_259 : vector<16xf32>
        %add3A_261 = arith.addf %add3A_227, %squeeze3A_249 : f32
        %scan3A_262 = arith.constant 3 : i32
        %scan3A_263 = arith.addi %scan3A_160, %scan3A_262 : i32
        %get3A_264 = arith.index_cast %scan3A_263 : i32 to index
        %get3A_265 = arith.constant 0 : index
        %get3A_266 = tpu.vector_load %arg16[%get3A_264, %get3A_265] {strides = array<i32>} : memref<50x16xf32, #tpu.memory_space<vmem>>, vector<16xf32>,
        %mul3A_267 = arith.constant 64 : i32
        %mul3A_268 = arith.muli %scan3A_100, %mul3A_267 : i32
        %add3A_269 = arith.addi %mul3A_268, %scan3A_263 : i32
        %broadcast_in_dim3A_270 = arith.constant 0 : i32
        %broadcast_in_dim3A_271 = vector.broadcast %broadcast_in_dim3A_270 : i32 to vector<16xi32>
        %add3A_272 = vector.broadcast %add3A_269 : i32 to vector<16xi32>
        %add3A_273 = arith.addi %broadcast_in_dim3A_271, %add3A_272 : vector<16xi32>
        %gather3A_274 = tpu.vector_load_idx %arg15[%add3A_273] : memref<2048xi32, #tpu.memory_space<vmem>>[vector<16xi32>], vector<16xi32>,
        %slice3A_275 = vector.extract_strided_slice %gather3A_274 {offsets = [0], sizes = [1], strides = [1]} : vector<16xi32> to vector<1xi32>
        %squeeze3A_276 = vector.extract %slice3A_275[0] : i32 from vector<1xi32>
        %broadcast_in_dim3A_277 = arith.constant 0 : i32
        %broadcast_in_dim3A_278 = vector.broadcast %broadcast_in_dim3A_277 : i32 to vector<16xi32>
        %add3A_279 = vector.broadcast %squeeze3A_276 : i32 to vector<16xi32>
        %add3A_280 = arith.addi %broadcast_in_dim3A_278, %add3A_279 : vector<16xi32>
        %gather3A_281 = tpu.vector_load_idx %arg17[%add3A_280] : memref<408xf32, #tpu.memory_space<vmem>>[vector<16xi32>], vector<16xf32>,
        %slice3A_282 = vector.extract_strided_slice %gather3A_281 {offsets = [0], sizes = [1], strides = [1]} : vector<16xf32> to vector<1xf32>
        %squeeze3A_283 = vector.extract %slice3A_282[0] : f32 from vector<1xf32>
        %reduce_sum3A_284 = arith.constant true
        %reduce_sum3A_285 = vector.broadcast %reduce_sum3A_284 : i1 to vector<16xi1>
        %reduce_sum3A_286 = tpu.scan <sum>, %get3A_266 masked %reduce_sum3A_285 : vector<16xf32>, vector<16xi1> -> vector<16xf32>
        %reduce_sum3A_287 = vector.extract %reduce_sum3A_286[15] : f32 from vector<16xf32>
        %mul3A_288 = arith.constant 6.250000e-02 : f32
        %mul3A_289 = arith.mulf %reduce_sum3A_287, %mul3A_288 : f32
        %sub3A_290 = vector.broadcast %mul3A_289 : f32 to vector<16xf32>
        %sub3A_291 = arith.subf %get3A_266, %sub3A_290 : vector<16xf32>
        %mul3A_292 = vector.broadcast %squeeze3A_283 : f32 to vector<16xf32>
        %mul3A_293 = arith.mulf %mul3A_292, %sub3A_291 : vector<16xf32>
        %add3A_294 = arith.addf %add3A_260, %mul3A_293 : vector<16xf32>
        %add3A_295 = arith.addf %add3A_261, %squeeze3A_283 : f32
        %scan3A_296 = arith.constant 4 : i32
        %scan3A_297 = arith.addi %scan3A_160, %scan3A_296 : i32
        %get3A_298 = arith.index_cast %scan3A_297 : i32 to index
        %get3A_299 = arith.constant 0 : index
        %get3A_300 = tpu.vector_load %arg16[%get3A_298, %get3A_299] {strides = array<i32>} : memref<50x16xf32, #tpu.memory_space<vmem>>, vector<16xf32>,
        %mul3A_301 = arith.constant 64 : i32
        %mul3A_302 = arith.muli %scan3A_100, %mul3A_301 : i32
        %add3A_303 = arith.addi %mul3A_302, %scan3A_297 : i32
        %broadcast_in_dim3A_304 = arith.constant 0 : i32
        %broadcast_in_dim3A_305 = vector.broadcast %broadcast_in_dim3A_304 : i32 to vector<16xi32>
        %add3A_306 = vector.broadcast %add3A_303 : i32 to vector<16xi32>
        %add3A_307 = arith.addi %broadcast_in_dim3A_305, %add3A_306 : vector<16xi32>
        %gather3A_308 = tpu.vector_load_idx %arg15[%add3A_307] : memref<2048xi32, #tpu.memory_space<vmem>>[vector<16xi32>], vector<16xi32>,
        %slice3A_309 = vector.extract_strided_slice %gather3A_308 {offsets = [0], sizes = [1], strides = [1]} : vector<16xi32> to vector<1xi32>
        %squeeze3A_310 = vector.extract %slice3A_309[0] : i32 from vector<1xi32>
        %broadcast_in_dim3A_311 = arith.constant 0 : i32
        %broadcast_in_dim3A_312 = vector.broadcast %broadcast_in_dim3A_311 : i32 to vector<16xi32>
        %add3A_313 = vector.broadcast %squeeze3A_310 : i32 to vector<16xi32>
        %add3A_314 = arith.addi %broadcast_in_dim3A_312, %add3A_313 : vector<16xi32>
        %gather3A_315 = tpu.vector_load_idx %arg17[%add3A_314] : memref<408xf32, #tpu.memory_space<vmem>>[vector<16xi32>], vector<16xf32>,
        %slice3A_316 = vector.extract_strided_slice %gather3A_315 {offsets = [0], sizes = [1], strides = [1]} : vector<16xf32> to vector<1xf32>
        %squeeze3A_317 = vector.extract %slice3A_316[0] : f32 from vector<1xf32>
        %reduce_sum3A_318 = arith.constant true
        %reduce_sum3A_319 = vector.broadcast %reduce_sum3A_318 : i1 to vector<16xi1>
        %reduce_sum3A_320 = tpu.scan <sum>, %get3A_300 masked %reduce_sum3A_319 : vector<16xf32>, vector<16xi1> -> vector<16xf32>
        %reduce_sum3A_321 = vector.extract %reduce_sum3A_320[15] : f32 from vector<16xf32>
        %mul3A_322 = arith.constant 6.250000e-02 : f32
        %mul3A_323 = arith.mulf %reduce_sum3A_321, %mul3A_322 : f32
        %sub3A_324 = vector.broadcast %mul3A_323 : f32 to vector<16xf32>
        %sub3A_325 = arith.subf %get3A_300, %sub3A_324 : vector<16xf32>
        %mul3A_326 = vector.broadcast %squeeze3A_317 : f32 to vector<16xf32>
        %mul3A_327 = arith.mulf %mul3A_326, %sub3A_325 : vector<16xf32>
        %add3A_328 = arith.addf %add3A_294, %mul3A_327 : vector<16xf32>
        %add3A_329 = arith.addf %add3A_295, %squeeze3A_317 : f32
        scf.yield %add3A_328, %add3A_329 : vector<16xf32>, f32
      }
      %scan3A_119 = arith.constant 50 : i32
      %lt3A = arith.constant 16 : i32
      %lt3A_120 = arith.cmpi slt, %scan3A_100, %lt3A : i32
      %add3A_121 = arith.constant 496 : i32
      %add3A_122 = arith.addi %add3A_121, %scan3A_100 : i32
      %select_n3A = arith.select %lt3A_120, %scan3A_100, %add3A_122 : i32
      %add3A_123 = arith.addi %mul3A_2, %select_n3A : i32
      %broadcast_in_dim3A_124 = arith.constant 0 : i32
      %broadcast_in_dim3A_125 = vector.broadcast %broadcast_in_dim3A_124 : i32 to vector<16xi32>
      %add3A_126 = vector.broadcast %add3A_123 : i32 to vector<16xi32>
      %add3A_127 = arith.addi %broadcast_in_dim3A_125, %add3A_126 : vector<16xi32>
      %gather3A = tpu.vector_load_idx %arg18[%add3A_127] : memref<1024xf32, #tpu.memory_space<vmem>>[vector<16xi32>], vector<16xf32>,
      %slice3A = vector.extract_strided_slice %gather3A {offsets = [0], sizes = [1], strides = [1]} : vector<16xf32> to vector<1xf32>
      %squeeze3A = vector.extract %slice3A[0] : f32 from vector<1xf32>
      %div3A = vector.broadcast %scan3A_118#1 : f32 to vector<16xf32>
      %div3A_128 = arith.divf %scan3A_118#0, %div3A : vector<16xf32>
      %add3A_129 = vector.broadcast %squeeze3A : f32 to vector<16xf32>
      %add3A_130 = arith.addf %add3A_129, %div3A_128 : vector<16xf32>
      %jit3A = arith.constant 0.000000e+00 : f32
      %jit3A_131 = arith.constant 5.000000e+00 : f32
      %max3A_132 = vector.broadcast %jit3A : f32 to vector<16xf32>
      %max3A_133 = arith.maximumf %max3A_132, %add3A_130 : vector<16xf32>
      %min3A = vector.broadcast %jit3A_131 : f32 to vector<16xf32>
      %min3A_134 = arith.minimumf %min3A, %max3A_133 : vector<16xf32>
      %broadcast_in_dim3A_135 = arith.constant 0 : i32
      %broadcast_in_dim3A_136 = vector.broadcast %broadcast_in_dim3A_135 : i32 to vector<16xi32>
      %add3A_137 = vector.broadcast %add3A_123 : i32 to vector<16xi32>
      %add3A_138 = arith.addi %broadcast_in_dim3A_136, %add3A_137 : vector<16xi32>
      %gather3A_139 = tpu.vector_load_idx %arg19[%add3A_138] : memref<1024xf32, #tpu.memory_space<vmem>>[vector<16xi32>], vector<16xf32>,
      %slice3A_140 = vector.extract_strided_slice %gather3A_139 {offsets = [0], sizes = [1], strides = [1]} : vector<16xf32> to vector<1xf32>
      %squeeze3A_141 = vector.extract %slice3A_140[0] : f32 from vector<1xf32>
      %gt3A = arith.constant 5.000000e-01 : f32
      %gt3A_142 = arith.cmpf ogt, %squeeze3A_141, %gt3A : f32
      %get3A = arith.constant 0 : index
      %get3A_143 = tpu.vector_load %arg20[%get3A] {strides = array<i32>} : memref<16xf32, #tpu.memory_space<vmem>>, vector<16xf32>,
      %select_n3A_144 = arith.select %gt3A_142, %get3A_143, %min3A_134 : vector<16xf32>
      %lt3A_145 = arith.constant 16 : i32
      %lt3A_146 = arith.cmpi slt, %scan3A_100, %lt3A_145 : i32
      %sub3A_147 = arith.constant 16 : i32
      %sub3A_148 = arith.subi %scan3A_100, %sub3A_147 : i32
      %select_n3A_149 = arith.select %lt3A_146, %scan3A_100, %sub3A_148 : i32
      %lt3A_150 = arith.constant 16 : i32
      %lt3A_151 = arith.cmpi slt, %scan3A_100, %lt3A_150 : i32
      %convert_element_type3A_152 = arith.extui %lt3A_151 : i1 to i32
      %cond3A_153 = arith.constant 0 : i32
      %cond3A_154 = arith.cmpi ne, %convert_element_type3A_152, %cond3A_153 : i32
      scf.if %cond3A_154 {
        %broadcast_in_dim3A_160 = arith.constant 0 : i32
        %broadcast_in_dim3A_161 = vector.broadcast %broadcast_in_dim3A_160 : i32 to vector<16xi32>
        %add3A_162 = vector.broadcast %select_n3A_149 : i32 to vector<16xi32>
        %add3A_163 = arith.addi %broadcast_in_dim3A_161, %add3A_162 : vector<16xi32>
        tpu.vector_store_idx %arg21[%add3A_163, %iota3A], %select_n3A_144 : memref<16x16xf32, #tpu.memory_space<vmem>>[vector<16xi32>, vector<16xi32>], vector<16xf32>,
      } else {
      }
      %ge3A = arith.constant 16 : i32
      %ge3A_155 = arith.cmpi sge, %scan3A_100, %ge3A : i32
      %convert_element_type3A_156 = arith.extui %ge3A_155 : i1 to i32
      %cond3A_157 = arith.constant 0 : i32
      %cond3A_158 = arith.cmpi ne, %convert_element_type3A_156, %cond3A_157 : i32
      scf.if %cond3A_158 {
        %broadcast_in_dim3A_160 = arith.constant 0 : i32
        %broadcast_in_dim3A_161 = vector.broadcast %broadcast_in_dim3A_160 : i32 to vector<16xi32>
        %add3A_162 = vector.broadcast %select_n3A_149 : i32 to vector<16xi32>
        %add3A_163 = arith.addi %broadcast_in_dim3A_161, %add3A_162 : vector<16xi32>
        tpu.vector_store_idx %arg22[%add3A_163, %iota3A], %select_n3A_144 : memref<16x16xf32, #tpu.memory_space<vmem>>[vector<16xi32>, vector<16xi32>], vector<16xf32>,
      } else {
      }
      %scan3A_159 = arith.constant 0 : i32
      scf.yield %scan3A_159 : i32
    }
    %scan3A_97 = arith.constant 32 : i32
    "tpu.region"() ({
      %run_scoped3A = tpu.sem_alloc : memref<!tpu.dma_semaphore, #tpu.memory_space<semaphore_mem>>
      %dma_start3A_100 = arith.constant 0 : i32
      %dma_start3A_101 = tpu.memref_slice %arg8[%mul3A_2, %dma_start3A_100] : memref<1024x16xf32, #tpu.memory_space<hbm>> -> memref<16x16xf32, #tpu.memory_space<hbm>>
      %dma_start3A_102 = arith.constant 0 : i32
      %dma_start3A_103 = tpu.memref_slice %arg8[%mul3A_2, %dma_start3A_102] : memref<1024x16xf32, #tpu.memory_space<hbm>> -> memref<16x16xf32, #tpu.memory_space<hbm>>
      tpu.enqueue_dma source(%arg21 : memref<16x16xf32, #tpu.memory_space<vmem>>) target(%dma_start3A_103 : memref<16x16xf32, #tpu.memory_space<hbm>>) target_semaphore(%run_scoped3A : memref<!tpu.dma_semaphore, #tpu.memory_space<semaphore_mem>>)
      %dma_wait3A = arith.constant 0 : i32
      %dma_wait3A_104 = tpu.memref_slice %arg8[%mul3A_2, %dma_wait3A] : memref<1024x16xf32, #tpu.memory_space<hbm>> -> memref<16x16xf32, #tpu.memory_space<hbm>>
      %dma_wait3A_105 = arith.constant 0 : i32
      %dma_wait3A_106 = tpu.memref_slice %arg8[%mul3A_2, %dma_wait3A_105] : memref<1024x16xf32, #tpu.memory_space<hbm>> -> memref<16x16xf32, #tpu.memory_space<hbm>>
      tpu.wait_dma2 semaphore(%run_scoped3A : memref<!tpu.dma_semaphore, #tpu.memory_space<semaphore_mem>>) src(%arg21 : memref<16x16xf32, #tpu.memory_space<vmem>>) dst(%dma_wait3A_106 : memref<16x16xf32, #tpu.memory_space<hbm>>)
      tpu.yield
    }) : () -> ()
    %add3A_98 = arith.constant 512 : i32
    %add3A_99 = arith.addi %add3A_98, %mul3A_2 : i32
    "tpu.region"() ({
      %run_scoped3A = tpu.sem_alloc : memref<!tpu.dma_semaphore, #tpu.memory_space<semaphore_mem>>
      %dma_start3A_100 = arith.constant 0 : i32
      %dma_start3A_101 = tpu.memref_slice %arg8[%add3A_99, %dma_start3A_100] : memref<1024x16xf32, #tpu.memory_space<hbm>> -> memref<16x16xf32, #tpu.memory_space<hbm>>
      %dma_start3A_102 = arith.constant 0 : i32
      %dma_start3A_103 = tpu.memref_slice %arg8[%add3A_99, %dma_start3A_102] : memref<1024x16xf32, #tpu.memory_space<hbm>> -> memref<16x16xf32, #tpu.memory_space<hbm>>
      tpu.enqueue_dma source(%arg22 : memref<16x16xf32, #tpu.memory_space<vmem>>) target(%dma_start3A_103 : memref<16x16xf32, #tpu.memory_space<hbm>>) target_semaphore(%run_scoped3A : memref<!tpu.dma_semaphore, #tpu.memory_space<semaphore_mem>>)
      %dma_wait3A = arith.constant 0 : i32
      %dma_wait3A_104 = tpu.memref_slice %arg8[%add3A_99, %dma_wait3A] : memref<1024x16xf32, #tpu.memory_space<hbm>> -> memref<16x16xf32, #tpu.memory_space<hbm>>
      %dma_wait3A_105 = arith.constant 0 : i32
      %dma_wait3A_106 = tpu.memref_slice %arg8[%add3A_99, %dma_wait3A_105] : memref<1024x16xf32, #tpu.memory_space<hbm>> -> memref<16x16xf32, #tpu.memory_space<hbm>>
      tpu.wait_dma2 semaphore(%run_scoped3A : memref<!tpu.dma_semaphore, #tpu.memory_space<semaphore_mem>>) src(%arg22 : memref<16x16xf32, #tpu.memory_space<vmem>>) dst(%dma_wait3A_106 : memref<16x16xf32, #tpu.memory_space<hbm>>)
      tpu.yield
    }) : () -> ()
    "tpu.trace_stop"() : () -> ()
    return
  }
}

module attributes {stable_mosaic.version = 14 : i64} {
  func.func @_tc_body(%arg0: i32, %arg1: memref<1xi32, #tpu.memory_space<smem>>, %arg2: memref<16x1024xf32, #tpu.memory_space<vmem>>, %arg3: memref<2000x16xf32, #tpu.memory_space<vmem>>, %arg4: memref<2000x512xi32, #tpu.memory_space<vmem>>, %arg5: memref<8x128xf32, #tpu.memory_space<vmem>>, %arg6: memref<8x128xf32, #tpu.memory_space<vmem>>, %arg7: memref<8x128xf32, #tpu.memory_space<vmem>>) attributes {dimension_semantics = [#tpu.dimension_semantics<arbitrary>], iteration_bounds = array<i64: 50>, scalar_prefetch = 0 : i64, scratch_operands = 0 : i64, tpu.core_type = #tpu.core_type<tc>, window_params = [{transform_indices = @transform_0, window_bounds = array<i64: 1>}, {pipeline_mode = #tpu.pipeline_mode<synchronous>, transform_indices = @transform_1, window_bounds = array<i64: 16, 1024>}, {transform_indices = @transform_2, window_bounds = array<i64: 2000, 16>}, {transform_indices = @transform_3, window_bounds = array<i64: 2000, 512>}, {pipeline_mode = #tpu.pipeline_mode<synchronous>, transform_indices = @transform_4, window_bounds = array<i64: 8, 128>}, {pipeline_mode = #tpu.pipeline_mode<synchronous>, transform_indices = @transform_5, window_bounds = array<i64: 8, 128>}, {pipeline_mode = #tpu.pipeline_mode<synchronous>, transform_indices = @transform_6, window_bounds = array<i64: 8, 128>}]} {
    %get3A = arith.constant 0 : index
    %get3A_0 = arith.constant 0 : index
    %get3A_1 = vector.load %arg2[%get3A, %get3A_0] : memref<16x1024xf32, #tpu.memory_space<vmem>>, vector<16x1024xf32>
    %ne3A = arith.constant 0.000000e+00 : f32
    %ne3A_2 = vector.broadcast %ne3A : f32 to vector<16x1024xf32>
    %ne3A_3 = arith.cmpf one, %get3A_1, %ne3A_2 : vector<16x1024xf32>
    %convert_element_type3A = arith.extui %ne3A_3 : vector<16x1024xi1> to vector<16x1024xi32>
    %convert_element_type3A_4 = arith.sitofp %convert_element_type3A : vector<16x1024xi32> to vector<16x1024xf32>
    %mul3A = arith.mulf %get3A_1, %get3A_1 : vector<16x1024xf32>
    %mul3A_5 = arith.constant -2.000000e+00 : f32
    %mul3A_6 = vector.broadcast %mul3A_5 : f32 to vector<16x1024xf32>
    %mul3A_7 = arith.mulf %mul3A_6, %get3A_1 : vector<16x1024xf32>
    %concatenate3A = tpu.concatenate %mul3A, %mul3A_7, %convert_element_type3A_4 in 0 : vector<16x1024xf32>, vector<16x1024xf32>, vector<16x1024xf32> -> vector<48x1024xf32>
    %get3A_8 = arith.constant 0 : index
    %get3A_9 = arith.constant 0 : index
    %get3A_10 = vector.load %arg3[%get3A_8, %get3A_9] : memref<2000x16xf32, #tpu.memory_space<vmem>>, vector<2000x16xf32>
    %ne3A_11 = arith.constant 0.000000e+00 : f32
    %ne3A_12 = vector.broadcast %ne3A_11 : f32 to vector<2000x16xf32>
    %ne3A_13 = arith.cmpf one, %get3A_10, %ne3A_12 : vector<2000x16xf32>
    %convert_element_type3A_14 = arith.extui %ne3A_13 : vector<2000x16xi1> to vector<2000x16xi32>
    %convert_element_type3A_15 = arith.sitofp %convert_element_type3A_14 : vector<2000x16xi32> to vector<2000x16xf32>
    %mul3A_16 = arith.mulf %get3A_10, %get3A_10 : vector<2000x16xf32>
    %concatenate3A_17 = tpu.concatenate %convert_element_type3A_15, %get3A_10, %mul3A_16 in 1 : vector<2000x16xf32>, vector<2000x16xf32>, vector<2000x16xf32> -> vector<2000x48xf32>
    %dot_general3A = arith.constant dense<0.000000e+00> : vector<2000x1024xf32>
    %dot_general3A_18 = tpu.matmul %concatenate3A_17, %concatenate3A, %dot_general3A {dimension_numbers = #tpu.dot_dimension_numbers<[1], [0], [0], [1], [0, 0, 1, 1], [], []>, transpose_lhs_hint = false} : vector<2000x48xf32>, vector<48x1024xf32>, vector<2000x1024xf32> -> vector<2000x1024xf32>
    %dot_general3A_19 = arith.constant dense<0.000000e+00> : vector<2000x1024xf32>
    %dot_general3A_20 = tpu.matmul %convert_element_type3A_15, %convert_element_type3A_4, %dot_general3A_19 {dimension_numbers = #tpu.dot_dimension_numbers<[1], [0], [0], [1], [0, 0, 1, 1], [], []>, transpose_lhs_hint = false} : vector<2000x16xf32>, vector<16x1024xf32>, vector<2000x1024xf32> -> vector<2000x1024xf32>
    %max3A = arith.constant 0.000000e+00 : f32
    %max3A_21 = vector.broadcast %max3A : f32 to vector<2000x1024xf32>
    %max3A_22 = arith.maximumf %dot_general3A_18, %max3A_21 : vector<2000x1024xf32>
    %add3A = arith.constant 5.000000e-01 : f32
    %add3A_23 = vector.broadcast %add3A : f32 to vector<2000x1024xf32>
    %add3A_24 = arith.addf %max3A_22, %add3A_23 : vector<2000x1024xf32>
    %convert_element_type3A_25 = arith.fptosi %add3A_24 : vector<2000x1024xf32> to vector<2000x1024xi32>
    %gt3A = arith.constant 5.000000e-01 : f32
    %gt3A_26 = vector.broadcast %gt3A : f32 to vector<2000x1024xf32>
    %gt3A_27 = arith.cmpf ogt, %dot_general3A_20, %gt3A_26 : vector<2000x1024xf32>
    %jit3A = arith.constant 401 : i32
    %broadcast_in_dim3A = vector.broadcast %jit3A : i32 to vector<2000x1024xi32>
    %select_n3A = arith.select %gt3A_27, %convert_element_type3A_25, %broadcast_in_dim3A : vector<2000x1024xi1>, vector<2000x1024xi32>
    %slice3A = vector.extract_strided_slice %select_n3A {offsets = [0, 0], sizes = [2000, 512], strides = [1, 1]} : vector<2000x1024xi32> to vector<2000x512xi32>
    %slice3A_28 = vector.extract_strided_slice %select_n3A {offsets = [0, 512], sizes = [2000, 512], strides = [1, 1]} : vector<2000x1024xi32> to vector<2000x512xi32>
    %mul3A_29 = arith.constant 32768 : i32
    %mul3A_30 = vector.broadcast %mul3A_29 : i32 to vector<2000x512xi32>
    %mul3A_31 = arith.muli %slice3A_28, %mul3A_30 : vector<2000x512xi32>
    %add3A_32 = arith.addi %slice3A, %mul3A_31 : vector<2000x512xi32>
    %swap3A = arith.constant 0 : index
    %swap3A_33 = arith.constant 0 : index
    %swap3A_34 = vector.load %arg4[%swap3A, %swap3A_33] : memref<2000x512xi32, #tpu.memory_space<vmem>>, vector<2000x512xi32>
    tpu.vector_store %arg4[%swap3A, %swap3A_33], %add3A_32 {strides = array<i32>} : memref<2000x512xi32, #tpu.memory_space<vmem>>, vector<2000x512xi32>,
    %eq3A = arith.constant 0 : i32
    %eq3A_35 = arith.cmpi eq, %arg0, %eq3A : i32
    %convert_element_type3A_36 = arith.extui %eq3A_35 : i1 to i32
    %cond3A = arith.constant 0 : i32
    %cond3A_37 = arith.cmpi ne, %convert_element_type3A_36, %cond3A : i32
    scf.if %cond3A_37 {
      %reduce_sum3A_102 = arith.constant dense<0.000000e+00> : vector<1024xf32>
      %reduce_sum3A_103 = vector.multi_reduction <add>, %get3A_1, %reduce_sum3A_102 [0] : vector<16x1024xf32> to vector<1024xf32>
      %mul3A_104 = arith.constant 6.250000e-02 : f32
      %mul3A_105 = vector.broadcast %mul3A_104 : f32 to vector<1024xf32>
      %mul3A_106 = arith.mulf %reduce_sum3A_103, %mul3A_105 : vector<1024xf32>
      %reshape3A = vector.shape_cast %mul3A_106 : vector<1024xf32> to vector<8x128xf32>
      %swap3A_107 = arith.constant 0 : index
      %swap3A_108 = arith.constant 0 : index
      %swap3A_109 = vector.load %arg6[%swap3A_107, %swap3A_108] : memref<8x128xf32, #tpu.memory_space<vmem>>, vector<8x128xf32>
      tpu.vector_store %arg6[%swap3A_107, %swap3A_108], %reshape3A {strides = array<i32>} : memref<8x128xf32, #tpu.memory_space<vmem>>, vector<8x128xf32>,
      %eq3A_110 = arith.constant 0.000000e+00 : f32
      %eq3A_111 = vector.broadcast %eq3A_110 : f32 to vector<1024xf32>
      %eq3A_112 = arith.cmpf oeq, %reduce_sum3A_103, %eq3A_111 : vector<1024xf32>
      %convert_element_type3A_113 = arith.extui %eq3A_112 : vector<1024xi1> to vector<1024xi32>
      %convert_element_type3A_114 = arith.sitofp %convert_element_type3A_113 : vector<1024xi32> to vector<1024xf32>
      %reshape3A_115 = vector.shape_cast %convert_element_type3A_114 : vector<1024xf32> to vector<8x128xf32>
      %swap3A_116 = arith.constant 0 : index
      %swap3A_117 = arith.constant 0 : index
      %swap3A_118 = vector.load %arg7[%swap3A_116, %swap3A_117] : memref<8x128xf32, #tpu.memory_space<vmem>>, vector<8x128xf32>
      tpu.vector_store %arg7[%swap3A_116, %swap3A_117], %reshape3A_115 {strides = array<i32>} : memref<8x128xf32, #tpu.memory_space<vmem>>, vector<8x128xf32>,
      %broadcast_in_dim3A_119 = arith.constant 0.000000e+00 : f32
      %broadcast_in_dim3A_120 = vector.broadcast %broadcast_in_dim3A_119 : f32 to vector<8x128xf32>
      %swap3A_121 = arith.constant 0 : index
      %swap3A_122 = arith.constant 0 : index
      %swap3A_123 = vector.load %arg5[%swap3A_121, %swap3A_122] : memref<8x128xf32, #tpu.memory_space<vmem>>, vector<8x128xf32>
      tpu.vector_store %arg5[%swap3A_121, %swap3A_122], %broadcast_in_dim3A_120 {strides = array<i32>} : memref<8x128xf32, #tpu.memory_space<vmem>>, vector<8x128xf32>,
    } else {
    }
    %eq3A_38 = arith.constant 0.000000e+00 : f32
    %eq3A_39 = vector.broadcast %eq3A_38 : f32 to vector<2000x16xf32>
    %eq3A_40 = arith.cmpf oeq, %get3A_10, %eq3A_39 : vector<2000x16xf32>
    %convert_element_type3A_41 = arith.extui %eq3A_40 : vector<2000x16xi1> to vector<2000x16xi32>
    %convert_element_type3A_42 = arith.sitofp %convert_element_type3A_41 : vector<2000x16xi32> to vector<2000x16xf32>
    %reduce_sum3A = arith.constant dense<0.000000e+00> : vector<16xf32>
    %reduce_sum3A_43 = vector.multi_reduction <add>, %convert_element_type3A_42, %reduce_sum3A [0] : vector<2000x16xf32> to vector<16xf32>
    %eq3A_44 = arith.constant 1.000000e+00 : f32
    %eq3A_45 = vector.broadcast %eq3A_44 : f32 to vector<2000x16xf32>
    %eq3A_46 = arith.cmpf oeq, %get3A_10, %eq3A_45 : vector<2000x16xf32>
    %convert_element_type3A_47 = arith.extui %eq3A_46 : vector<2000x16xi1> to vector<2000x16xi32>
    %convert_element_type3A_48 = arith.sitofp %convert_element_type3A_47 : vector<2000x16xi32> to vector<2000x16xf32>
    %reduce_sum3A_49 = arith.constant dense<0.000000e+00> : vector<16xf32>
    %reduce_sum3A_50 = vector.multi_reduction <add>, %convert_element_type3A_48, %reduce_sum3A_49 [0] : vector<2000x16xf32> to vector<16xf32>
    %eq3A_51 = arith.constant 2.000000e+00 : f32
    %eq3A_52 = vector.broadcast %eq3A_51 : f32 to vector<2000x16xf32>
    %eq3A_53 = arith.cmpf oeq, %get3A_10, %eq3A_52 : vector<2000x16xf32>
    %convert_element_type3A_54 = arith.extui %eq3A_53 : vector<2000x16xi1> to vector<2000x16xi32>
    %convert_element_type3A_55 = arith.sitofp %convert_element_type3A_54 : vector<2000x16xi32> to vector<2000x16xf32>
    %reduce_sum3A_56 = arith.constant dense<0.000000e+00> : vector<16xf32>
    %reduce_sum3A_57 = vector.multi_reduction <add>, %convert_element_type3A_55, %reduce_sum3A_56 [0] : vector<2000x16xf32> to vector<16xf32>
    %eq3A_58 = arith.constant 3.000000e+00 : f32
    %eq3A_59 = vector.broadcast %eq3A_58 : f32 to vector<2000x16xf32>
    %eq3A_60 = arith.cmpf oeq, %get3A_10, %eq3A_59 : vector<2000x16xf32>
    %convert_element_type3A_61 = arith.extui %eq3A_60 : vector<2000x16xi1> to vector<2000x16xi32>
    %convert_element_type3A_62 = arith.sitofp %convert_element_type3A_61 : vector<2000x16xi32> to vector<2000x16xf32>
    %reduce_sum3A_63 = arith.constant dense<0.000000e+00> : vector<16xf32>
    %reduce_sum3A_64 = vector.multi_reduction <add>, %convert_element_type3A_62, %reduce_sum3A_63 [0] : vector<2000x16xf32> to vector<16xf32>
    %eq3A_65 = arith.constant 4.000000e+00 : f32
    %eq3A_66 = vector.broadcast %eq3A_65 : f32 to vector<2000x16xf32>
    %eq3A_67 = arith.cmpf oeq, %get3A_10, %eq3A_66 : vector<2000x16xf32>
    %convert_element_type3A_68 = arith.extui %eq3A_67 : vector<2000x16xi1> to vector<2000x16xi32>
    %convert_element_type3A_69 = arith.sitofp %convert_element_type3A_68 : vector<2000x16xi32> to vector<2000x16xf32>
    %reduce_sum3A_70 = arith.constant dense<0.000000e+00> : vector<16xf32>
    %reduce_sum3A_71 = vector.multi_reduction <add>, %convert_element_type3A_69, %reduce_sum3A_70 [0] : vector<2000x16xf32> to vector<16xf32>
    %eq3A_72 = arith.constant 5.000000e+00 : f32
    %eq3A_73 = vector.broadcast %eq3A_72 : f32 to vector<2000x16xf32>
    %eq3A_74 = arith.cmpf oeq, %get3A_10, %eq3A_73 : vector<2000x16xf32>
    %convert_element_type3A_75 = arith.extui %eq3A_74 : vector<2000x16xi1> to vector<2000x16xi32>
    %convert_element_type3A_76 = arith.sitofp %convert_element_type3A_75 : vector<2000x16xi32> to vector<2000x16xf32>
    %reduce_sum3A_77 = arith.constant dense<0.000000e+00> : vector<16xf32>
    %reduce_sum3A_78 = vector.multi_reduction <add>, %convert_element_type3A_76, %reduce_sum3A_77 [0] : vector<2000x16xf32> to vector<16xf32>
    %stack3A = vector.shape_cast %reduce_sum3A_43 : vector<16xf32> to vector<1x16xf32>
    %stack3A_79 = vector.shape_cast %reduce_sum3A_50 : vector<16xf32> to vector<1x16xf32>
    %stack3A_80 = vector.shape_cast %reduce_sum3A_57 : vector<16xf32> to vector<1x16xf32>
    %stack3A_81 = vector.shape_cast %reduce_sum3A_64 : vector<16xf32> to vector<1x16xf32>
    %stack3A_82 = vector.shape_cast %reduce_sum3A_71 : vector<16xf32> to vector<1x16xf32>
    %stack3A_83 = vector.shape_cast %reduce_sum3A_78 : vector<16xf32> to vector<1x16xf32>
    %stack3A_84 = tpu.concatenate %stack3A, %stack3A_79, %stack3A_80, %stack3A_81, %stack3A_82, %stack3A_83 in 0 : vector<1x16xf32>, vector<1x16xf32>, vector<1x16xf32>, vector<1x16xf32>, vector<1x16xf32>, vector<1x16xf32> -> vector<6x16xf32>
    %get3A_85 = arith.constant 0 : index
    %get3A_86 = arith.constant 0 : index
    %get3A_87 = vector.load %arg5[%get3A_85, %get3A_86] : memref<8x128xf32, #tpu.memory_space<vmem>>, vector<8x128xf32>
    %jit3A_88 = arith.constant 0 : i32
    %convert_element_type3A_89 = arith.sitofp %jit3A_88 : i32 to f32
    %pad3A = vector.broadcast %convert_element_type3A_89 : f32 to vector<2x16xf32>
    %pad3A_90 = tpu.concatenate %stack3A_84, %pad3A in 0 : vector<6x16xf32>, vector<2x16xf32> -> vector<8x16xf32>
    %pad3A_91 = vector.broadcast %convert_element_type3A_89 : f32 to vector<8x112xf32>
    %pad3A_92 = tpu.concatenate %pad3A_90, %pad3A_91 in 1 : vector<8x16xf32>, vector<8x112xf32> -> vector<8x128xf32>
    %add3A_93 = arith.addf %get3A_87, %pad3A_92 : vector<8x128xf32>
    %swap3A_94 = arith.constant 0 : index
    %swap3A_95 = arith.constant 0 : index
    %swap3A_96 = vector.load %arg5[%swap3A_94, %swap3A_95] : memref<8x128xf32, #tpu.memory_space<vmem>>, vector<8x128xf32>
    tpu.vector_store %arg5[%swap3A_94, %swap3A_95], %add3A_93 {strides = array<i32>} : memref<8x128xf32, #tpu.memory_space<vmem>>, vector<8x128xf32>,
    %eq3A_97 = arith.constant 49 : i32
    %eq3A_98 = arith.cmpi eq, %arg0, %eq3A_97 : i32
    %convert_element_type3A_99 = arith.extui %eq3A_98 : i1 to i32
    %cond3A_100 = arith.constant 0 : i32
    %cond3A_101 = arith.cmpi ne, %convert_element_type3A_99, %cond3A_100 : i32
    scf.if %cond3A_101 {
      %get3A_102 = arith.constant 0 : index
      %get3A_103 = arith.constant 0 : index
      %get3A_104 = vector.load %arg5[%get3A_102, %get3A_103] : memref<8x128xf32, #tpu.memory_space<vmem>>, vector<8x128xf32>
      %slice3A_105 = vector.extract_strided_slice %get3A_104 {offsets = [0, 0], sizes = [1, 128], strides = [1, 1]} : vector<8x128xf32> to vector<1x128xf32>
      %broadcast_in_dim3A_106 = arith.constant 0.000000e+00 : f32
      %broadcast_in_dim3A_107 = vector.broadcast %broadcast_in_dim3A_106 : f32 to vector<1x128xf32>
      %slice3A_108 = vector.extract_strided_slice %get3A_104 {offsets = [1, 0], sizes = [1, 128], strides = [1, 1]} : vector<8x128xf32> to vector<1x128xf32>
      %gt3A_109 = arith.cmpf ogt, %slice3A_108, %slice3A_105 : vector<1x128xf32>
      %jit3A_110 = arith.constant 1.000000e+00 : f32
      %broadcast_in_dim3A_111 = vector.broadcast %jit3A_110 : f32 to vector<1x128xf32>
      %select_n3A_112 = arith.select %gt3A_109, %broadcast_in_dim3A_111, %broadcast_in_dim3A_107 : vector<1x128xi1>, vector<1x128xf32>
      %max3A_113 = arith.maximumf %slice3A_105, %slice3A_108 : vector<1x128xf32>
      %slice3A_114 = vector.extract_strided_slice %get3A_104 {offsets = [2, 0], sizes = [1, 128], strides = [1, 1]} : vector<8x128xf32> to vector<1x128xf32>
      %gt3A_115 = arith.cmpf ogt, %slice3A_114, %max3A_113 : vector<1x128xf32>
      %jit3A_116 = arith.constant 2.000000e+00 : f32
      %broadcast_in_dim3A_117 = vector.broadcast %jit3A_116 : f32 to vector<1x128xf32>
      %select_n3A_118 = arith.select %gt3A_115, %broadcast_in_dim3A_117, %select_n3A_112 : vector<1x128xi1>, vector<1x128xf32>
      %max3A_119 = arith.maximumf %max3A_113, %slice3A_114 : vector<1x128xf32>
      %slice3A_120 = vector.extract_strided_slice %get3A_104 {offsets = [3, 0], sizes = [1, 128], strides = [1, 1]} : vector<8x128xf32> to vector<1x128xf32>
      %gt3A_121 = arith.cmpf ogt, %slice3A_120, %max3A_119 : vector<1x128xf32>
      %jit3A_122 = arith.constant 3.000000e+00 : f32
      %broadcast_in_dim3A_123 = vector.broadcast %jit3A_122 : f32 to vector<1x128xf32>
      %select_n3A_124 = arith.select %gt3A_121, %broadcast_in_dim3A_123, %select_n3A_118 : vector<1x128xi1>, vector<1x128xf32>
      %max3A_125 = arith.maximumf %max3A_119, %slice3A_120 : vector<1x128xf32>
      %slice3A_126 = vector.extract_strided_slice %get3A_104 {offsets = [4, 0], sizes = [1, 128], strides = [1, 1]} : vector<8x128xf32> to vector<1x128xf32>
      %gt3A_127 = arith.cmpf ogt, %slice3A_126, %max3A_125 : vector<1x128xf32>
      %jit3A_128 = arith.constant 4.000000e+00 : f32
      %broadcast_in_dim3A_129 = vector.broadcast %jit3A_128 : f32 to vector<1x128xf32>
      %select_n3A_130 = arith.select %gt3A_127, %broadcast_in_dim3A_129, %select_n3A_124 : vector<1x128xi1>, vector<1x128xf32>
      %max3A_131 = arith.maximumf %max3A_125, %slice3A_126 : vector<1x128xf32>
      %slice3A_132 = vector.extract_strided_slice %get3A_104 {offsets = [5, 0], sizes = [1, 128], strides = [1, 1]} : vector<8x128xf32> to vector<1x128xf32>
      %gt3A_133 = arith.cmpf ogt, %slice3A_132, %max3A_131 : vector<1x128xf32>
      %jit3A_134 = arith.constant 5.000000e+00 : f32
      %broadcast_in_dim3A_135 = vector.broadcast %jit3A_134 : f32 to vector<1x128xf32>
      %select_n3A_136 = arith.select %gt3A_133, %broadcast_in_dim3A_135, %select_n3A_130 : vector<1x128xi1>, vector<1x128xf32>
      %swap3A_137 = arith.constant 6 : index
      %swap3A_138 = arith.constant 0 : index
      %swap3A_139 = vector.load %arg5[%swap3A_137, %swap3A_138] : memref<8x128xf32, #tpu.memory_space<vmem>>, vector<1x128xf32>
      tpu.vector_store %arg5[%swap3A_137, %swap3A_138], %select_n3A_136 {strides = array<i32>} : memref<8x128xf32, #tpu.memory_space<vmem>>, vector<1x128xf32>,
    } else {
    }
    return
  }
  func.func @transform_0(%arg0: i32) -> i32 {
    %c0_i32 = arith.constant 0 : i32
    %c0_i32_0 = arith.constant 0 : i32
    return %c0_i32 : i32
  }
  func.func @transform_1(%arg0: i32) -> (i32, i32) {
    %c0_i32 = arith.constant 0 : i32
    %c0_i32_0 = arith.constant 0 : i32
    %c0_i32_1 = arith.constant 0 : i32
    return %c0_i32, %c0_i32_0 : i32, i32
  }
  func.func @transform_2(%arg0: i32) -> (i32, i32) {
    %c0_i32 = arith.constant 0 : i32
    %c0_i32_0 = arith.constant 0 : i32
    return %arg0, %c0_i32 : i32, i32
  }
  func.func @transform_3(%arg0: i32) -> (i32, i32) {
    %c0_i32 = arith.constant 0 : i32
    %c0_i32_0 = arith.constant 0 : i32
    return %arg0, %c0_i32 : i32, i32
  }
  func.func @transform_4(%arg0: i32) -> (i32, i32) {
    %c0_i32 = arith.constant 0 : i32
    %c0_i32_0 = arith.constant 0 : i32
    %c0_i32_1 = arith.constant 0 : i32
    return %c0_i32, %c0_i32_0 : i32, i32
  }
  func.func @transform_5(%arg0: i32) -> (i32, i32) {
    %c0_i32 = arith.constant 0 : i32
    %c0_i32_0 = arith.constant 0 : i32
    %c0_i32_1 = arith.constant 0 : i32
    return %c0_i32, %c0_i32_0 : i32, i32
  }
  func.func @transform_6(%arg0: i32) -> (i32, i32) {
    %c0_i32 = arith.constant 0 : i32
    %c0_i32_0 = arith.constant 0 : i32
    %c0_i32_1 = arith.constant 0 : i32
    return %c0_i32, %c0_i32_0 : i32, i32
  }
}

</mosaic_0001>

<sc_bundles>
// kernel: kernel.4.cloned.1.call-start
scs
__scs_entry_jumppad:
0x0: {  	(pc) =	sbr.rel $0x88, $3  }
0x1: {  	(tag) =	ssettag $0x0;
	lr =	simm.s32 $0x1  }
0x2: {  	[smem:$0x3F9E] =	sst lr;
	_ =	strace $0xD0000000  }
0x3: {  	_ = 	snop  }
0x4: {  	_ = 	snop  }
0x5: {  	_ = 	snop  }
0x6: {  	_ = 	snop  }
0x7: {  	_ = 	snop  }
__scs_overlays_trampoline_lowered:
0x8: {  	[smem:$0x3FAD] =	sst s0  }
0x9: {  	[smem:$0x3FAE] =	sst s1  }
0xa: {  	[smem:$0x3FAF] =	sst s2  }
0xb: {  	[smem:$0x3FB0] =	sst s3  }
0xc: {  	[smem:$0x3FB1] =	sst s4  }
0xd: {  	[smem:$0x3FB2] =	sst s5  }
0xe: {  	[smem:$0x3FB3] =	sst s6  }
0xf: {  	[smem:$0x3FB4] =	sst s7  }
0x10: {  	[smem:$0x3FB5] =	sst s8  }
0x11: {  	[smem:$0x3FB6] =	sst s9;
	s0 =	simm.s32 @!p0 $0x0  }
0x12: {  	s1 =	sld [smem:$0x3F9C];
	s0 =	simm.s32 @p0 $0x1  }
0x13: {  	[smem:$0x3FB7] =	sst s0;
	s0 =	simm.s32 @!p1 $0x0  }
0x14: {  	s2 =	sld [smem:$0x3F9B];
	s0 =	simm.s32 @p1 $0x1  }
0x15: {  	[smem:$0x3FB8] =	sst s0;
	s0 =	simm.s32 @!p2 $0x0  }
0x16: {  	s3 =	sld [smem:$0x3FDB];
	s0 =	simm.s32 @p2 $0x1  }
0x17: {  	s4 =	simm.s32 $0x1BF5;
	[smem:$0x3FBA] =	sst s0  }
0x18: {  	s0 =	sld [smem:$0x3F9D];
	_ =	swait.ge [sflag:s4], $0x0  }
0x19: {  	s7 =	sld [smem:$0x3F9E]  }
0x1a: {  	s8 =	sadd.s32 $0xFFFFE003, lr  }
0x1b: {  	s9 =	sadd.s32 $0xFFFFFEF7, lr;
	s5 =	simm.s32 $0xFFFFFFFF;
	p2 =	slt.u32 s8, $0xFFFFF086  }
0x1c: {  	p1 =	slt.u32 s9, $0xF7A;
	s5 =	simm.s32 @!p2 $0x0  }
0x1d: {  	s5 =	simm.s32 @p1 $0x1;
	p0 =	seq.s32 s7, s2  }
0x1e: {  	s7 =	smul.u32 @!p0 $0xF7A, s2;
	p2 =	seq.s32 @!p0 s5, $0x0  }
0x1f: {  	s9 =	smul.u32 $0xF7A, s1;
	s8 =	simm.s32 @!p0 $0x1BF5;
	p2 =	por !p2, p0  }
0x20: {  	[sflag:s8] =	ssyncset.s32 @!p0 $0xFFFFF086;
	s6 =	sadd.s32 @!p0 s3, s7;
	s7 =	simm.s32 @!p0 $0x108  }
0x21: {  	s3 =	sadd.s32 s3, s9;
	s6 =	sadd.s32 @!p0 $0x88, s6;
	s7 =	simm.s32 @p2 $0x1082  }
0x22: {  	[simem:s7], [sflag:s8] =	dma.local @!p0 [hbm:s6], $0xF7A  }
0x23: {  	s9 =	sor.u32 $0xD0000000, s2;
	s6 =	simm.s32 $0x108;
	_ =	swait.ge @!p0 [sflag:s8], $0x0  }
0x24: {  	s3 =	sadd.s32 $0x88, s3;
	s6 =	simm.s32 @!p1 $0x1082;
	[sflag:s4] =	ssyncset.s32 $0xFFFFF086  }
0x25: {  	[simem:s6], [sflag:s4] =	dma.local [hbm:s3], $0xF7A  }
0x26: {  	[smem:$0x3F9E] =	sst s1;
	(tag) =	ssettag s2;
	_ =	strace s9  }
0x27: {  	s1 =	sld [smem:$0x3FAE]  }
0x28: {  	s2 =	sld [smem:$0x3FAF]  }
0x29: {  	s4 =	sld [smem:$0x3FB1]  }
0x2a: {  	p0 =	seq.s32 s5, $0x0;
	s5 =	sld [smem:$0x3FB2]  }
0x2b: {  	s6 =	sld [smem:$0x3FB3]  }
0x2c: {  	s7 =	sld [smem:$0x3FB4]  }
0x2d: {  	s3 =	simm.s32 $0x108;
	s8 =	sld [smem:$0x3FB5]  }
0x2e: {  	s3 =	simm.s32 @!p0 $0x1082;
	s9 =	sld [smem:$0x3FB6]  }
0x2f: {  	lr =	sadd.s32 s0, s3;
	s0 =	sld [smem:$0x3FAD]  }
0x30: {  	s3 =	sld [smem:$0x3FB0]  }
0x31: {  	[smem:$0x3FB9] =	sst s10  }
0x32: {  	s10 =	sld [smem:$0x3FB7];
	_ =	sdelay $0x3  }
0x33: {  	p0 =	seq.s32 s10, $0x1;
	s10 =	sld [smem:$0x3FB9];
	_ =	sdelay $0x3  }
0x34: {  	[smem:$0x3FB9] =	sst s10  }
0x35: {  	s10 =	sld [smem:$0x3FB8];
	_ =	sdelay $0x3  }
0x36: {  	p1 =	seq.s32 s10, $0x1;
	s10 =	sld [smem:$0x3FB9];
	_ =	sdelay $0x3  }
0x37: {  	[smem:$0x3FB9] =	sst s10  }
0x38: {  	s10 =	sld [smem:$0x3FBA]  }
0x39: {  	_ = 	snop;
	(pc) =	sbr.ind lr, $3  }
0x3a: {  	_ = 	snop  }
0x3b: {  	_ = 	snop  }
0x3c: {  	p2 =	seq.s32 s10, $0x1;
	s10 =	sld [smem:$0x3FB9]  }
0x3d: {  	_ =	shalt  }
0x3e: {  	_ =	shalt  }
0x3f: {  	_ =	shalt  }
0x40: {  	_ =	shalt  }
0x41: {  	_ =	shalt  }
0x42: {  	_ =	shalt  }
0x43: {  	_ =	shalt  }
0x44: {  	_ =	shalt  }
0x45: {  	_ =	shalt  }
0x46: {  	_ =	shalt  }
0x47: {  	_ =	shalt  }
0x48: {  	_ =	shalt  }
0x49: {  	_ =	shalt  }
0x4a: {  	_ =	shalt  }
0x4b: {  	_ =	shalt  }
0x4c: {  	_ =	shalt  }
0x4d: {  	_ =	shalt  }
0x4e: {  	_ =	shalt  }
0x4f: {  	_ =	shalt  }
0x50: {  	_ =	shalt  }
0x51: {  	_ =	shalt  }
0x52: {  	_ =	shalt  }
0x53: {  	_ =	shalt  }
0x54: {  	_ =	shalt  }
0x55: {  	_ =	shalt  }
0x56: {  	_ =	shalt  }
0x57: {  	_ =	shalt  }
0x58: {  	_ =	shalt  }
0x59: {  	_ =	shalt  }
0x5a: {  	_ =	shalt  }
0x5b: {  	_ =	shalt  }
0x5c: {  	_ =	shalt  }
0x5d: {  	_ =	shalt  }
0x5e: {  	_ =	shalt  }
0x5f: {  	_ =	shalt  }
0x60: {  	_ =	shalt  }
0x61: {  	_ =	shalt  }
0x62: {  	_ =	shalt  }
0x63: {  	_ =	shalt  }
0x64: {  	_ =	shalt  }
0x65: {  	_ =	shalt  }
0x66: {  	_ =	shalt  }
0x67: {  	_ =	shalt  }
0x68: {  	_ =	shalt  }
0x69: {  	_ =	shalt  }
0x6a: {  	_ =	shalt  }
0x6b: {  	_ =	shalt  }
0x6c: {  	_ =	shalt  }
0x6d: {  	_ =	shalt  }
0x6e: {  	_ =	shalt  }
0x6f: {  	_ =	shalt  }
0x70: {  	_ =	shalt  }
0x71: {  	_ =	shalt  }
0x72: {  	_ =	shalt  }
0x73: {  	_ =	shalt  }
0x74: {  	_ =	shalt  }
0x75: {  	_ =	shalt  }
0x76: {  	_ =	shalt  }
0x77: {  	_ =	shalt  }
0x78: {  	_ =	shalt  }
0x79: {  	_ =	shalt  }
0x7a: {  	_ =	shalt  }
0x7b: {  	_ =	shalt  }
0x7c: {  	_ =	shalt  }
0x7d: {  	_ =	shalt  }
0x7e: {  	_ =	shalt  }
0x7f: {  	_ =	shalt  }
0x80: {  	_ =	shalt  }
0x81: {  	_ =	shalt  }
0x82: {  	_ =	shalt  }
0x83: {  	_ =	shalt  }
0x84: {  	_ =	shalt  }
0x85: {  	_ =	shalt  }
0x86: {  	_ =	shalt  }
0x87: {  	_ =	shalt  }
.Lfunc_end0:
.L_simem_size_0:
called_computation.1_lowered:
.L_overlay_start_0:
0x88: {  	s2 =	sld [smem:$0x3FD9]  }
0x89: {  	s3 =	sld [smem:$0x3FFE];
	_ =	sdelay $0x1  }
0x8a: {  	s1 =	srdreg.scid  }
0x8b: {  	s0 =	sand.u32 $0x1, s1  }
0x8c: {  	s17 =	sshll.u32 s0, $0xA;
	s2 =	sadd.s32 s3, s2  }
0x8d: {  	s2 =	sadd.s32 s2, s17  }
0x8e: {  	[smem:$0x3FC5] =	sst s2  }
0x8f: {  	_ = 	snop  }
0x90: {  	s2 =	sld [smem:$0x3FD0];
	(tm) =	ssettm $0x1  }
0x91: {  	s18 =	sld [smem:$0x3FFB];
	_ =	sdelay $0x3  }
0x92: {  	_ =	strace s18  }
0x93: {  	s3 =	sld [smem:$0x3FFC];
	_ =	sdelay $0x3  }
0x94: {  	_ =	strace s3  }
0x95: {  	s3 =	sld [smem:$0x3FFD];
	_ =	sdelay $0x3  }
0x96: {  	_ =	strace s3  }
0x97: {  	_ =	strace $0x8FFFFFFF  }
0x98: {  	s19 =	sld [smem:$0x3FDB];
	_ =	sdelay $0x1  }
0x99: {  	s4 =	simm.s32 $_scs_section_size  }
0x9a: {  	s5 =	simm.s32 $_size__tile_overlayer_lowered;
	s6 =	simm.s32 $_tile_overlayer_lowered  }
0x9b: {  	s22 =	simm.s32 $0x1BFF;
	s21 =	sshll.u32 s6, $0x1;
	s3 =	sadd.s32 s4, s19  }
0x9c: {  	s7 =	simm.s32 $0x0;
	s20 =	sshll.u32 s5, $0x1;
	s5 =	sadd.s32 s21, s3  }
0x9d: {  	[timem:s7], [sflag:s22] =	dma.local [hbm:s5], s20  }
0x9e: {  	_ =	swait.ge [sflag:s22], s20  }
0x9f: {  	s4 =	ssub.s32 $0x0, s20;
	[sflag:s22] =	ssyncset.done $0x0  }
0xa0: {  	[sflag:s22] =	ssyncadd.s32 s4;
	_ =	sdelay $0x1  }
0xa1: {  	s23 =	simm.s32 $0x1B8B  }
0xa2: {  	_ =	swait.ge [sflag:s23], $0x1  }
0xa3: {  	[sflag:s23] =	ssyncset.done $0x0  }
0xa4: {  	s25 =	simm.s32 $0x1B8E;
	s24 =	sld [smem:$0x3FFE];
	[sflag:s23] =	ssyncadd.s32 $0xFFFFFFFF  }
0xa5: {  	s26 =	simm.s32 $execute0_lowered;
	[smem:$0x3FD2] =	sst s25  }
0xa6: {  	s5 =	sshll.u32 s26, $0x1;
	_ =	strace $0x80000049;
	[dreg:$0x1] =	wrdreg $0xFFFFFFFF  }
0xa7: {  	s28 =	simm.s32 $_size_execute0_lowered;
	s3 =	sadd.s32 s3, s5;
	[dreg:$0x0] =	wrdreg $0x0  }
0xa8: {  	s5 =	sshll.u32 s28, $0x1;
	[dreg:$0x2] =	wrdreg s3  }
0xa9: {  	[dreg:$0x3] =	wrdreg s5  }
0xaa: {  	[dreg:$0x4] =	wrdreg $0xC0  }
0xab: {  	_ =	task [dreg:s7], $0x5FFFF  }
0xac: {  	[dreg:$0x1] =	wrdreg $0xFFFFFFFF  }
0xad: {  	[dreg:$0x0] =	wrdreg $0x60  }
0xae: {  	[dreg:$0x2] =	wrdreg s24  }
0xaf: {  	[dreg:$0x3] =	wrdreg s2  }
0xb0: {  	[dreg:$0x4] =	wrdreg $0x9  }
0xb1: {  	_ =	task.clear_ibuf [dreg:s7], $0x5FFFF;
	_ =	strace $0x90000049  }
0xb2: {  	s29 =	simm.s32 $0x9;
	_ =	strace $0x8000004F  }
0xb3: {  	_ =	swait.ge [sflag:s29], $0x1  }
0xb4: {  	[sflag:s29] =	ssyncadd.s32 $0xFFFFFFFF  }
0xb5: {  	_ =	strace $0x9000004F  }
0xb6: {  	_ =	sfence  }
0xb7: {  	s30 =	sld [smem:$0x0];
	_ =	sdelay $0x2  }
0xb8: {  	s31 =	sshll.u32 s1, $0xD;
	s1 =	sshrl.u32 s1, $0x2  }
0xb9: {  	s3 =	sand.u32 $0x4000, s31;
	s1 =	sadd.s32 s1, s30  }
0xba: {  	s0 =	sor.u32 s3, s0;
	s1 =	sshll.u32 s1, $0x11  }
0xbb: {  	s0 =	sor.u32 s1, s0  }
0xbc: {  	s0 =	sadd.s32 $0x8F2B, s0  }
0xbd: {  	[sflag:s0] =	ssyncadd.remote.s32 $0x1  }
0xbe: {  	_ =	sfence.sel $0xFFFF  }
0xbf: {  	[dreg:$0x0] =	wrdreg $0xFFFFFFFF;
	(pc) =	sbr.abs _section_cstart, $3  }
0xc0: {  	[dreg:$0x1] =	wrdreg $0xFFFFFFFF  }
0xc1: {  	_ =	task.clear_ibuf [dreg:s7], $0x2FFFF;
	_ =	strace $0x9FFFFFFF  }
0xc2: {  	(tm) =	ssettm $0x7FFFFFFF  }
0xc3: {  	_ =	shalt  }
tec
execute0_lowered:
.L_overlay_start_1:
0x0: {  	(tag) =	ssettag $0x1  }
0x1: {  	s0 =	rddreg [dreg:$0x0]  }
0x2: {  	s1 =	rddreg [dreg:$0x1];
	s7 =	simm.s32 $0x0;
	s2 =	srdreg.scid  }
0x3: {  	s5 =	stileid.u32;
	s17 =	simm.s32 $0x18820;
	s19 =	simm.s32 $0x189B8  }
0x4: {  	s20 =	simm.s32 $0x18DB8;
	s28 =	simm.s32 $0x2;
	s29 =	simm.s32 $0x12D00  }
0x5: {  	s30 =	simm.s32 $0x32;
	s31 =	simm.s32 $0x18500;
	s9 =	simm.s32 $0x0  }
0x6: {  	[smem:$0x7FF] =	sst s7;
	s3 =	sadd.s32 $0x7A2A00, s0;
	s6 =	sadd.s32 $0x1600, s0  }
0x7: {  	s8 =	sadd.s32 $0x7A2600, s0;
	_ =	strace $0x8000004A;
	[dreg:$0x3] =	wrdreg s6  }
0x8: {  	s4 =	sadd.s32 $0xDBD200, s0;
	s22 =	sadd.s32 $0x7A2800, s0;
	[dreg:$0x4] =	wrdreg s8  }
0x9: {  	s2 =	sand.u32 $0x1, s2;
	s0 =	sadd.s32 $0x1400, s0;
	[dreg:$0x5] =	wrdreg s22  }
0xa: {  	s5 =	sshll.u32 s5, $0x5;
	s21 =	sshll.u32 s2, $0x4;
	[dreg:$0x6] =	wrdreg s0  }
0xb: {  	s23 =	ssub.s32 $0x2, s2;
	s6 =	simm.s32 $0x4;
	s22 =	simm.s32 $0x10  }
0xc: {  	s2 =	simm.s32 $0x17D00;
	s8 =	sor.u32 s21, s5;
	s25 =	sshrl.u32 s23, $0x1  }
0xd: {  	s21 =	simm.s32 $0x13500;
	s24 =	sshrl.u32 s8, $0x3;
	s26 =	sshll.u32 s8, $0x1  }
0xe: {  	s0 =	ssub.s32 s23, s25;
	s13 =	sor.u32 $0x1F4000, s8;
	s1 =	sadd.s32 s1, s26  }
0xf: {  	s14 =	sor.u32 $0x2EE000, s8;
	s0 =	smax.u32 s0, $0x1;
	[dreg:$0x9] =	wrdreg s1  }
0x10: {  	v0 =	vlaneseq.u32;
	s23 =	simm.s32 $0x200;
	s12 =	sadd.s32 s3, s24;
	[dreg:$0xb] =	wrdreg s0  }
0x11: {  	v1 =	vmul.u32 $0x198, v0;
	v2 =	vmul.u32 $0x200, v0;
	v3 =	vmul.u32 $0x40, v0;
	s25 =	simm.s32 $0x1;
	s1 =	sadd.s32 $0x400, s1;
	[dreg:$0x7] =	wrdreg s12  }
0x12: {  	v4 =	vimm.s32 $0x0;
	v5 =	vimm.s32 $0x1;
	v7 =	vimm.f32 $0.0e+00;
	s24 =	simm.s32 $0x7D00;
	s5 =	sadd.s32 $0x1F400, s12;
	[dreg:$0xa] =	wrdreg s1  }
0x13: {  	v6 =	vadd.s32 $0x1980, v1;
	v8 =	vor.u32 $0x2000, v2;
	v9 =	vor.u32 $0x400, v3;
	s26 =	simm.s32 $0xFA00;
	s0 =	simm.s32 $0x3;
	[dreg:$0x8] =	wrdreg s5  }
.LBB2_1:
0x14: {  	[dreg:$0xc] =	wrdreg s9  }
0x15: {  	s1 =	rddreg [dreg:$0x3]  }
0x16: {  	[tilespmem:s17], [sflag:$0x4] =	stream.linear.gather [hbm4b:s1+s7], $0x198, $0x38;
	[tilespmem:$0x193C8] =	vst v63  }
0x17: {  	_ =	swait.ge [sflag:s6], $0x198  }
0x18: {  	[sflag:s6] =	ssyncset.done $0x0  }
0x19: {  	s11 =	rddreg [dreg:$0x4];
	[sflag:s6] =	ssyncadd.s32 $0xFFFFFE68  }
0x1a: {  	[tilespmem:s19], [sflag:$0x4] =	stream.linear.gather [hbm4b:s11+s7], $0x400, $0x38;
	[tilespmem:$0x193C8] =	vst v63  }
0x1b: {  	_ =	swait.ge [sflag:s6], $0x400  }
0x1c: {  	[sflag:s6] =	ssyncset.done $0x0  }
0x1d: {  	s15 =	rddreg [dreg:$0x5];
	[sflag:s6] =	ssyncadd.s32 $0xFFFFFC00  }
0x1e: {  	[tilespmem:s20], [sflag:$0x4] =	stream.linear.gather [hbm4b:s15+s7], $0x400, $0x38;
	[tilespmem:$0x193C8] =	vst v63  }
0x1f: {  	_ =	swait.ge [sflag:s6], $0x400  }
0x20: {  	[sflag:s6] =	ssyncset.done $0x0  }
0x21: {  	s18 =	simm.s32 $0x191B8;
	s16 =	rddreg [dreg:$0x6];
	[sflag:s6] =	ssyncadd.s32 $0xFFFFFC00  }
0x22: {  	[tilespmem:s18], [sflag:$0x4] =	stream.linear.gather [hbm4b:s16+s7], $0x10, $0x38;
	[tilespmem:$0x193C8] =	vst v63  }
0x23: {  	_ =	swait.ge [sflag:s6], $0x10  }
0x24: {  	[sflag:s6] =	ssyncset.done $0x0  }
0x25: {  	s1 =	simm.s32 $0x40;
	[sflag:s6] =	ssyncadd.s32 $0xFFFFFFF0;
	s6 =	simm.s32 $0x0  }
.LBB2_2:
0x26: {  	p0 =	sne.s32 s1, $0xCBC0;
	[tilespmem:s6+$0xFA00] =	vst v4;
	s6 =	smov.u32 s1;
	s1 =	sadd.s32 $0x40, s1  }
.Ltmp0:
0x27: {  	(pc) =	sbr.rel @p0 .LBB2_2-.Ltmp0, $2  }
0x28: {  	_ =	sdelay $0x2  }
0x29: {  	s6 =	sshra.s32 s6, $0x2  }
0x2a: {  	[tilespmem:s6+$0xFA00] =	vst v4  }
0x2b: {  	s6 =	simm.s32 $0x0;
	_ =	strace $0x8000004B  }
0x2c: {  	[tilespmem:s6], [sflag:$0x1] =	stream.strided.gather [hbm4b:s12+s22], $0x7D00, s23, s22, $0x200038;
	[tilespmem:$0x193C8] =	vst v63  }
0x2d: {  	_ = 	snop  }
0x2e: {  	[tilespmem:s24], [sflag:$0x2] =	stream.strided.gather [hbm4b:s5+s22], $0x7D00, s23, s22, $0x200038;
	[tilespmem:$0x193C8] =	vst v63  }
.LBB2_4:
0x2f: {  	_ =	swait.ge [sflag:s25], $0x7D00  }
0x30: {  	[sflag:s25] =	ssyncset.done $0x0  }
0x31: {  	s1 =	simm.s32 $0x40;
	[sflag:s25] =	ssyncadd.s32 $0xFFFF8300  }
0x32: {  	v10 =	vld [tilespmem:s1+$0x30]  }
0x33: {  	v11 =	vld [tilespmem:s1+$0xFFFFFFD0]  }
0x34: {  	v14 =	vld [tilespmem:s1+$0x0]  }
0x35: {  	v12 =	vld [tilespmem:s1+$0x10]  }
0x36: {  	v13 =	vld [tilespmem:s1+$0xFFFFFFF0];
	_ =	sdelay $0x1  }
0x37: {  	v15 =	vshrl.u32 v10, $0xF;
	v10 =	vand.u32 $0x7FFF, v10  }
0x38: {  	v20 =	vand.u32 $0x7FFF, v11;
	v17 =	vshrl.u32 v14, $0xF;
	v16 =	vadd.s32 v6, v15  }
0x39: {  	v15 =	vand.u32 $0x7, v15;
	v10 =	vadd.s32 v1, v10;
	v16 =	vand.u32 $0x3FFF8, v16  }
0x3a: {  	v19 =	vld [tilespmem:s1+$0xFFFFFFE0];
	v21 =	vshrl.u32 v13, $0xF;
	v15 =	vor.u32 v15, v16;
	v16 =	vand.u32 $0x7FFF, v12  }
0x3b: {  	v13 =	vand.u32 $0x7FFF, v13;
	v14 =	vand.u32 $0x7FFF, v14;
	v16 =	vadd.s32 v1, v16  }
0x3c: {  	v22 =	vand.u32 $0x7, v21;
	v23 =	vand.u32 $0x7, v17;
	v12 =	vshrl.u32 v12, $0xF  }
0x3d: {  	v24 =	vadd.s32 v6, v17;
	v18 =	vand.u32 $0x7, v12;
	v12 =	vadd.s32 v6, v12  }
0x3e: {  	v25 =	vadd.s32 v1, v13;
	v12 =	vand.u32 $0x3FFF8, v12;
	[tilespmem:v10+s26+$0x0] =	vst.idx.add.s32.msk $0xffff, v5;
	v10 =	vshrl.u32 v11, $0xF  }
0x3f: {  	v11 =	vor.u32 v18, v12;
	v12 =	vshrl.u32 v19, $0xF;
	v17 =	vadd.s32 v6, v10;
	[tilespmem:v15+s26+$0x0] =	vst.idx.add.s32.msk $0xffff, v5  }
0x40: {  	v10 =	vand.u32 $0x7, v10;
	v13 =	vand.u32 $0x3FFF8, v17;
	[tilespmem:v16+s26+$0x0] =	vst.idx.add.s32.msk $0xffff, v5;
	v16 =	vadd.s32 v6, v12  }
0x41: {  	v15 =	vadd.s32 v6, v21;
	v17 =	vld [tilespmem:s1+$0xFFFFFFC0];
	v62 =	vand.u32 $0x3FFF8, v16;
	v16 =	vadd.s32 v1, v14  }
0x42: {  	v18 =	vld [tilespmem:s1+$0x20];
	v10 =	vor.u32 v10, v13;
	v12 =	vand.u32 $0x7, v12;
	v13 =	vand.u32 $0x3FFF8, v24  }
0x43: {  	[tilespmem:v25+s26+$0x0] =	vst.idx.add.s32.msk $0xffff, v5;
	v63 =	vand.u32 $0x3FFF8, v15;
	v14 =	vadd.s32 v1, v20;
	v13 =	vor.u32 v23, v13  }
0x44: {  	s7 =	simm.s32 $0xC0;
	s1 =	simm.s32 $0x0;
	v15 =	vand.u32 $0x7FFF, v19;
	[tilespmem:v11+s26+$0x0] =	vst.idx.add.s32.msk $0xffff, v5;
	v11 =	vor.u32 v12, v62;
	v12 =	vor.u32 v22, v63  }
.LBB2_5:
0x45: {  	v19 =	vld [tilespmem:s7+$0xFFFFFFD0];
	s1 =	sadd.s32 $0x8, s1  }
0x46: {  	v15 =	vadd.s32 v1, v15;
	p0 =	slt.u32 s1, $0x7C8;
	v20 =	vshrl.u32 v17, $0xF;
	v17 =	vand.u32 $0x7FFF, v17;
	[tilespmem:v16+s26+$0x0] =	vst.idx.add.s32.msk $0xffff, v5  }
0x47: {  	v16 =	vld [tilespmem:s7+$0x30];
	v21 =	vand.u32 $0x7, v20;
	v22 =	vshrl.u32 v18, $0xF;
	v18 =	vand.u32 $0x7FFF, v18  }
0x48: {  	v17 =	vadd.s32 v1, v17;
	v23 =	vld [tilespmem:s7+$0xFFFFFFE0];
	v18 =	vadd.s32 v1, v18;
	v24 =	vadd.s32 v6, v22  }
0x49: {  	v20 =	vadd.s32 v6, v20;
	v22 =	vand.u32 $0x7, v22;
	v25 =	vld [tilespmem:s7+$0xFFFFFFF0];
	v24 =	vand.u32 $0x3FFF8, v24  }
0x4a: {  	v20 =	vand.u32 $0x3FFF8, v20;
	v26 =	vld [tilespmem:s7+$0x0];
	v22 =	vor.u32 v22, v24  }
0x4b: {  	v20 =	vor.u32 v21, v20;
	v24 =	vld [tilespmem:s7+$0x10]  }
0x4c: {  	v21 =	vshrl.u32 v16, $0xF;
	v16 =	vand.u32 $0x7FFF, v16;
	[tilespmem:v14+s26+$0x0] =	vst.idx.add.s32.msk $0xffff, v5  }
0x4d: {  	v14 =	vadd.s32 v6, v21;
	[tilespmem:v17+s26+$0x0] =	vst.idx.add.s32.msk $0xffff, v5  }
0x4e: {  	v16 =	vadd.s32 v1, v16;
	v17 =	vand.u32 $0x7, v21;
	v14 =	vand.u32 $0x3FFF8, v14;
	[tilespmem:v15+s26+$0x0] =	vst.idx.add.s32.msk $0xffff, v5  }
0x4f: {  	v14 =	vor.u32 v17, v14;
	[tilespmem:v13+s26+$0x0] =	vst.idx.add.s32.msk $0xffff, v5  }
0x50: {  	[tilespmem:v18+s26+$0x0] =	vst.idx.add.s32.msk $0xffff, v5  }
0x51: {  	v13 =	vand.u32 $0x7FFF, v19;
	v15 =	vshrl.u32 v24, $0xF;
	v17 =	vand.u32 $0x7FFF, v24;
	[tilespmem:v20+s26+$0x0] =	vst.idx.add.s32.msk $0xffff, v5  }
0x52: {  	v18 =	vshrl.u32 v26, $0xF;
	v17 =	vadd.s32 v1, v17;
	v20 =	vand.u32 $0x7, v15;
	[tilespmem:v22+s26+$0x0] =	vst.idx.add.s32.msk $0xffff, v5  }
0x53: {  	v21 =	vshrl.u32 v25, $0xF;
	v24 =	vand.u32 $0x7FFF, v26;
	v22 =	vand.u32 $0x7FFF, v25;
	[tilespmem:v12+s26+$0x0] =	vst.idx.add.s32.msk $0xffff, v5  }
0x54: {  	v15 =	vadd.s32 v6, v15;
	v25 =	vand.u32 $0x7, v18;
	v12 =	vand.u32 $0x7, v21;
	[tilespmem:v16+s26+$0x0] =	vst.idx.add.s32.msk $0xffff, v5  }
0x55: {  	v26 =	vshrl.u32 v23, $0xF;
	v18 =	vadd.s32 v6, v18;
	v16 =	vand.u32 $0x3FFF8, v15;
	[tilespmem:v11+s26+$0x0] =	vst.idx.add.s32.msk $0xffff, v5  }
0x56: {  	v15 =	vand.u32 $0x7FFF, v23;
	v11 =	vshrl.u32 v19, $0xF;
	v19 =	vor.u32 v20, v16;
	[tilespmem:v10+s26+$0x0] =	vst.idx.add.s32.msk $0xffff, v5  }
0x57: {  	v20 =	vadd.s32 v1, v22;
	v10 =	vadd.s32 v6, v11;
	v11 =	vand.u32 $0x7, v11;
	[tilespmem:v17+s26+$0x0] =	vst.idx.add.s32.msk $0xffff, v5  }
.Ltmp1:
0x58: {  	v21 =	vadd.s32 v6, v21;
	v16 =	vadd.s32 v6, v26;
	v10 =	vand.u32 $0x3FFF8, v10;
	[tilespmem:v14+s26+$0x0] =	vst.idx.add.s32.msk $0xffff, v5;
	(pc) =	sbr.rel @p0 .LBB2_5-.Ltmp1, $4  }
0x59: {  	v10 =	vor.u32 v11, v10;
	v11 =	vand.u32 $0x3FFF8, v16;
	v16 =	vadd.s32 v1, v24;
	v17 =	vld [tilespmem:s7+$0xFFFFFFC0]  }
0x5a: {  	v21 =	vand.u32 $0x3FFF8, v21;
	v23 =	vand.u32 $0x3FFF8, v18;
	v22 =	vand.u32 $0x7, v26;
	v18 =	vld [tilespmem:s7+$0x20]  }
0x5b: {  	v14 =	vadd.s32 v1, v13;
	v13 =	vor.u32 v25, v23;
	[tilespmem:v19+s26+$0x0] =	vst.idx.add.s32.msk $0xffff, v5  }
0x5c: {  	v12 =	vor.u32 v12, v21;
	v11 =	vor.u32 v22, v11;
	s7 =	sadd.s32 $0x80, s7;
	[tilespmem:v20+s26+$0x0] =	vst.idx.add.s32.msk $0xffff, v5  }
0x5d: {  	_ =	sdelay $0x3  }
0x5e: {  	v15 =	vadd.s32 v1, v15;
	[tilespmem:v16+s26+$0x0] =	vst.idx.add.s32.msk $0xffff, v5;
	v19 =	vand.u32 $0x7FFF, v17;
	v17 =	vshrl.u32 v17, $0xF  }
0x5f: {  	[tilespmem:v14+s26+$0x0] =	vst.idx.add.s32.msk $0xffff, v5;
	v19 =	vadd.s32 v1, v19;
	v20 =	vand.u32 $0x7, v17  }
0x60: {  	[tilespmem:v12+s26+$0x0] =	vst.idx.add.s32.msk $0xffff, v5;
	v21 =	vshrl.u32 v18, $0xF;
	v18 =	vand.u32 $0x7FFF, v18;
	v17 =	vadd.s32 v6, v17  }
0x61: {  	[tilespmem:v13+s26+$0x0] =	vst.idx.add.s32.msk $0xffff, v5;
	v16 =	vadd.s32 v1, v18;
	v18 =	vadd.s32 v6, v21;
	v17 =	vand.u32 $0x3FFF8, v17  }
0x62: {  	[tilespmem:v10+s26+$0x0] =	vst.idx.add.s32.msk $0xffff, v5;
	v21 =	vand.u32 $0x7, v21;
	v18 =	vand.u32 $0x3FFF8, v18;
	v17 =	vor.u32 v20, v17  }
0x63: {  	p0 =	seq.s32 s6, $0x18;
	v14 =	vor.u32 v21, v18;
	[tilespmem:v15+s26+$0x0] =	vst.idx.add.s32.msk $0xffff, v5  }
0x64: {  	s1 =	smul.u32 @!p0 $0x1F4000, s6;
	[tilespmem:v11+s26+$0x0] =	vst.idx.add.s32.msk $0xffff, v5  }
0x65: {  	[tilespmem:v19+s26+$0x0] =	vst.idx.add.s32.msk $0xffff, v5  }
0x66: {  	s1 =	sadd.s32 @!p0 s13, s1;
	[tilespmem:v16+s26+$0x0] =	vst.idx.add.s32.msk $0xffff, v5  }
0x67: {  	s7 =	simm.s32 @!p0 $0x10;
	s1 =	sshrl.u32 @!p0 s1, $0x3;
	[tilespmem:v17+s26+$0x0] =	vst.idx.add.s32.msk $0xffff, v5  }
0x68: {  	s9 =	simm.s32 @!p0 $0x200;
	s10 =	simm.s32 @!p0 $0x0;
	s1 =	sadd.s32 @!p0 s3, s1;
	[tilespmem:v14+s26+$0x0] =	vst.idx.add.s32.msk $0xffff, v5  }
0x69: {  	[tilespmem:s10], [sflag:$0x1] =	stream.strided.gather @!p0 [hbm4b:s1+s7], $0x7D00, s9, s7, $0x200038;
	[tilespmem:$0x193C8] =	vst v63  }
0x6a: {  	_ =	swait.ge [sflag:s28], $0x7D00  }
0x6b: {  	[sflag:s28] =	ssyncset.done $0x0  }
0x6c: {  	s18 =	simm.s32 $0x7D40;
	[sflag:s28] =	ssyncadd.s32 $0xFFFF8300  }
0x6d: {  	v10 =	vld [tilespmem:s18+$0x30]  }
0x6e: {  	v11 =	vld [tilespmem:s18+$0xFFFFFFD0]  }
0x6f: {  	v14 =	vld [tilespmem:s18+$0x0]  }
0x70: {  	v12 =	vld [tilespmem:s18+$0x10]  }
0x71: {  	v13 =	vld [tilespmem:s18+$0xFFFFFFF0];
	_ =	sdelay $0x1  }
0x72: {  	v15 =	vshrl.u32 v10, $0xF;
	v10 =	vand.u32 $0x7FFF, v10  }
0x73: {  	v20 =	vand.u32 $0x7FFF, v11;
	v17 =	vshrl.u32 v14, $0xF;
	v16 =	vadd.s32 v6, v15  }
0x74: {  	v15 =	vand.u32 $0x7, v15;
	v10 =	vadd.s32 v1, v10;
	v16 =	vand.u32 $0x3FFF8, v16  }
0x75: {  	v19 =	vld [tilespmem:s18+$0xFFFFFFE0];
	v61 =	vshrl.u32 v13, $0xF;
	v15 =	vor.u32 v15, v16;
	v16 =	vand.u32 $0x7FFF, v12  }
0x76: {  	v13 =	vand.u32 $0x7FFF, v13;
	v14 =	vand.u32 $0x7FFF, v14;
	v16 =	vadd.s32 v1, v16  }
0x77: {  	v22 =	vand.u32 $0x7, v61;
	v23 =	vand.u32 $0x7, v17;
	v12 =	vshrl.u32 v12, $0xF  }
0x78: {  	v24 =	vadd.s32 v6, v17;
	v18 =	vand.u32 $0x7, v12;
	v12 =	vadd.s32 v6, v12  }
0x79: {  	v25 =	vadd.s32 v1, v13;
	v12 =	vand.u32 $0x3FFF8, v12;
	[tilespmem:v10+s26+$0x0] =	vst.idx.add.s32.msk $0xffff, v5;
	v10 =	vshrl.u32 v11, $0xF  }
0x7a: {  	v11 =	vor.u32 v18, v12;
	v12 =	vshrl.u32 v19, $0xF;
	v17 =	vadd.s32 v6, v10;
	[tilespmem:v15+s26+$0x0] =	vst.idx.add.s32.msk $0xffff, v5  }
0x7b: {  	v10 =	vand.u32 $0x7, v10;
	v13 =	vand.u32 $0x3FFF8, v17;
	[tilespmem:v16+s26+$0x0] =	vst.idx.add.s32.msk $0xffff, v5;
	v16 =	vadd.s32 v6, v12  }
0x7c: {  	v15 =	vadd.s32 v6, v61;
	v17 =	vld [tilespmem:s18+$0xFFFFFFC0];
	v62 =	vand.u32 $0x3FFF8, v16;
	v16 =	vadd.s32 v1, v14  }
0x7d: {  	v18 =	vld [tilespmem:s18+$0x20];
	v10 =	vor.u32 v10, v13;
	v12 =	vand.u32 $0x7, v12;
	v13 =	vand.u32 $0x3FFF8, v24  }
0x7e: {  	[tilespmem:v25+s26+$0x0] =	vst.idx.add.s32.msk $0xffff, v5;
	v63 =	vand.u32 $0x3FFF8, v15;
	v14 =	vadd.s32 v1, v20;
	v13 =	vor.u32 v23, v13  }
0x7f: {  	s1 =	simm.s32 $0x0;
	s7 =	simm.s32 $0x7DC0;
	v15 =	vand.u32 $0x7FFF, v19;
	[tilespmem:v11+s26+$0x0] =	vst.idx.add.s32.msk $0xffff, v5;
	v11 =	vor.u32 v12, v62;
	v12 =	vor.u32 v22, v63  }
.LBB2_7:
0x80: {  	v19 =	vld [tilespmem:s7+$0xFFFFFFD0];
	s1 =	sadd.s32 $0x8, s1  }
0x81: {  	v15 =	vadd.s32 v1, v15;
	p1 =	slt.u32 s1, $0x7C8;
	v20 =	vshrl.u32 v17, $0xF;
	v17 =	vand.u32 $0x7FFF, v17;
	[tilespmem:v16+s26+$0x0] =	vst.idx.add.s32.msk $0xffff, v5  }
0x82: {  	v16 =	vld [tilespmem:s7+$0x30];
	v21 =	vand.u32 $0x7, v20;
	v22 =	vshrl.u32 v18, $0xF;
	v18 =	vand.u32 $0x7FFF, v18  }
0x83: {  	v17 =	vadd.s32 v1, v17;
	v23 =	vld [tilespmem:s7+$0xFFFFFFE0];
	v18 =	vadd.s32 v1, v18;
	v24 =	vadd.s32 v6, v22  }
0x84: {  	v20 =	vadd.s32 v6, v20;
	v22 =	vand.u32 $0x7, v22;
	v25 =	vld [tilespmem:s7+$0xFFFFFFF0];
	v24 =	vand.u32 $0x3FFF8, v24  }
0x85: {  	v20 =	vand.u32 $0x3FFF8, v20;
	v26 =	vld [tilespmem:s7+$0x0];
	v22 =	vor.u32 v22, v24  }
0x86: {  	v20 =	vor.u32 v21, v20;
	v24 =	vld [tilespmem:s7+$0x10]  }
0x87: {  	v21 =	vshrl.u32 v16, $0xF;
	v16 =	vand.u32 $0x7FFF, v16;
	[tilespmem:v14+s26+$0x0] =	vst.idx.add.s32.msk $0xffff, v5  }
0x88: {  	v14 =	vadd.s32 v6, v21;
	[tilespmem:v17+s26+$0x0] =	vst.idx.add.s32.msk $0xffff, v5  }
0x89: {  	v16 =	vadd.s32 v1, v16;
	v17 =	vand.u32 $0x7, v21;
	v14 =	vand.u32 $0x3FFF8, v14;
	[tilespmem:v15+s26+$0x0] =	vst.idx.add.s32.msk $0xffff, v5  }
0x8a: {  	v14 =	vor.u32 v17, v14;
	[tilespmem:v13+s26+$0x0] =	vst.idx.add.s32.msk $0xffff, v5  }
0x8b: {  	[tilespmem:v18+s26+$0x0] =	vst.idx.add.s32.msk $0xffff, v5  }
0x8c: {  	v13 =	vand.u32 $0x7FFF, v19;
	v15 =	vshrl.u32 v24, $0xF;
	v17 =	vand.u32 $0x7FFF, v24;
	[tilespmem:v20+s26+$0x0] =	vst.idx.add.s32.msk $0xffff, v5  }
0x8d: {  	v18 =	vshrl.u32 v26, $0xF;
	v17 =	vadd.s32 v1, v17;
	v20 =	vand.u32 $0x7, v15;
	[tilespmem:v22+s26+$0x0] =	vst.idx.add.s32.msk $0xffff, v5  }
0x8e: {  	v21 =	vshrl.u32 v25, $0xF;
	v24 =	vand.u32 $0x7FFF, v26;
	v22 =	vand.u32 $0x7FFF, v25;
	[tilespmem:v12+s26+$0x0] =	vst.idx.add.s32.msk $0xffff, v5  }
0x8f: {  	v15 =	vadd.s32 v6, v15;
	v25 =	vand.u32 $0x7, v18;
	v12 =	vand.u32 $0x7, v21;
	[tilespmem:v16+s26+$0x0] =	vst.idx.add.s32.msk $0xffff, v5  }
0x90: {  	v26 =	vshrl.u32 v23, $0xF;
	v18 =	vadd.s32 v6, v18;
	v16 =	vand.u32 $0x3FFF8, v15;
	[tilespmem:v11+s26+$0x0] =	vst.idx.add.s32.msk $0xffff, v5  }
0x91: {  	v15 =	vand.u32 $0x7FFF, v23;
	v11 =	vshrl.u32 v19, $0xF;
	v19 =	vor.u32 v20, v16;
	[tilespmem:v10+s26+$0x0] =	vst.idx.add.s32.msk $0xffff, v5  }
0x92: {  	v20 =	vadd.s32 v1, v22;
	v10 =	vadd.s32 v6, v11;
	v11 =	vand.u32 $0x7, v11;
	[tilespmem:v17+s26+$0x0] =	vst.idx.add.s32.msk $0xffff, v5  }
.Ltmp2:
0x93: {  	v21 =	vadd.s32 v6, v21;
	v16 =	vadd.s32 v6, v26;
	v10 =	vand.u32 $0x3FFF8, v10;
	[tilespmem:v14+s26+$0x0] =	vst.idx.add.s32.msk $0xffff, v5;
	(pc) =	sbr.rel @p1 .LBB2_7-.Ltmp2, $4  }
0x94: {  	v10 =	vor.u32 v11, v10;
	v11 =	vand.u32 $0x3FFF8, v16;
	v16 =	vadd.s32 v1, v24;
	v17 =	vld [tilespmem:s7+$0xFFFFFFC0]  }
0x95: {  	v21 =	vand.u32 $0x3FFF8, v21;
	v23 =	vand.u32 $0x3FFF8, v18;
	v22 =	vand.u32 $0x7, v26;
	v18 =	vld [tilespmem:s7+$0x20]  }
0x96: {  	v14 =	vadd.s32 v1, v13;
	v13 =	vor.u32 v25, v23;
	[tilespmem:v19+s26+$0x0] =	vst.idx.add.s32.msk $0xffff, v5  }
0x97: {  	v12 =	vor.u32 v12, v21;
	v11 =	vor.u32 v22, v11;
	s7 =	sadd.s32 $0x80, s7;
	[tilespmem:v20+s26+$0x0] =	vst.idx.add.s32.msk $0xffff, v5  }
0x98: {  	_ =	sdelay $0x3  }
0x99: {  	v15 =	vadd.s32 v1, v15;
	[tilespmem:v16+s26+$0x0] =	vst.idx.add.s32.msk $0xffff, v5;
	v19 =	vand.u32 $0x7FFF, v17;
	v59 =	vshrl.u32 v17, $0xF  }
0x9a: {  	[tilespmem:v14+s26+$0x0] =	vst.idx.add.s32.msk $0xffff, v5;
	v19 =	vadd.s32 v1, v19;
	v20 =	vand.u32 $0x7, v59  }
0x9b: {  	[tilespmem:v12+s26+$0x0] =	vst.idx.add.s32.msk $0xffff, v5;
	v21 =	vshrl.u32 v18, $0xF;
	v60 =	vand.u32 $0x7FFF, v18;
	v17 =	vadd.s32 v6, v59  }
0x9c: {  	[tilespmem:v13+s26+$0x0] =	vst.idx.add.s32.msk $0xffff, v5;
	v61 =	vadd.s32 v1, v60;
	v62 =	vadd.s32 v6, v21;
	v17 =	vand.u32 $0x3FFF8, v17  }
0x9d: {  	[tilespmem:v10+s26+$0x0] =	vst.idx.add.s32.msk $0xffff, v5;
	v21 =	vand.u32 $0x7, v21;
	v18 =	vand.u32 $0x3FFF8, v62;
	v17 =	vor.u32 v20, v17  }
0x9e: {  	v63 =	vor.u32 v21, v18;
	[tilespmem:v15+s26+$0x0] =	vst.idx.add.s32.msk $0xffff, v5  }
.Ltmp3:
0x9f: {  	[tilespmem:v11+s26+$0x0] =	vst.idx.add.s32.msk $0xffff, v5;
	(pc) =	sbr.rel @p0 .LBB2_10-.Ltmp3, $4  }
0xa0: {  	[tilespmem:v19+s26+$0x0] =	vst.idx.add.s32.msk $0xffff, v5  }
0xa1: {  	[tilespmem:v61+s26+$0x0] =	vst.idx.add.s32.msk $0xffff, v5  }
0xa2: {  	[tilespmem:v17+s26+$0x0] =	vst.idx.add.s32.msk $0xffff, v5  }
0xa3: {  	[tilespmem:v63+s26+$0x0] =	vst.idx.add.s32.msk $0xffff, v5  }
0xa4: {  	s1 =	smul.u32 $0x1F4000, s6  }
.Ltmp4:
0xa5: {  	_ = 	snop;
	(pc) =	sbr.rel .LBB2_4-.Ltmp4, $4  }
0xa6: {  	s1 =	sadd.s32 s14, s1  }
0xa7: {  	s1 =	sshrl.u32 s1, $0x3  }
0xa8: {  	s6 =	sadd.s32 $0x1, s6;
	s1 =	sadd.s32 s3, s1  }
0xa9: {  	[tilespmem:s24], [sflag:$0x2] =	stream.strided.gather [hbm4b:s1+s22], $0x7D00, s23, s22, $0x200038;
	[tilespmem:$0x193C8] =	vst v63  }
.LBB2_10:
0xaa: {  	s6 =	simm.s32 $0x0  }
0xab: {  	v10 =	vadd.s32 s6, v1;
	_ =	sdelay $0x2  }
0xac: {  	_ =	strace $0x9000004B  }
0xad: {  	s1 =	simm.s32 $0x1;
	_ =	strace $0x8000004C  }
0xae: {  	v14 =	vadd.s32 s1, v1;
	v10 =	vld.idx.msk [tilespmem:v10+s26+$0x0], $0xffff;
	_ =	sdelay $0x2  }
0xaf: {  	v11 =	vimm.s32 $0x0  }
0xb0: {  	v12 =	vimm.s32 $0xFFFFFFFF;
	v16 =	vimm.s32 $0x0;
	v15 =	vimm.s32 $0x0  }
0xb1: {  	s10 =	simm.s32 $0x2;
	s9 =	simm.s32 $0x0;
	s7 =	simm.s32 $0x1;
	v17 =	vld.idx.msk [tilespmem:v14+s26+$0x0], $0xffff;
	v14 =	vimm.s32 $0x0;
	v13 =	vadd.s32 v11, v10;
	v10 =	vimm.s32 $0xFFFFFFFF  }
.LBB2_11:
0xb2: {  	v18 =	vadd.s32 s10, v1;
	p0 =	sne.s32 s10, $0x192;
	vm0 =	vlt.s32 v10, $0x0;
	vm1 =	vgt.s32 v13, $0x31;
	s11 =	smov.u32 s10;
	s10 =	sadd.s32 $0x1, s10  }
.Ltmp5:
0xb3: {  	vm0 =	vmand vm0, vm1;
	(pc) =	sbr.rel @p0 .LBB2_11-.Ltmp5, $2  }
0xb4: {  	v10 =	vsel vm0, s9, v10;
	v14 =	vsel vm0, v16, v14;
	v15 =	vsel vm0, v13, v15;
	v16 =	vmovc v13;
	s9 =	smov.u32 s7;
	s7 =	smov.u32 s11;
	_ =	sdelay $0x2  }
0xb5: {  	v13 =	vadd.s32 v13, v17;
	v17 =	vld.idx.msk [tilespmem:v18+s26+$0x0], $0xffff  }
0xb6: {  	v18 =	vadd.s32 s6, v6;
	_ =	sdelay $0x3  }
0xb7: {  	vm0 =	vlt.s32 v10, $0x0;
	vm1 =	vgt.s32 v13, $0x31  }
0xb8: {  	vm0 =	vmand vm0, vm1;
	v19 =	vld.idx.msk [tilespmem:v18+s26+$0x0], $0xffff;
	v18 =	vadd.s32 s1, v6  }
0xb9: {  	v10 =	vsel vm0, s9, v10;
	v17 =	vadd.s32 v13, v17  }
0xba: {  	vm14 =	vlt.s32 v10, $0x0;
	vm2 =	vgt.s32 v17, $0x31  }
0xbb: {  	v14 =	vsel vm0, v16, v14;
	v15 =	vsel vm0, v13, v15;
	vm15 =	vmand vm14, vm2  }
0xbc: {  	v10 =	vsel vm15, s7, v10;
	v13 =	vsel vm15, v13, v14;
	v15 =	vsel vm15, v17, v15  }
0xbd: {  	s7 =	simm.s32 $0x2;
	v17 =	vimm.s32 $0x0;
	v14 =	vimm.s32 $0x0;
	v18 =	vld.idx.msk [tilespmem:v18+s26+$0x0], $0xffff;
	v16 =	vadd.s32 v11, v19  }
.LBB2_13:
0xbe: {  	v19 =	vadd.s32 s7, v6;
	p0 =	sne.s32 s7, $0x192;
	vm0 =	vlt.s32 v12, $0x0;
	vm1 =	vgt.s32 v16, $0x31;
	s9 =	smov.u32 s7;
	s7 =	sadd.s32 $0x1, s7  }
.Ltmp6:
0xbf: {  	vm0 =	vmand vm0, vm1;
	(pc) =	sbr.rel @p0 .LBB2_13-.Ltmp6, $2  }
0xc0: {  	v12 =	vsel vm0, s6, v12;
	v17 =	vsel vm0, v11, v17;
	v14 =	vsel vm0, v16, v14;
	v11 =	vmovc v16;
	s6 =	smov.u32 s1;
	s1 =	smov.u32 s9;
	_ =	sdelay $0x2  }
0xc1: {  	v16 =	vadd.s32 v16, v18;
	v18 =	vld.idx.msk [tilespmem:v19+s26+$0x0], $0xffff  }
0xc2: {  	_ =	sdelay $0x1  }
0xc3: {  	vm0 =	vlt.s32 v12, $0x0;
	vm1 =	vgt.s32 v16, $0x31  }
0xc4: {  	vm0 =	vmand vm0, vm1  }
0xc5: {  	v12 =	vsel vm0, s6, v12;
	v18 =	vadd.s32 v16, v18  }
0xc6: {  	vm13 =	vlt.s32 v12, $0x0;
	vm2 =	vgt.s32 v18, $0x31  }
0xc7: {  	v14 =	vsel vm0, v16, v14;
	vm1 =	vmand vm13, vm2  }
0xc8: {  	v14 =	vsel vm1, v18, v14  }
0xc9: {  	vm14 =	vlt.s32 v15, $0x201;
	vm3 =	vlt.s32 v14, $0x201  }
0xca: {  	vm15 =	vgt.s32 v15, v14;
	vm2 =	vmand vm14, vm3  }
0xcb: {  	v19 =	vsel vm15, v15, v14;
	v18 =	vsel vm2, $0x3F800000, v7  }
0xcc: {  	(xrf0) =	vmin.scan.msk.f32 $0xffff, v18;
	v18 =	vxor.u32 $0x80000000, v19  }
0xcd: {  	(xrf0) =	vmax.scan.msk.u32 $0xffff, v18;
	_ =	sdelay $0x4  }
0xce: {  	v18, _, _ =	vpop (xrf0)  }
0xcf: {  	(v2sf) =	vpush v18, $0xF;
	v18, _, _ =	vpop (xrf0)  }
0xd0: {  	(v2sf) =	vpush v18, $0xF;
	_ =	sdelay $0xd  }
0xd1: {  	s9 =	spop (v2sf)  }
0xd2: {  	s7 =	spop (v2sf);
	p0 =	sgt.f32 s9, $0.0e+00  }
.Ltmp7:
0xd3: {  	_ =	strace $0x9000004C;
	(pc) =	sbr.rel @p0 .LBB2_22-.Ltmp7, $4  }
0xd4: {  	s6 =	simm.s32 $0x0;
	_ =	strace $0x8000004D  }
0xd5: {  	v17 =	vsel vm0, v11, v17;
	[tilespmem:s6], [sflag:$0x1] =	stream.strided.gather [hbm4b:s12+s22], $0x7D00, s23, s22, $0x200038;
	[tilespmem:$0x193C8] =	vst v63  }
0xd6: {  	v11 =	vsel vm1, s1, v12;
	v12 =	vsel vm1, v16, v17  }
0xd7: {  	v13 =	vsub.s32 $0x32, v13;
	v12 =	vsub.s32 $0x32, v12;
	v19 =	vimm.s32 $0x0;
	[tilespmem:s24], [sflag:$0x2] =	stream.strided.gather [hbm4b:s5+s22], $0x7D00, s23, s22, $0x200038;
	[tilespmem:$0x193C8] =	vst v63  }
0xd8: {  	v14 =	vmov v9;
	_ =	sdelay $0x1  }
0xd9: {  	v27 =	vimm.s32 $0x0;
	v17 =	vmov v3;
	s7 =	simm.s32 $0x0  }
.LBB2_16:
0xda: {  	_ =	swait.ge [sflag:s25], $0x7D00  }
0xdb: {  	[sflag:s25] =	ssyncset.done $0x0  }
0xdc: {  	s1 =	simm.s32 $0x40;
	[sflag:s25] =	ssyncadd.s32 $0xFFFF8300  }
0xdd: {  	v24 =	vld [tilespmem:s1+$0x10]  }
0xde: {  	v18 =	vld [tilespmem:s1+$0x30]  }
0xdf: {  	v15 =	vld [tilespmem:s1+$0x20]  }
0xe0: {  	v28 =	vld [tilespmem:s1+$0x0]  }
0xe1: {  	v21 =	vld [tilespmem:s1+$0xFFFFFFE0]  }
0xe2: {  	v22 =	vld [tilespmem:s1+$0xFFFFFFC0]  }
0xe3: {  	v20 =	vld [tilespmem:s1+$0xFFFFFFD0]  }
0xe4: {  	vm0 =	vlt.s32 v27, v13;
	v23 =	vimm.s32 $0x0;
	vm15 =	vlt.s32 v19, v12  }
0xe5: {  	v52 =	vimm.s32 $0x0;
	v30 =	vand.u32 $0x7FFF, v24;
	v29 =	vshrl.u32 v24, $0xF  }
0xe6: {  	v16 =	vshrl.u32 v18, $0xF;
	v32 =	vand.u32 $0x7FFF, v15;
	v26 =	vshrl.u32 v15, $0xF  }
0xe7: {  	v33 =	vand.u32 $0x7FFF, v28;
	v34 =	vand.u32 $0x7FFF, v21;
	v37 =	vand.u32 $0x7FFF, v22  }
0xe8: {  	v25 =	vshrl.u32 v22, $0xF;
	v38 =	vand.u32 $0x7FFF, v20;
	v42 =	vshrl.u32 v21, $0xF  }
0xe9: {  	v48 =	vshrl.u32 v28, $0xF;
	vm6 =	veq.s32 v29, v11;
	vm5 =	veq.s32 v30, v10  }
0xea: {  	vm1 =	vlt.s32 v29, v11;
	vm8 =	veq.s32 v37, v10;
	vm4 =	vlt.s32 v26, v11  }
0xeb: {  	vm3 =	veq.s32 v34, v10;
	vm10 =	veq.s32 v38, v10;
	vm2 =	vlt.s32 v34, v10  }
0xec: {  	vm11 =	veq.s32 v25, v11;
	vm12 =	vlt.s32 v25, v11;
	vm13 =	vlt.s32 v38, v10  }
0xed: {  	v23 =	vsel vm1, $0xFFFFFFFF, v23;
	v36 =	vsel vm5, $0x1, v4;
	v39 =	vsel vm8, $0x1, v4  }
0xee: {  	v62 =	vsel vm3, $0x1, v4;
	v41 =	vsel vm10, $0x1, v4;
	vm0 =	vmand vm0, vm8  }
0xef: {  	vm8 =	vlt.s32 v37, v10;
	v44 =	vsel vm11, $0x1, v4;
	vm11 =	vmand vm15, vm11  }
0xf0: {  	[tilespmem:$0x1FFC0] =	vst v23;
	v23 =	vshrl.u32 v20, $0xF;
	v27 =	vadd.s32 v39, v27;
	v19 =	vadd.s32 v44, v19  }
0xf1: {  	vm1 =	vmor vm12, vm11;
	vm12 =	veq.s32 v42, v11;
	vm0 =	vmor vm8, vm0  }
0xf2: {  	vm9 =	veq.s32 v23, v11;
	v39 =	vadd.s32 v41, v27;
	vm14 =	vlt.s32 v23, v11  }
0xf3: {  	v35 =	vld [tilespmem:s1+$0xFFFFFFF0];
	vm15 =	vlt.s32 v19, v12;
	vm11 =	vlt.s32 v27, v13;
	v27 =	vimm.s32 $0x0  }
0xf4: {  	v49 =	vsel vm12, $0x1, v4;
	v40 =	vsel vm9, $0x1, v4;
	v34 =	vadd.s32 v62, v39  }
0xf5: {  	vm10 =	vmand vm10, vm11;
	vm9 =	vmand vm9, vm15;
	v27 =	vsel vm0, $0xFFFFFFFF, v27  }
0xf6: {  	[tilespmem:$0x1FFE0] =	vst v27;
	vm0 =	vmor vm14, vm9;
	v27 =	vimm.s32 $0x0;
	vm8 =	vlt.s32 v34, v13  }
0xf7: {  	vm13 =	vmor vm13, vm10;
	v19 =	vadd.s32 v40, v19;
	vm10 =	veq.s32 v48, v11  }
0xf8: {  	v27 =	vsel vm0, $0xFFFFFFFF, v27;
	v38 =	vadd.s32 v49, v19;
	v43 =	vand.u32 $0x7FFF, v35  }
0xf9: {  	v51 =	vsel vm10, $0x1, v4;
	[tilespmem:$0x1FFD0] =	vst v27;
	v27 =	vshrl.u32 v35, $0xF;
	vm7 =	veq.s32 v43, v10  }
0xfa: {  	vm11 =	vlt.s32 v43, v10;
	vm9 =	veq.s32 v27, v11;
	v63 =	vsel vm7, $0x1, v4  }
0xfb: {  	v50 =	vsel vm9, $0x1, v4;
	vm7 =	vmand vm7, vm8;
	vm8 =	vlt.s32 v38, v12  }
0xfc: {  	vm8 =	vmand vm9, vm8;
	vm9 =	vlt.s32 v39, v13;
	v38 =	vadd.s32 v50, v38  }
0xfd: {  	vm0 =	vmor vm11, vm7;
	vm11 =	vmmov vm13;
	vm7 =	vlt.s32 v27, v11  }
0xfe: {  	v34 =	vadd.s32 v63, v34;
	vm3 =	vmand vm3, vm9;
	vm9 =	vlt.s32 v38, v12  }
0xff: {  	v39 =	vsel vm0, $0xFFFFFFFF, v52;
	vm7 =	vmor vm7, vm8;
	vm8 =	veq.s32 v33, v10  }
0x100: {  	v38 =	vadd.s32 v51, v38;
	vm9 =	vmand vm10, vm9;
	vm10 =	vlt.s32 v19, v12  }
0x101: {  	v19 =	vsel vm6, $0x1, v4;
	vm14 =	vmor vm2, vm3;
	vm2 =	vlt.s32 v48, v11  }
0x102: {  	v53 =	vsel vm8, $0x1, v4;
	vm12 =	vmand vm12, vm10;
	vm10 =	veq.s32 v26, v11  }
0x103: {  	v19 =	vadd.s32 v19, v38;
	vm2 =	vmor vm2, vm9;
	vm9 =	vlt.s32 v34, v13  }
0x104: {  	v55 =	vadd.s32 v53, v34;
	vm3 =	vlt.s32 v19, v12;
	v54 =	vsel vm10, $0x1, v4  }
0x105: {  	v36 =	vadd.s32 v36, v55;
	vm3 =	vmand vm10, vm3;
	vm10 =	vmmov vm1  }
0x106: {  	vm1 =	vlt.s32 v38, v12;
	v58 =	vadd.s32 v54, v19;
	vm13 =	vlt.s32 v36, v13  }
0x107: {  	v19 =	vld [tilespmem:$0x1FFD0];
	vm0 =	vmor vm4, vm3;
	vm3 =	vmand vm8, vm9;
	vm8 =	vlt.s32 v42, v11  }
0x108: {  	vm6 =	vmand vm6, vm1;
	vm9 =	veq.s32 v16, v11;
	vm1 =	vlt.s32 v33, v10  }
0x109: {  	vm15 =	vmor vm8, vm12;
	vm1 =	vmor vm1, vm3;
	vm3 =	veq.s32 v32, v10  }
0x10a: {  	vm12 =	vlt.s32 v58, v12;
	v60 =	vsel vm9, $0x1, v4;
	v56 =	vsel vm3, $0x1, v4  }
0x10b: {  	s12 =	sadd.s32 $0xFFFFFFF8, s6;
	v57 =	vld [tilespmem:$0x1FFC0];
	vm9 =	vmand vm9, vm12;
	vm3 =	vmand vm3, vm13;
	vm13 =	vlt.s32 v16, v11  }
0x10c: {  	s5 =	sadd.s32 $0xC, s12;
	vm9 =	vmor vm13, vm9;
	vm13 =	vnez.u8 v19;
	v19 =	vshll.u32 v28, $0x11  }
0x10d: {  	s9 =	sadd.s32 $0xB, s12;
	v34 =	vadd.s32 v56, v36;
	v36 =	vadd.s32 s5, v19;
	v19 =	vshll.u32 v35, $0x11  }
0x10e: {  	s10 =	sadd.s32 $0xA, s12;
	v61 =	vadd.s32 s9, v19;
	v19 =	vshll.u32 v21, $0x11;
	v21 =	vsel vm10, $0x1, v4  }
0x10f: {  	v28 =	vadd.s32 s10, v19;
	v19 =	vadd.s32 v21, v14;
	v21 =	vld [tilespmem:$0x1FFE0]  }
0x110: {  	v31 =	vand.u32 $0x7FFF, v18;
	vm4 =	vnez.u8 v57  }
0x111: {  	vm4 =	vmor vm4, vm6;
	vm6 =	veq.s32 v31, v10;
	vm8 =	vlt.s32 v34, v13  }
0x112: {  	v59 =	vsel vm6, $0x1, v4;
	vm6 =	vmand vm6, vm8;
	vm8 =	vlt.s32 v31, v10  }
0x113: {  	vm8 =	vmor vm8, vm6;
	vm6 =	vlt.s32 v32, v10  }
0x114: {  	vm12 =	vlt.s32 v55, v13;
	vm6 =	vmor vm6, vm3;
	vm3 =	vnez.u8 v21  }
0x115: {  	vm5 =	vmand vm5, vm12;
	vm12 =	vlt.s32 v30, v10;
	v21 =	vsel vm3, $0x1, v4  }
0x116: {  	[tilespmem:$0x1FFF0] =	vst v39;
	v30 =	vshll.u32 v24, $0x11;
	v24 =	vadd.s32 v21, v17;
	v21 =	vsel vm11, $0x1, v4  }
0x117: {  	v18 =	vshll.u32 v18, $0x11;
	v22 =	vshll.u32 v22, $0x11;
	v52 =	vadd.s32 v21, v24;
	v21 =	vld [tilespmem:$0x1FFF0]  }
0x118: {  	s18 =	sadd.s32 $0x8, s12;
	v29 =	vshll.u32 v29, $0x11;
	v20 =	vshll.u32 v20, $0x11;
	v62 =	vshll.u32 v48, $0x11  }
0x119: {  	v49 =	vadd.s32 s5, v62;
	v62 =	vadd.s32 s18, v22;
	v27 =	vshll.u32 v27, $0x11  }
0x11a: {  	v27 =	vadd.s32 s9, v27;
	v51 =	vsel vm14, $0x1, v4;
	v26 =	vshll.u32 v26, $0x11  }
0x11b: {  	v47 =	vsel vm0, $0x1, v4;
	v53 =	vsel vm15, $0x1, v4;
	v31 =	vsel vm13, $0x1, v4  }
0x11c: {  	vm5 =	vmor vm12, vm5;
	v63 =	vadd.s32 v31, v19;
	vm12 =	vnez.u8 v21  }
0x11d: {  	v55 =	vsel vm7, $0x1, v4;
	v46 =	vsel vm1, $0x1, v4;
	v54 =	vadd.s32 v51, v52  }
0x11e: {  	s15 =	sadd.s32 $0xD, s12;
	v48 =	vsel vm4, $0x1, v4;
	v31 =	vshll.u32 v42, $0x11;
	v42 =	vadd.s32 v53, v63  }
0x11f: {  	v30 =	vadd.s32 s15, v30;
	v57 =	vadd.s32 s10, v31;
	v45 =	vadd.s32 v55, v42  }
0x120: {  	[tilespmem:v52+s29+$0x0] =	vst.idx.msk vm14, v28;
	v28 =	vadd.s32 v59, v34;
	v59 =	vsel vm6, $0x1, v4;
	v21 =	vsel vm12, $0x1, v4  }
0x121: {  	s11 =	sadd.s32 $0x9, s12;
	[tilespmem:v63+s29+$0x0] =	vst.idx.msk vm15, v57;
	vm15 =	vmmov vm0;
	v63 =	vshll.u32 v25, $0x11;
	v56 =	vadd.s32 v21, v54  }
0x122: {  	v25 =	vadd.s32 s11, v20;
	v21 =	vsel vm2, $0x1, v4;
	[tilespmem:v54+s29+$0x0] =	vst.idx.msk vm12, v61;
	v61 =	vadd.s32 v46, v56  }
0x123: {  	v20 =	vshll.u32 v23, $0x11;
	v33 =	vadd.s32 v21, v45;
	v21 =	vadd.s32 v60, v58  }
0x124: {  	[tilespmem:v17+s29+$0x0] =	vst.idx.msk vm3, v62;
	v58 =	vsel vm9, $0x1, v4;
	v60 =	vsel vm5, $0x1, v4;
	v31 =	vadd.s32 v48, v33  }
0x125: {  	s16 =	sadd.s32 $0xE, s12;
	v32 =	vadd.s32 v47, v31;
	[tilespmem:v42+s29+$0x0] =	vst.idx.msk vm7, v27;
	v27 =	vshll.u32 v15, $0x11;
	v34 =	vadd.s32 v60, v61  }
0x126: {  	v23 =	vadd.s32 s18, v63;
	v15 =	vadd.s32 v58, v32;
	[tilespmem:v56+s29+$0x0] =	vst.idx.msk vm1, v36;
	v35 =	vadd.s32 s16, v27  }
0x127: {  	v27 =	vadd.s32 s16, v26;
	v22 =	vadd.s32 v59, v34;
	[tilespmem:v61+s29+$0x0] =	vst.idx.msk vm5, v30;
	v30 =	vsel vm8, $0x1, v4  }
0x128: {  	s9 =	simm.s32 $0x0;
	[tilespmem:v45+s29+$0x0] =	vst.idx.msk vm2, v49;
	v26 =	vadd.s32 s15, v29;
	s16 =	sadd.s32 $0xF, s12;
	v29 =	vadd.s32 s11, v20;
	s15 =	simm.s32 $0xC0;
	v17 =	vadd.s32 v30, v22  }
.LBB2_17:
0x129: {  	v30 =	vld [tilespmem:s15+$0x10]  }
0x12a: {  	[tilespmem:v34+s29+$0x0] =	vst.idx.msk vm6, v35;
	v58 =	vld [tilespmem:s15+$0x30]  }
0x12b: {  	[tilespmem:v14+s29+$0x0] =	vst.idx.msk vm10, v23;
	v59 =	vld [tilespmem:s15+$0x0]  }
0x12c: {  	v36 =	vld [tilespmem:s15+$0xFFFFFFF0];
	[tilespmem:v24+s29+$0x0] =	vst.idx.msk vm11, v25  }
0x12d: {  	v18 =	vadd.s32 s16, v18;
	v16 =	vshll.u32 v16, $0x11;
	v37 =	vld [tilespmem:s15+$0xFFFFFFE0];
	[tilespmem:v33+s29+$0x0] =	vst.idx.msk vm4, v26;
	v41 =	vimm.s32 $0x0  }
0x12e: {  	v48 =	vimm.s32 $0x0;
	v49 =	vimm.s32 $0x0;
	v47 =	vimm.s32 $0x0;
	v23 =	vld [tilespmem:s15+$0x20];
	[tilespmem:v22+s29+$0x0] =	vst.idx.msk vm8, v18  }
0x12f: {  	v16 =	vadd.s32 s16, v16;
	v26 =	vld [tilespmem:s15+$0xFFFFFFD0];
	[tilespmem:v19+s29+$0x0] =	vst.idx.msk vm13, v29;
	v29 =	vimm.s32 $0x0;
	vm13 =	vlt.s32 v21, v12  }
0x130: {  	[tilespmem:v31+s29+$0x0] =	vst.idx.msk vm15, v27;
	v18 =	vand.u32 $0x7FFF, v30;
	v60 =	vshrl.u32 v30, $0xF;
	v27 =	vshll.u32 v30, $0x11  }
0x131: {  	v25 =	vld [tilespmem:s15+$0xFFFFFFC0];
	[tilespmem:v32+s29+$0x0] =	vst.idx.msk vm9, v16;
	v24 =	vand.u32 $0x7FFF, v58;
	v16 =	vshrl.u32 v58, $0xF;
	v30 =	vimm.s32 $0x0  }
0x132: {  	v19 =	vand.u32 $0x7FFF, v59;
	v61 =	vand.u32 $0x7FFF, v37;
	v50 =	vshll.u32 v36, $0x11  }
0x133: {  	v45 =	vshrl.u32 v37, $0xF;
	v46 =	vand.u32 $0x7FFF, v36;
	v36 =	vshrl.u32 v36, $0xF  }
0x134: {  	vm0 =	veq.s32 v60, v11;
	v38 =	vand.u32 $0x7FFF, v23;
	v31 =	vshrl.u32 v23, $0xF  }
0x135: {  	vm1 =	veq.s32 v18, v10;
	vm2 =	vlt.s32 v60, v11;
	vm15 =	veq.s32 v16, v11  }
0x136: {  	v39 =	vand.u32 $0x7FFF, v25;
	v40 =	vand.u32 $0x7FFF, v26;
	vm8 =	veq.s32 v61, v10  }
0x137: {  	vm7 =	veq.s32 v46, v10;
	vm11 =	veq.s32 v24, v10;
	v30 =	vsel vm0, $0xFFFFFFFF, v30  }
0x138: {  	vm0 =	vlt.s32 v18, v10;
	v18 =	vimm.s32 $0x0;
	v29 =	vsel vm2, $0xFFFFFFFF, v29  }
0x139: {  	v33 =	vsel vm1, $0x1, v4;
	vm2 =	vlt.s32 v31, v11;
	vm10 =	veq.s32 v40, v10  }
0x13a: {  	v43 =	vsel vm8, $0x1, v4;
	vm14 =	veq.s32 v38, v10;
	v53 =	vsel vm7, $0x1, v4  }
0x13b: {  	vm12 =	vlt.s32 v39, v10;
	vm5 =	vlt.s32 v40, v10;
	v40 =	vsel vm11, $0x1, v4  }
0x13c: {  	[tilespmem:$0x1FEC0] =	vst v30;
	v30 =	vimm.s32 $0x0;
	v18 =	vsel vm0, $0xFFFFFFFF, v18;
	vm0 =	vlt.s32 v28, v13  }
0x13d: {  	[tilespmem:$0x1FF20] =	vst v29;
	v29 =	vimm.s32 $0x0;
	v41 =	vsel vm2, $0xFFFFFFFF, v41;
	vm2 =	vlt.s32 v61, v10  }
0x13e: {  	v44 =	vsel vm10, $0x1, v4;
	v30 =	vsel vm1, $0xFFFFFFFF, v30;
	[tilespmem:$0x1FFA0] =	vst v18;
	v18 =	vshll.u32 v58, $0x11  }
0x13f: {  	v29 =	vsel vm15, $0xFFFFFFFF, v29;
	v34 =	vsel vm2, $0xFFFFFFFF, v48;
	vm2 =	veq.s32 v31, v11;
	[tilespmem:$0x1FF70] =	vst v30  }
0x140: {  	vm1 =	vlt.s32 v38, v10;
	v30 =	vimm.s32 $0x0;
	[tilespmem:$0x1FED0] =	vst v34;
	v34 =	vsel vm2, $0xFFFFFFFF, v49  }
0x141: {  	vm2 =	veq.s32 v19, v10;
	v30 =	vsel vm1, $0xFFFFFFFF, v30;
	vm1 =	veq.s32 v39, v10  }
0x142: {  	vm6 =	vmand vm0, vm1;
	vm0 =	vlt.s32 v19, v10;
	v19 =	vimm.s32 $0x0  }
0x143: {  	[tilespmem:$0x1FF40] =	vst v29;
	v29 =	vshrl.u32 v25, $0xF;
	v47 =	vsel vm2, $0xFFFFFFFF, v47;
	v19 =	vsel vm0, $0xFFFFFFFF, v19  }
0x144: {  	v51 =	vsel vm2, $0x1, v4;
	vm2 =	vlt.s32 v29, v11;
	[tilespmem:$0x1FF10] =	vst v19;
	v19 =	vimm.s32 $0x0  }
0x145: {  	[tilespmem:$0x1FF80] =	vst v30;
	v30 =	vshrl.u32 v26, $0xF;
	v63 =	vsel vm1, $0x1, v4;
	v19 =	vsel vm14, $0xFFFFFFFF, v19  }
0x146: {  	vm4 =	veq.s32 v30, v11;
	vm0 =	vlt.s32 v24, v10;
	[tilespmem:$0x1FF60] =	vst v19;
	v19 =	vimm.s32 $0x0  }
0x147: {  	v28 =	vadd.s32 v63, v28;
	v24 =	vshrl.u32 v59, $0xF;
	v19 =	vsel vm0, $0xFFFFFFFF, v19  }
0x148: {  	vm3 =	vlt.s32 v30, v11;
	v42 =	vsel vm4, $0x1, v4;
	[tilespmem:$0x1FF50] =	vst v19;
	v19 =	vimm.s32 $0x0  }
0x149: {  	v52 =	vadd.s32 v44, v28;
	vm0 =	veq.s32 v29, v11;
	v19 =	vsel vm11, $0xFFFFFFFF, v19  }
0x14a: {  	v58 =	vshll.u32 v24, $0x11;
	v54 =	vadd.s32 v43, v52;
	[tilespmem:$0x1FF30] =	vst v19;
	v19 =	vsel vm0, $0x1, v4  }
0x14b: {  	vm0 =	vmand vm13, vm0;
	vm13 =	vlt.s32 v46, v10;
	v21 =	vadd.s32 v19, v21  }
0x14c: {  	[tilespmem:$0x1FEB0] =	vst v34;
	vm9 =	vmor vm2, vm0;
	v19 =	vimm.s32 $0x0;
	vm2 =	vlt.s32 v28, v13  }
0x14d: {  	v55 =	vld [tilespmem:$0x1FEB0];
	vm0 =	veq.s32 v45, v11;
	v28 =	vimm.s32 $0x0;
	vm1 =	vlt.s32 v21, v12  }
0x14e: {  	v19 =	vsel vm9, $0xFFFFFFFF, v19;
	vm10 =	vmand vm10, vm2;
	vm2 =	vmor vm12, vm6  }
0x14f: {  	vm12 =	vlt.s32 v24, v11;
	v56 =	vsel vm0, $0x1, v4;
	v21 =	vadd.s32 v42, v21  }
0x150: {  	vm6 =	vlt.s32 v52, v13;
	[tilespmem:$0x1FF90] =	vst v19;
	v19 =	vsel vm9, $0x1, v4;
	vm1 =	vmand vm4, vm1  }
0x151: {  	v14 =	vmovc v15;
	v19 =	vadd.s32 v19, v15;
	vm1 =	vmor vm3, vm1;
	v15 =	vimm.s32 $0x0  }
0x152: {  	v28 =	vsel vm2, $0xFFFFFFFF, v28;
	vm9 =	vnez.u8 v55;
	v15 =	vsel vm1, $0xFFFFFFFF, v15  }
0x153: {  	vm11 =	vmor vm5, vm10;
	vm4 =	veq.s32 v36, v11;
	[tilespmem:$0x1FFD0] =	vst v15;
	v15 =	vsel vm2, $0x1, v4  }
0x154: {  	v20 =	vmovc v17;
	v43 =	vadd.s32 v56, v21;
	vm3 =	veq.s32 v24, v11;
	v24 =	vadd.s32 v15, v17;
	v17 =	vld [tilespmem:$0x1FEC0]  }
0x155: {  	vm5 =	vlt.s32 v36, v11;
	vm6 =	vmand vm8, vm6;
	vm8 =	vlt.s32 v21, v12  }
0x156: {  	v21 =	vadd.s32 v53, v54;
	[tilespmem:$0x1FFB0] =	vst v28;
	v28 =	vimm.s32 $0x0;
	v39 =	vsel vm9, $0x1, v4  }
0x157: {  	v57 =	vsel vm4, $0x1, v4;
	vm10 =	vlt.s32 v43, v12;
	vm2 =	vlt.s32 v45, v11  }
0x158: {  	vm4 =	vmand vm4, vm10;
	v42 =	vadd.s32 v57, v43;
	v28 =	vsel vm2, $0xFFFFFFFF, v28  }
0x159: {  	v15 =	vsel vm3, $0x1, v4;
	[tilespmem:$0x1FF00] =	vst v28;
	v28 =	vsel vm1, $0x1, v4;
	vm2 =	vnez.u8 v17  }
0x15a: {  	vm1 =	vlt.s32 v54, v13;
	v15 =	vadd.s32 v15, v42;
	v17 =	vsel vm2, $0x1, v4  }
0x15b: {  	[tilespmem:$0x1FEE0] =	vst v41;
	vm1 =	vmand vm7, vm1;
	vm10 =	vlt.s32 v15, v12;
	v17 =	vadd.s32 v17, v15  }
0x15c: {  	s1 =	smov.u32 s9;
	[tilespmem:$0x1FEF0] =	vst v47;
	vm13 =	vmor vm13, vm1;
	vm1 =	vmor vm5, vm4;
	v15 =	vld [tilespmem:$0x1FEE0];
	vm4 =	vlt.s32 v17, v12  }
0x15d: {  	s12 =	sadd.s32 s1, s6;
	v35 =	vadd.s32 v51, v21;
	vm4 =	vmand vm9, vm4;
	vm9 =	vlt.s32 v21, v13;
	v21 =	vld [tilespmem:$0x1FEF0]  }
0x15e: {  	s11 =	sadd.s32 $0xC, s12;
	v62 =	vshll.u32 v59, $0x11  }
0x15f: {  	v32 =	vadd.s32 s11, v62;
	v62 =	vld [tilespmem:$0x1FED0];
	_ =	sdelay $0x1  }
0x160: {  	v22 =	vshll.u32 v60, $0x11;
	v60 =	vsel vm15, $0x1, v4;
	vm15 =	vnez.u8 v15  }
0x161: {  	s1 =	sadd.s32 $0xB, s12;
	vm15 =	vmor vm15, vm4;
	vm4 =	vnez.u8 v21;
	v21 =	vld [tilespmem:$0x1FF00]  }
0x162: {  	v34 =	vadd.s32 s1, v50  }
0x163: {  	v63 =	vshll.u32 v45, $0x11;
	vm8 =	vmand vm0, vm8;
	vm0 =	vnez.u8 v62  }
0x164: {  	v59 =	vsel vm11, $0x1, v4;
	vm0 =	vmor vm0, vm6;
	vm7 =	vlt.s32 v42, v12  }
0x165: {  	v45 =	vsel vm0, $0x1, v4;
	v28 =	vadd.s32 v28, v19;
	vm3 =	vmand vm3, vm7  }
0x166: {  	vm4 =	vmand vm4, vm9;
	vm9 =	vmand vm2, vm10;
	vm2 =	vnez.u8 v21  }
0x167: {  	vm3 =	vmor vm12, vm3;
	v15 =	vadd.s32 v59, v24;
	vm12 =	vmor vm2, vm8  }
0x168: {  	v48 =	vadd.s32 v45, v15;
	v21 =	vsel vm13, $0x1, v4;
	v49 =	vsel vm12, $0x1, v4  }
0x169: {  	v51 =	vadd.s32 v21, v48;
	v21 =	vsel vm1, $0x1, v4;
	v50 =	vadd.s32 v49, v28  }
0x16a: {  	v52 =	vadd.s32 v21, v50;
	v21 =	vld [tilespmem:$0x1FF10];
	_ =	sdelay $0x3  }
0x16b: {  	v61 =	vsel vm14, $0x1, v4;
	v33 =	vadd.s32 v33, v35  }
0x16c: {  	vm7 =	vlt.s32 v35, v13;
	vm2 =	vnez.u8 v21;
	v21 =	vsel vm3, $0x1, v4  }
0x16d: {  	vm5 =	vlt.s32 v33, v13;
	v35 =	vadd.s32 v61, v33;
	v33 =	vadd.s32 v21, v52;
	v21 =	vld [tilespmem:$0x1FF20];
	_ =	sdelay $0x2  }
0x16e: {  	s10 =	sadd.s32 $0xA, s12;
	v37 =	vshll.u32 v37, $0x11  }
0x16f: {  	v37 =	vadd.s32 s10, v37  }
0x170: {  	[tilespmem:v15+s29+$0x0] =	vst.idx.msk vm0, v37;
	vm0 =	vnez.u8 v21;
	v21 =	vld [tilespmem:$0x1FF30];
	_ =	sdelay $0x4  }
0x171: {  	vm10 =	vmor vm2, vm4;
	vm4 =	vmor vm0, vm9;
	vm0 =	vnez.u8 v21;
	v21 =	vld [tilespmem:$0x1FF40];
	_ =	sdelay $0x4  }
0x172: {  	vm2 =	vnez.u8 v21;
	v21 =	vld [tilespmem:$0x1FF50];
	_ =	sdelay $0x2  }
0x173: {  	v17 =	vadd.s32 v39, v17  }
0x174: {  	vm6 =	vlt.s32 v35, v13;
	vm8 =	vlt.s32 v17, v12  }
0x175: {  	vm0 =	vmand vm0, vm6;
	vm6 =	vmand vm2, vm8;
	vm2 =	vnez.u8 v21;
	v21 =	vld [tilespmem:$0x1FF60];
	_ =	sdelay $0x4  }
0x176: {  	vm8 =	vmor vm2, vm0;
	vm0 =	vnez.u8 v21;
	v21 =	vld [tilespmem:$0x1FFD0];
	_ =	sdelay $0x4  }
0x177: {  	[tilespmem:v48+s29+$0x0] =	vst.idx.msk vm13, v34;
	vm13 =	vnez.u8 v21;
	v21 =	vadd.s32 v60, v17;
	v17 =	vadd.s32 s10, v63  }
0x178: {  	[tilespmem:v28+s29+$0x0] =	vst.idx.msk vm12, v17;
	v17 =	vshll.u32 v31, $0x11;
	v31 =	vld [tilespmem:$0x1FF90];
	_ =	sdelay $0x1  }
0x179: {  	v57 =	vld [tilespmem:$0x1FF80]  }
0x17a: {  	v56 =	vld [tilespmem:$0x1FF70]  }
0x17b: {  	v23 =	vshll.u32 v23, $0x11  }
0x17c: {  	v25 =	vshll.u32 v25, $0x11;
	v15 =	vsel vm10, $0x1, v4;
	[tilespmem:v51+s29+$0x0] =	vst.idx.msk vm10, v32;
	vm10 =	vnez.u8 v31;
	v31 =	vld [tilespmem:$0x1FFA0]  }
0x17d: {  	vm14 =	vlt.s32 v16, v11;
	v36 =	vshll.u32 v36, $0x11;
	v55 =	vadd.s32 s11, v58  }
0x17e: {  	v36 =	vadd.s32 s1, v36;
	vm0 =	vmand vm0, vm5;
	vm5 =	vnez.u8 v57  }
0x17f: {  	[tilespmem:v50+s29+$0x0] =	vst.idx.msk vm1, v36;
	vm1 =	vnez.u8 v56;
	vm9 =	vmor vm14, vm6;
	vm6 =	vmor vm5, vm0  }
0x180: {  	s11 =	sadd.s32 $0x8, s12;
	vm1 =	vmand vm1, vm7;
	v61 =	vadd.s32 v15, v51;
	v59 =	vsel vm6, $0x1, v4  }
0x181: {  	s5 =	sadd.s32 $0xE, s12;
	s10 =	sadd.s32 $0xD, s12;
	v63 =	vadd.s32 s11, v25;
	v28 =	vadd.s32 v40, v35;
	vm0 =	vnez.u8 v31  }
0x182: {  	v62 =	vadd.s32 s10, v27;
	v35 =	vadd.s32 s5, v23;
	vm0 =	vmor vm0, vm1  }
0x183: {  	v23 =	vshll.u32 v26, $0x11;
	v26 =	vadd.s32 s10, v22;
	v60 =	vsel vm0, $0x1, v4  }
0x184: {  	v27 =	vadd.s32 s5, v17;
	v17 =	vshll.u32 v29, $0x11;
	v34 =	vadd.s32 v60, v61  }
0x185: {  	s18 =	sadd.s32 $0x9, s12;
	v29 =	vshll.u32 v30, $0x11;
	v30 =	vsel vm8, $0x1, v4;
	v22 =	vadd.s32 v59, v34  }
0x186: {  	v25 =	vadd.s32 s18, v23;
	v23 =	vadd.s32 s11, v17;
	v17 =	vadd.s32 v30, v22;
	v30 =	vld [tilespmem:$0x1FFB0];
	_ =	sdelay $0x4  }
0x187: {  	s9 =	sadd.s32 $0x8, s9;
	[tilespmem:v61+s29+$0x0] =	vst.idx.msk vm0, v62;
	vm0 =	vnez.u8 v30  }
0x188: {  	p0 =	slt.u32 s9, $0x7C8  }
.Ltmp8:
0x189: {  	_ = 	snop;
	(pc) =	sbr.rel @p0 .LBB2_17-.Ltmp8, $4  }
0x18a: {  	v54 =	vsel vm4, $0x1, v4  }
0x18b: {  	v53 =	vsel vm15, $0x1, v4;
	v31 =	vadd.s32 v54, v33  }
0x18c: {  	[tilespmem:v52+s29+$0x0] =	vst.idx.msk vm3, v55;
	v58 =	vsel vm9, $0x1, v4;
	v32 =	vadd.s32 v53, v31  }
0x18d: {  	s15 =	sadd.s32 $0x80, s15;
	s16 =	sadd.s32 $0xF, s12;
	v29 =	vadd.s32 s18, v29;
	v15 =	vadd.s32 v58, v32;
	[tilespmem:v20+s29+$0x0] =	vst.idx.msk vm0, v63  }
0x18e: {  	_ =	sdelay $0x4  }
0x18f: {  	[tilespmem:v34+s29+$0x0] =	vst.idx.msk vm6, v35  }
0x190: {  	[tilespmem:v14+s29+$0x0] =	vst.idx.msk vm10, v23  }
0x191: {  	p0 =	seq.s32 s7, $0x18;
	[tilespmem:v24+s29+$0x0] =	vst.idx.msk vm11, v25  }
0x192: {  	v14 =	vadd.s32 s16, v18;
	[tilespmem:v33+s29+$0x0] =	vst.idx.msk vm4, v26;
	s1 =	smul.u32 @!p0 $0x1F4000, s7  }
0x193: {  	[tilespmem:v22+s29+$0x0] =	vst.idx.msk vm8, v14  }
0x194: {  	v16 =	vshll.u32 v16, $0x11;
	[tilespmem:v31+s29+$0x0] =	vst.idx.msk vm15, v27;
	s1 =	sadd.s32 @!p0 s13, s1  }
0x195: {  	v16 =	vadd.s32 s16, v16;
	[tilespmem:v19+s29+$0x0] =	vst.idx.msk vm13, v29;
	s5 =	simm.s32 @!p0 $0x10;
	s1 =	sshrl.u32 @!p0 s1, $0x3  }
0x196: {  	s9 =	simm.s32 @!p0 $0x200;
	s10 =	simm.s32 @!p0 $0x0;
	[tilespmem:v32+s29+$0x0] =	vst.idx.msk vm9, v16;
	s1 =	sadd.s32 @!p0 s3, s1  }
0x197: {  	[tilespmem:s10], [sflag:$0x1] =	stream.strided.gather @!p0 [hbm4b:s1+s5], $0x7D00, s9, s5, $0x200038;
	[tilespmem:$0x193C8] =	vst v63  }
0x198: {  	_ =	swait.ge [sflag:s28], $0x7D00  }
0x199: {  	[sflag:s28] =	ssyncset.done $0x0  }
0x19a: {  	s9 =	simm.s32 $0x7D40;
	[sflag:s28] =	ssyncadd.s32 $0xFFFF8300  }
0x19b: {  	v24 =	vld [tilespmem:s9+$0x10]  }
0x19c: {  	v18 =	vld [tilespmem:s9+$0x30]  }
0x19d: {  	v14 =	vld [tilespmem:s9+$0x20]  }
0x19e: {  	v27 =	vld [tilespmem:s9+$0x0]  }
0x19f: {  	v19 =	vld [tilespmem:s9+$0xFFFFFFE0]  }
0x1a0: {  	v22 =	vld [tilespmem:s9+$0xFFFFFFC0]  }
0x1a1: {  	v20 =	vld [tilespmem:s9+$0xFFFFFFD0]  }
0x1a2: {  	vm0 =	vlt.s32 v28, v13;
	v23 =	vimm.s32 $0x0;
	v52 =	vimm.s32 $0x0  }
0x1a3: {  	vm15 =	vlt.s32 v21, v12;
	v30 =	vand.u32 $0x7FFF, v24;
	v29 =	vshrl.u32 v24, $0xF  }
0x1a4: {  	v31 =	vand.u32 $0x7FFF, v18;
	v16 =	vshrl.u32 v18, $0xF;
	v32 =	vand.u32 $0x7FFF, v14  }
0x1a5: {  	v26 =	vshrl.u32 v14, $0xF;
	v59 =	vand.u32 $0x7FFF, v27;
	v60 =	vand.u32 $0x7FFF, v19  }
0x1a6: {  	v37 =	vand.u32 $0x7FFF, v22;
	v25 =	vshrl.u32 v22, $0xF;
	v38 =	vand.u32 $0x7FFF, v20  }
0x1a7: {  	v42 =	vshrl.u32 v19, $0xF;
	v48 =	vshrl.u32 v27, $0xF;
	v18 =	vshll.u32 v18, $0x11  }
0x1a8: {  	v19 =	vshll.u32 v19, $0x11;
	vm6 =	veq.s32 v29, v11;
	vm4 =	veq.s32 v30, v10  }
0x1a9: {  	vm1 =	vlt.s32 v29, v11;
	vm8 =	veq.s32 v37, v10;
	vm5 =	vlt.s32 v26, v11  }
0x1aa: {  	vm3 =	veq.s32 v60, v10;
	vm10 =	veq.s32 v38, v10;
	vm2 =	vlt.s32 v60, v10  }
0x1ab: {  	vm11 =	veq.s32 v25, v11;
	vm12 =	vlt.s32 v25, v11;
	vm13 =	vlt.s32 v38, v10  }
0x1ac: {  	v23 =	vsel vm1, $0xFFFFFFFF, v23;
	v36 =	vsel vm4, $0x1, v4;
	v39 =	vsel vm8, $0x1, v4  }
0x1ad: {  	v62 =	vsel vm3, $0x1, v4;
	v41 =	vsel vm10, $0x1, v4;
	vm0 =	vmand vm0, vm8  }
0x1ae: {  	vm8 =	vlt.s32 v37, v10;
	v44 =	vsel vm11, $0x1, v4;
	vm11 =	vmand vm15, vm11  }
0x1af: {  	[tilespmem:$0x1FE70] =	vst v23;
	v23 =	vshrl.u32 v20, $0xF;
	v28 =	vadd.s32 v39, v28;
	v21 =	vadd.s32 v44, v21  }
0x1b0: {  	vm1 =	vmor vm12, vm11;
	vm12 =	veq.s32 v42, v11;
	vm0 =	vmor vm8, vm0  }
0x1b1: {  	vm9 =	veq.s32 v23, v11;
	v39 =	vadd.s32 v41, v28;
	vm14 =	vlt.s32 v23, v11  }
0x1b2: {  	v61 =	vld [tilespmem:s9+$0xFFFFFFF0];
	vm15 =	vlt.s32 v21, v12;
	vm11 =	vlt.s32 v28, v13;
	v28 =	vimm.s32 $0x0  }
0x1b3: {  	v49 =	vsel vm12, $0x1, v4;
	v40 =	vsel vm9, $0x1, v4;
	v34 =	vadd.s32 v62, v39  }
0x1b4: {  	vm10 =	vmand vm10, vm11;
	vm9 =	vmand vm9, vm15;
	v28 =	vsel vm0, $0xFFFFFFFF, v28  }
0x1b5: {  	[tilespmem:$0x1FE90] =	vst v28;
	vm0 =	vmor vm14, vm9;
	v28 =	vimm.s32 $0x0;
	vm8 =	vlt.s32 v34, v13  }
0x1b6: {  	vm13 =	vmor vm13, vm10;
	v21 =	vadd.s32 v40, v21;
	vm10 =	veq.s32 v48, v11  }
0x1b7: {  	v28 =	vsel vm0, $0xFFFFFFFF, v28;
	v38 =	vadd.s32 v49, v21;
	v43 =	vand.u32 $0x7FFF, v61  }
0x1b8: {  	v51 =	vsel vm10, $0x1, v4;
	[tilespmem:$0x1FE80] =	vst v28;
	v28 =	vshrl.u32 v61, $0xF;
	vm7 =	veq.s32 v43, v10  }
0x1b9: {  	vm11 =	vlt.s32 v43, v10;
	vm9 =	veq.s32 v28, v11;
	v63 =	vsel vm7, $0x1, v4  }
0x1ba: {  	v50 =	vsel vm9, $0x1, v4;
	vm7 =	vmand vm7, vm8;
	vm8 =	vlt.s32 v38, v12  }
0x1bb: {  	vm8 =	vmand vm9, vm8;
	vm9 =	vlt.s32 v39, v13;
	v38 =	vadd.s32 v50, v38  }
0x1bc: {  	vm0 =	vmor vm11, vm7;
	vm11 =	vmmov vm13;
	vm7 =	vlt.s32 v28, v11  }
0x1bd: {  	v34 =	vadd.s32 v63, v34;
	vm3 =	vmand vm3, vm9;
	vm9 =	vlt.s32 v38, v12  }
0x1be: {  	v39 =	vsel vm0, $0xFFFFFFFF, v52;
	vm7 =	vmor vm7, vm8;
	vm8 =	veq.s32 v59, v10  }
0x1bf: {  	v38 =	vadd.s32 v51, v38;
	vm9 =	vmand vm10, vm9;
	vm10 =	vlt.s32 v21, v12  }
0x1c0: {  	v21 =	vsel vm6, $0x1, v4;
	vm14 =	vmor vm2, vm3;
	vm2 =	vlt.s32 v48, v11  }
0x1c1: {  	v53 =	vsel vm8, $0x1, v4;
	vm12 =	vmand vm12, vm10;
	vm10 =	veq.s32 v26, v11  }
0x1c2: {  	v21 =	vadd.s32 v21, v38;
	vm2 =	vmor vm2, vm9;
	vm9 =	vlt.s32 v34, v13  }
0x1c3: {  	v55 =	vadd.s32 v53, v34;
	vm3 =	vlt.s32 v21, v12;
	v54 =	vsel vm10, $0x1, v4  }
0x1c4: {  	v36 =	vadd.s32 v36, v55;
	vm3 =	vmand vm10, vm3;
	vm10 =	vmmov vm1  }
0x1c5: {  	vm1 =	vlt.s32 v38, v12;
	v58 =	vadd.s32 v54, v21;
	vm13 =	vlt.s32 v36, v13  }
0x1c6: {  	vm0 =	vmor vm5, vm3;
	vm3 =	vmand vm8, vm9;
	vm8 =	vlt.s32 v42, v11  }
0x1c7: {  	v21 =	vld [tilespmem:$0x1FE80];
	vm6 =	vmand vm6, vm1;
	vm9 =	veq.s32 v16, v11;
	vm1 =	vlt.s32 v59, v10  }
0x1c8: {  	v57 =	vld [tilespmem:$0x1FE70];
	vm15 =	vmor vm8, vm12;
	vm1 =	vmor vm1, vm3;
	vm3 =	veq.s32 v32, v10  }
0x1c9: {  	vm12 =	vlt.s32 v58, v12;
	v60 =	vsel vm9, $0x1, v4;
	v56 =	vsel vm3, $0x1, v4  }
0x1ca: {  	s1 =	sadd.s32 $0xFFFFFFF8, s6;
	vm9 =	vmand vm9, vm12;
	vm3 =	vmand vm3, vm13;
	vm13 =	vlt.s32 v16, v11  }
0x1cb: {  	s12 =	sadd.s32 $0x7DA, s1;
	v22 =	vshll.u32 v22, $0x11;
	v29 =	vshll.u32 v29, $0x11;
	vm9 =	vmor vm13, vm9  }
0x1cc: {  	vm13 =	vnez.u8 v21;
	v21 =	vshll.u32 v27, $0x11;
	v27 =	vadd.s32 s12, v19;
	v19 =	vld [tilespmem:$0x1FE90]  }
0x1cd: {  	v20 =	vshll.u32 v20, $0x11;
	vm5 =	vnez.u8 v57;
	v34 =	vadd.s32 v56, v36  }
0x1ce: {  	vm5 =	vmor vm5, vm6;
	vm6 =	veq.s32 v31, v10;
	vm8 =	vlt.s32 v34, v13  }
0x1cf: {  	v59 =	vsel vm6, $0x1, v4;
	vm6 =	vmand vm6, vm8;
	vm8 =	vlt.s32 v31, v10  }
0x1d0: {  	v62 =	vshll.u32 v48, $0x11;
	vm8 =	vmor vm8, vm6;
	vm6 =	vlt.s32 v32, v10  }
0x1d1: {  	vm12 =	vlt.s32 v55, v13;
	vm6 =	vmor vm6, vm3;
	vm3 =	vnez.u8 v19  }
0x1d2: {  	vm4 =	vmand vm4, vm12;
	vm12 =	vlt.s32 v30, v10;
	v19 =	vsel vm3, $0x1, v4  }
0x1d3: {  	s10 =	sadd.s32 $0x7DC, s1;
	[tilespmem:$0x1FEA0] =	vst v39;
	v30 =	vshll.u32 v24, $0x11;
	v24 =	vadd.s32 v19, v17;
	v19 =	vsel vm11, $0x1, v4  }
0x1d4: {  	s11 =	sadd.s32 $0x7DB, s1;
	s18 =	sadd.s32 $0x7D8, s1;
	v49 =	vadd.s32 s10, v62;
	v28 =	vshll.u32 v28, $0x11;
	v52 =	vadd.s32 v19, v24;
	v19 =	vld [tilespmem:$0x1FEA0]  }
0x1d5: {  	v62 =	vadd.s32 s18, v22;
	v28 =	vadd.s32 s11, v28;
	v51 =	vsel vm14, $0x1, v4  }
0x1d6: {  	v26 =	vshll.u32 v26, $0x11;
	v36 =	vadd.s32 s10, v21;
	v21 =	vshll.u32 v61, $0x11  }
0x1d7: {  	v47 =	vsel vm0, $0x1, v4;
	v61 =	vadd.s32 s11, v21;
	v21 =	vsel vm10, $0x1, v4  }
0x1d8: {  	v53 =	vsel vm15, $0x1, v4;
	v31 =	vsel vm13, $0x1, v4;
	v21 =	vadd.s32 v21, v15  }
0x1d9: {  	vm4 =	vmor vm12, vm4;
	v63 =	vadd.s32 v31, v21;
	vm12 =	vnez.u8 v19  }
0x1da: {  	v55 =	vsel vm7, $0x1, v4;
	v46 =	vsel vm1, $0x1, v4;
	v54 =	vadd.s32 v51, v52  }
0x1db: {  	s15 =	sadd.s32 $0x7DD, s1;
	v48 =	vsel vm5, $0x1, v4;
	v31 =	vshll.u32 v42, $0x11;
	v42 =	vadd.s32 v53, v63  }
0x1dc: {  	v30 =	vadd.s32 s15, v30;
	v57 =	vadd.s32 s12, v31;
	v45 =	vadd.s32 v55, v42  }
0x1dd: {  	[tilespmem:v52+s29+$0x0] =	vst.idx.msk vm14, v27;
	v27 =	vadd.s32 v59, v34;
	v59 =	vsel vm6, $0x1, v4;
	v19 =	vsel vm12, $0x1, v4  }
0x1de: {  	s11 =	sadd.s32 $0x7D9, s1;
	[tilespmem:v63+s29+$0x0] =	vst.idx.msk vm15, v57;
	vm15 =	vmmov vm0;
	v63 =	vshll.u32 v25, $0x11;
	v56 =	vadd.s32 v19, v54  }
0x1df: {  	v25 =	vadd.s32 s11, v20;
	v19 =	vsel vm2, $0x1, v4;
	[tilespmem:v54+s29+$0x0] =	vst.idx.msk vm12, v61;
	v61 =	vadd.s32 v46, v56  }
0x1e0: {  	v20 =	vshll.u32 v23, $0x11;
	v33 =	vadd.s32 v19, v45;
	v19 =	vadd.s32 v60, v58  }
0x1e1: {  	[tilespmem:v17+s29+$0x0] =	vst.idx.msk vm3, v62;
	v58 =	vsel vm9, $0x1, v4;
	v60 =	vsel vm4, $0x1, v4;
	v31 =	vadd.s32 v48, v33  }
0x1e2: {  	s16 =	sadd.s32 $0x7DE, s1;
	v32 =	vadd.s32 v47, v31;
	[tilespmem:v42+s29+$0x0] =	vst.idx.msk vm7, v28;
	v28 =	vshll.u32 v14, $0x11;
	v34 =	vadd.s32 v60, v61  }
0x1e3: {  	v23 =	vadd.s32 s18, v63;
	v14 =	vadd.s32 v58, v32;
	[tilespmem:v56+s29+$0x0] =	vst.idx.msk vm1, v36;
	v35 =	vadd.s32 s16, v28  }
0x1e4: {  	v28 =	vadd.s32 s16, v26;
	v22 =	vadd.s32 v59, v34;
	[tilespmem:v61+s29+$0x0] =	vst.idx.msk vm4, v30;
	v30 =	vsel vm8, $0x1, v4  }
0x1e5: {  	s9 =	simm.s32 $0x0;
	[tilespmem:v45+s29+$0x0] =	vst.idx.msk vm2, v49;
	v26 =	vadd.s32 s15, v29;
	s16 =	sadd.s32 $0x7DF, s1;
	v29 =	vadd.s32 s11, v20;
	s15 =	simm.s32 $0x7DC0;
	v17 =	vadd.s32 v30, v22  }
.LBB2_19:
0x1e6: {  	v30 =	vld [tilespmem:s15+$0x10]  }
0x1e7: {  	[tilespmem:v34+s29+$0x0] =	vst.idx.msk vm6, v35;
	v58 =	vld [tilespmem:s15+$0x30]  }
0x1e8: {  	[tilespmem:v15+s29+$0x0] =	vst.idx.msk vm10, v23;
	v59 =	vld [tilespmem:s15+$0x0]  }
0x1e9: {  	v36 =	vld [tilespmem:s15+$0xFFFFFFF0];
	[tilespmem:v24+s29+$0x0] =	vst.idx.msk vm11, v25  }
0x1ea: {  	v18 =	vadd.s32 s16, v18;
	v16 =	vshll.u32 v16, $0x11;
	v37 =	vld [tilespmem:s15+$0xFFFFFFE0];
	[tilespmem:v33+s29+$0x0] =	vst.idx.msk vm5, v26;
	v41 =	vimm.s32 $0x0  }
0x1eb: {  	v48 =	vimm.s32 $0x0;
	v49 =	vimm.s32 $0x0;
	v47 =	vimm.s32 $0x0;
	v23 =	vld [tilespmem:s15+$0x20];
	[tilespmem:v22+s29+$0x0] =	vst.idx.msk vm8, v18  }
0x1ec: {  	v16 =	vadd.s32 s16, v16;
	v26 =	vld [tilespmem:s15+$0xFFFFFFD0];
	[tilespmem:v21+s29+$0x0] =	vst.idx.msk vm13, v29;
	v29 =	vimm.s32 $0x0;
	vm13 =	vlt.s32 v19, v12  }
0x1ed: {  	[tilespmem:v31+s29+$0x0] =	vst.idx.msk vm15, v28;
	v18 =	vand.u32 $0x7FFF, v30;
	v60 =	vshrl.u32 v30, $0xF;
	v28 =	vshll.u32 v30, $0x11  }
0x1ee: {  	v25 =	vld [tilespmem:s15+$0xFFFFFFC0];
	[tilespmem:v32+s29+$0x0] =	vst.idx.msk vm9, v16;
	v24 =	vand.u32 $0x7FFF, v58;
	v16 =	vshrl.u32 v58, $0xF;
	v30 =	vimm.s32 $0x0  }
0x1ef: {  	v21 =	vand.u32 $0x7FFF, v59;
	v61 =	vand.u32 $0x7FFF, v37;
	v50 =	vshll.u32 v36, $0x11  }
0x1f0: {  	v45 =	vshrl.u32 v37, $0xF;
	v46 =	vand.u32 $0x7FFF, v36;
	v36 =	vshrl.u32 v36, $0xF  }
0x1f1: {  	vm0 =	veq.s32 v60, v11;
	v38 =	vand.u32 $0x7FFF, v23;
	v31 =	vshrl.u32 v23, $0xF  }
0x1f2: {  	vm1 =	veq.s32 v18, v10;
	vm2 =	vlt.s32 v60, v11;
	vm15 =	veq.s32 v16, v11  }
0x1f3: {  	v39 =	vand.u32 $0x7FFF, v25;
	v40 =	vand.u32 $0x7FFF, v26;
	vm8 =	veq.s32 v61, v10  }
0x1f4: {  	vm7 =	veq.s32 v46, v10;
	vm11 =	veq.s32 v24, v10;
	v30 =	vsel vm0, $0xFFFFFFFF, v30  }
0x1f5: {  	vm0 =	vlt.s32 v18, v10;
	v18 =	vimm.s32 $0x0;
	v29 =	vsel vm2, $0xFFFFFFFF, v29  }
0x1f6: {  	v33 =	vsel vm1, $0x1, v4;
	vm2 =	vlt.s32 v31, v11;
	vm10 =	veq.s32 v40, v10  }
0x1f7: {  	v43 =	vsel vm8, $0x1, v4;
	vm14 =	veq.s32 v38, v10;
	v53 =	vsel vm7, $0x1, v4  }
0x1f8: {  	vm12 =	vlt.s32 v39, v10;
	vm5 =	vlt.s32 v40, v10;
	v40 =	vsel vm11, $0x1, v4  }
0x1f9: {  	[tilespmem:$0x1FD70] =	vst v30;
	v30 =	vimm.s32 $0x0;
	v18 =	vsel vm0, $0xFFFFFFFF, v18;
	vm0 =	vlt.s32 v27, v13  }
0x1fa: {  	[tilespmem:$0x1FDD0] =	vst v29;
	v29 =	vimm.s32 $0x0;
	v41 =	vsel vm2, $0xFFFFFFFF, v41;
	vm2 =	vlt.s32 v61, v10  }
0x1fb: {  	v44 =	vsel vm10, $0x1, v4;
	v30 =	vsel vm1, $0xFFFFFFFF, v30;
	[tilespmem:$0x1FE50] =	vst v18;
	v18 =	vshll.u32 v58, $0x11  }
0x1fc: {  	v29 =	vsel vm15, $0xFFFFFFFF, v29;
	v34 =	vsel vm2, $0xFFFFFFFF, v48;
	vm2 =	veq.s32 v31, v11;
	[tilespmem:$0x1FE20] =	vst v30  }
0x1fd: {  	vm1 =	vlt.s32 v38, v10;
	v30 =	vimm.s32 $0x0;
	[tilespmem:$0x1FD80] =	vst v34;
	v34 =	vsel vm2, $0xFFFFFFFF, v49  }
0x1fe: {  	vm2 =	veq.s32 v21, v10;
	v30 =	vsel vm1, $0xFFFFFFFF, v30;
	vm1 =	veq.s32 v39, v10  }
0x1ff: {  	vm6 =	vmand vm0, vm1;
	vm0 =	vlt.s32 v21, v10;
	v21 =	vimm.s32 $0x0  }
0x200: {  	[tilespmem:$0x1FDF0] =	vst v29;
	v29 =	vshrl.u32 v25, $0xF;
	v47 =	vsel vm2, $0xFFFFFFFF, v47;
	v21 =	vsel vm0, $0xFFFFFFFF, v21  }
0x201: {  	v51 =	vsel vm2, $0x1, v4;
	vm2 =	vlt.s32 v29, v11;
	[tilespmem:$0x1FDC0] =	vst v21;
	v21 =	vimm.s32 $0x0  }
0x202: {  	[tilespmem:$0x1FE30] =	vst v30;
	v30 =	vshrl.u32 v26, $0xF;
	v63 =	vsel vm1, $0x1, v4;
	v21 =	vsel vm14, $0xFFFFFFFF, v21  }
0x203: {  	vm4 =	veq.s32 v30, v11;
	vm0 =	vlt.s32 v24, v10;
	[tilespmem:$0x1FE10] =	vst v21;
	v21 =	vimm.s32 $0x0  }
0x204: {  	v27 =	vadd.s32 v63, v27;
	v24 =	vshrl.u32 v59, $0xF;
	v21 =	vsel vm0, $0xFFFFFFFF, v21  }
0x205: {  	vm3 =	vlt.s32 v30, v11;
	v42 =	vsel vm4, $0x1, v4;
	[tilespmem:$0x1FE00] =	vst v21;
	v21 =	vimm.s32 $0x0  }
0x206: {  	v52 =	vadd.s32 v44, v27;
	vm0 =	veq.s32 v29, v11;
	v21 =	vsel vm11, $0xFFFFFFFF, v21  }
0x207: {  	v58 =	vshll.u32 v24, $0x11;
	v54 =	vadd.s32 v43, v52;
	[tilespmem:$0x1FDE0] =	vst v21;
	v21 =	vsel vm0, $0x1, v4  }
0x208: {  	vm0 =	vmand vm13, vm0;
	vm13 =	vlt.s32 v46, v10;
	v19 =	vadd.s32 v21, v19  }
0x209: {  	[tilespmem:$0x1FD60] =	vst v34;
	vm9 =	vmor vm2, vm0;
	v21 =	vimm.s32 $0x0;
	vm2 =	vlt.s32 v27, v13  }
0x20a: {  	v55 =	vld [tilespmem:$0x1FD60];
	vm0 =	veq.s32 v45, v11;
	v27 =	vimm.s32 $0x0;
	vm1 =	vlt.s32 v19, v12  }
0x20b: {  	v21 =	vsel vm9, $0xFFFFFFFF, v21;
	vm10 =	vmand vm10, vm2;
	vm2 =	vmor vm12, vm6  }
0x20c: {  	vm12 =	vlt.s32 v24, v11;
	v56 =	vsel vm0, $0x1, v4;
	v19 =	vadd.s32 v42, v19  }
0x20d: {  	vm6 =	vlt.s32 v52, v13;
	[tilespmem:$0x1FE40] =	vst v21;
	v21 =	vsel vm9, $0x1, v4;
	vm1 =	vmand vm4, vm1  }
0x20e: {  	v15 =	vmovc v14;
	v21 =	vadd.s32 v21, v14;
	vm1 =	vmor vm3, vm1;
	v14 =	vimm.s32 $0x0  }
0x20f: {  	v27 =	vsel vm2, $0xFFFFFFFF, v27;
	vm9 =	vnez.u8 v55;
	v14 =	vsel vm1, $0xFFFFFFFF, v14  }
0x210: {  	vm11 =	vmor vm5, vm10;
	vm4 =	veq.s32 v36, v11;
	[tilespmem:$0x1FE80] =	vst v14;
	v14 =	vsel vm2, $0x1, v4  }
0x211: {  	v20 =	vmovc v17;
	v43 =	vadd.s32 v56, v19;
	vm3 =	veq.s32 v24, v11;
	v24 =	vadd.s32 v14, v17;
	v17 =	vld [tilespmem:$0x1FD70]  }
0x212: {  	vm5 =	vlt.s32 v36, v11;
	vm6 =	vmand vm8, vm6;
	vm8 =	vlt.s32 v19, v12  }
0x213: {  	v19 =	vadd.s32 v53, v54;
	[tilespmem:$0x1FE60] =	vst v27;
	v27 =	vimm.s32 $0x0;
	v39 =	vsel vm9, $0x1, v4  }
0x214: {  	v57 =	vsel vm4, $0x1, v4;
	vm10 =	vlt.s32 v43, v12;
	vm2 =	vlt.s32 v45, v11  }
0x215: {  	vm4 =	vmand vm4, vm10;
	v42 =	vadd.s32 v57, v43;
	v27 =	vsel vm2, $0xFFFFFFFF, v27  }
0x216: {  	v14 =	vsel vm3, $0x1, v4;
	[tilespmem:$0x1FDB0] =	vst v27;
	v27 =	vsel vm1, $0x1, v4;
	vm2 =	vnez.u8 v17  }
0x217: {  	vm1 =	vlt.s32 v54, v13;
	v14 =	vadd.s32 v14, v42;
	v17 =	vsel vm2, $0x1, v4  }
0x218: {  	[tilespmem:$0x1FD90] =	vst v41;
	vm1 =	vmand vm7, vm1;
	vm10 =	vlt.s32 v14, v12;
	v17 =	vadd.s32 v17, v14  }
0x219: {  	s1 =	smov.u32 s9;
	[tilespmem:$0x1FDA0] =	vst v47;
	vm13 =	vmor vm13, vm1;
	vm1 =	vmor vm5, vm4;
	v14 =	vld [tilespmem:$0x1FD90];
	vm5 =	vlt.s32 v17, v12  }
0x21a: {  	s12 =	sadd.s32 s1, s6;
	v35 =	vadd.s32 v51, v19;
	vm5 =	vmand vm9, vm5;
	vm9 =	vlt.s32 v19, v13;
	v19 =	vld [tilespmem:$0x1FDA0]  }
0x21b: {  	s11 =	sadd.s32 $0x7DC, s12;
	v62 =	vshll.u32 v59, $0x11  }
0x21c: {  	v32 =	vadd.s32 s11, v62;
	v62 =	vld [tilespmem:$0x1FD80];
	_ =	sdelay $0x1  }
0x21d: {  	v22 =	vshll.u32 v60, $0x11;
	v60 =	vsel vm15, $0x1, v4;
	vm15 =	vnez.u8 v14  }
0x21e: {  	s1 =	sadd.s32 $0x7DB, s12;
	vm15 =	vmor vm15, vm5;
	vm5 =	vnez.u8 v19;
	v19 =	vld [tilespmem:$0x1FDB0]  }
0x21f: {  	v34 =	vadd.s32 s1, v50  }
0x220: {  	v63 =	vshll.u32 v45, $0x11;
	vm8 =	vmand vm0, vm8;
	vm0 =	vnez.u8 v62  }
0x221: {  	v59 =	vsel vm11, $0x1, v4;
	vm0 =	vmor vm0, vm6;
	vm7 =	vlt.s32 v42, v12  }
0x222: {  	v45 =	vsel vm0, $0x1, v4;
	v27 =	vadd.s32 v27, v21;
	vm3 =	vmand vm3, vm7  }
0x223: {  	vm5 =	vmand vm5, vm9;
	vm9 =	vmand vm2, vm10;
	vm2 =	vnez.u8 v19  }
0x224: {  	vm3 =	vmor vm12, vm3;
	v14 =	vadd.s32 v59, v24;
	vm12 =	vmor vm2, vm8  }
0x225: {  	v48 =	vadd.s32 v45, v14;
	v19 =	vsel vm13, $0x1, v4;
	v49 =	vsel vm12, $0x1, v4  }
0x226: {  	v51 =	vadd.s32 v19, v48;
	v19 =	vsel vm1, $0x1, v4;
	v50 =	vadd.s32 v49, v27  }
0x227: {  	v52 =	vadd.s32 v19, v50;
	v19 =	vld [tilespmem:$0x1FDC0];
	_ =	sdelay $0x3  }
0x228: {  	v61 =	vsel vm14, $0x1, v4;
	v33 =	vadd.s32 v33, v35  }
0x229: {  	vm7 =	vlt.s32 v35, v13;
	vm2 =	vnez.u8 v19;
	v19 =	vsel vm3, $0x1, v4  }
0x22a: {  	vm4 =	vlt.s32 v33, v13;
	v35 =	vadd.s32 v61, v33;
	v33 =	vadd.s32 v19, v52;
	v19 =	vld [tilespmem:$0x1FDD0];
	_ =	sdelay $0x2  }
0x22b: {  	s10 =	sadd.s32 $0x7DA, s12;
	v37 =	vshll.u32 v37, $0x11  }
0x22c: {  	v37 =	vadd.s32 s10, v37  }
0x22d: {  	[tilespmem:v14+s29+$0x0] =	vst.idx.msk vm0, v37;
	vm0 =	vnez.u8 v19;
	v19 =	vld [tilespmem:$0x1FDE0];
	_ =	sdelay $0x4  }
0x22e: {  	vm10 =	vmor vm2, vm5;
	vm5 =	vmor vm0, vm9;
	vm0 =	vnez.u8 v19;
	v19 =	vld [tilespmem:$0x1FDF0];
	_ =	sdelay $0x4  }
0x22f: {  	vm2 =	vnez.u8 v19;
	v19 =	vld [tilespmem:$0x1FE00];
	_ =	sdelay $0x2  }
0x230: {  	v17 =	vadd.s32 v39, v17  }
0x231: {  	vm6 =	vlt.s32 v35, v13;
	vm8 =	vlt.s32 v17, v12  }
0x232: {  	vm0 =	vmand vm0, vm6;
	vm6 =	vmand vm2, vm8;
	vm2 =	vnez.u8 v19;
	v19 =	vld [tilespmem:$0x1FE10];
	_ =	sdelay $0x4  }
0x233: {  	vm8 =	vmor vm2, vm0;
	vm0 =	vnez.u8 v19;
	v19 =	vld [tilespmem:$0x1FE80];
	_ =	sdelay $0x4  }
0x234: {  	[tilespmem:v48+s29+$0x0] =	vst.idx.msk vm13, v34;
	vm13 =	vnez.u8 v19;
	v19 =	vadd.s32 v60, v17;
	v17 =	vadd.s32 s10, v63  }
0x235: {  	[tilespmem:v27+s29+$0x0] =	vst.idx.msk vm12, v17;
	v17 =	vshll.u32 v31, $0x11;
	v31 =	vld [tilespmem:$0x1FE40];
	_ =	sdelay $0x1  }
0x236: {  	v57 =	vld [tilespmem:$0x1FE30]  }
0x237: {  	v56 =	vld [tilespmem:$0x1FE20]  }
0x238: {  	v23 =	vshll.u32 v23, $0x11  }
0x239: {  	v25 =	vshll.u32 v25, $0x11;
	v14 =	vsel vm10, $0x1, v4;
	[tilespmem:v51+s29+$0x0] =	vst.idx.msk vm10, v32;
	vm10 =	vnez.u8 v31;
	v31 =	vld [tilespmem:$0x1FE50]  }
0x23a: {  	vm14 =	vlt.s32 v16, v11;
	v36 =	vshll.u32 v36, $0x11;
	v55 =	vadd.s32 s11, v58  }
0x23b: {  	v36 =	vadd.s32 s1, v36;
	vm0 =	vmand vm0, vm4;
	vm4 =	vnez.u8 v57  }
0x23c: {  	[tilespmem:v50+s29+$0x0] =	vst.idx.msk vm1, v36;
	vm1 =	vnez.u8 v56;
	vm9 =	vmor vm14, vm6;
	vm6 =	vmor vm4, vm0  }
0x23d: {  	s11 =	sadd.s32 $0x7D8, s12;
	vm1 =	vmand vm1, vm7;
	v61 =	vadd.s32 v14, v51;
	v59 =	vsel vm6, $0x1, v4  }
0x23e: {  	s5 =	sadd.s32 $0x7DE, s12;
	s10 =	sadd.s32 $0x7DD, s12;
	v63 =	vadd.s32 s11, v25;
	v27 =	vadd.s32 v40, v35;
	vm0 =	vnez.u8 v31  }
0x23f: {  	v62 =	vadd.s32 s10, v28;
	v35 =	vadd.s32 s5, v23;
	vm0 =	vmor vm0, vm1  }
0x240: {  	v23 =	vshll.u32 v26, $0x11;
	v26 =	vadd.s32 s10, v22;
	v60 =	vsel vm0, $0x1, v4  }
0x241: {  	v28 =	vadd.s32 s5, v17;
	v17 =	vshll.u32 v29, $0x11;
	v34 =	vadd.s32 v60, v61  }
0x242: {  	s18 =	sadd.s32 $0x7D9, s12;
	v29 =	vshll.u32 v30, $0x11;
	v30 =	vsel vm8, $0x1, v4;
	v22 =	vadd.s32 v59, v34  }
0x243: {  	v25 =	vadd.s32 s18, v23;
	v23 =	vadd.s32 s11, v17;
	v17 =	vadd.s32 v30, v22;
	v30 =	vld [tilespmem:$0x1FE60];
	_ =	sdelay $0x4  }
0x244: {  	s9 =	sadd.s32 $0x8, s9;
	[tilespmem:v61+s29+$0x0] =	vst.idx.msk vm0, v62;
	vm0 =	vnez.u8 v30  }
0x245: {  	p1 =	slt.u32 s9, $0x7C8;
	v54 =	vsel vm5, $0x1, v4  }
.Ltmp9:
0x246: {  	v53 =	vsel vm15, $0x1, v4;
	v31 =	vadd.s32 v54, v33;
	(pc) =	sbr.rel @p1 .LBB2_19-.Ltmp9, $4  }
0x247: {  	v58 =	vsel vm9, $0x1, v4;
	v32 =	vadd.s32 v53, v31  }
0x248: {  	v14 =	vadd.s32 v58, v32  }
0x249: {  	[tilespmem:v52+s29+$0x0] =	vst.idx.msk vm3, v55  }
0x24a: {  	s15 =	sadd.s32 $0x80, s15;
	s16 =	sadd.s32 $0x7DF, s12;
	v29 =	vadd.s32 s18, v29;
	[tilespmem:v20+s29+$0x0] =	vst.idx.msk vm0, v63  }
0x24b: {  	_ =	sdelay $0x4  }
0x24c: {  	[tilespmem:v34+s29+$0x0] =	vst.idx.msk vm6, v35  }
0x24d: {  	[tilespmem:v15+s29+$0x0] =	vst.idx.msk vm10, v23  }
0x24e: {  	[tilespmem:v24+s29+$0x0] =	vst.idx.msk vm11, v25  }
.Ltmp10:
0x24f: {  	v15 =	vadd.s32 s16, v18;
	[tilespmem:v33+s29+$0x0] =	vst.idx.msk vm5, v26;
	(pc) =	sbr.rel @p0 .LBB2_34-.Ltmp10, $4  }
0x250: {  	[tilespmem:v22+s29+$0x0] =	vst.idx.msk vm8, v15  }
0x251: {  	v16 =	vshll.u32 v16, $0x11;
	[tilespmem:v31+s29+$0x0] =	vst.idx.msk vm15, v28  }
0x252: {  	v16 =	vadd.s32 s16, v16;
	[tilespmem:v21+s29+$0x0] =	vst.idx.msk vm13, v29  }
0x253: {  	[tilespmem:v32+s29+$0x0] =	vst.idx.msk vm9, v16  }
0x254: {  	s1 =	smul.u32 $0x1F4000, s7  }
.Ltmp11:
0x255: {  	_ = 	snop;
	(pc) =	sbr.rel .LBB2_16-.Ltmp11, $4  }
0x256: {  	s1 =	sadd.s32 s14, s1  }
0x257: {  	s1 =	sshrl.u32 s1, $0x3  }
0x258: {  	s7 =	sadd.s32 $0x1, s7;
	s6 =	sadd.s32 $0xFA0, s6;
	s1 =	sadd.s32 s3, s1  }
0x259: {  	[tilespmem:s24], [sflag:$0x2] =	stream.strided.gather [hbm4b:s1+s22], $0x7D00, s23, s22, $0x200038;
	[tilespmem:$0x193C8] =	vst v63  }
.LBB2_22:
0x25a: {  	v18 =	vmov v2;
	_ =	sdelay $0x3  }
0x25b: {  	s7 =	sxor.u32 $0x80000000, s7;
	v16 =	vmov v8;
	s9 =	simm.s32 $0x0  }
.LBB2_23:
0x25c: {  	_ =	swait.ge [sflag:s25], $0x7D00  }
0x25d: {  	[sflag:s25] =	ssyncset.done $0x0  }
0x25e: {  	s1 =	simm.s32 $0x40;
	[sflag:s25] =	ssyncadd.s32 $0xFFFF8300  }
0x25f: {  	v19 =	vld [tilespmem:s1+$0xFFFFFFD0]  }
0x260: {  	v17 =	vld [tilespmem:s1+$0x30]  }
0x261: {  	v26 =	vld [tilespmem:s1+$0x20]  }
0x262: {  	v24 =	vld [tilespmem:s1+$0x10]  }
0x263: {  	v27 =	vld [tilespmem:s1+$0xFFFFFFF0]  }
0x264: {  	v30 =	vld [tilespmem:s1+$0xFFFFFFC0]  }
0x265: {  	v33 =	vld [tilespmem:s1+$0xFFFFFFE0]  }
0x266: {  	v23 =	vld [tilespmem:s1+$0x0];
	v20 =	vand.u32 $0x7FFF, v19;
	v21 =	vshrl.u32 v19, $0xF  }
0x267: {  	v25 =	vshll.u32 v19, $0x11;
	v28 =	vand.u32 $0x7FFF, v17;
	v19 =	vshrl.u32 v17, $0xF  }
0x268: {  	v29 =	vand.u32 $0x7FFF, v26;
	v34 =	vand.u32 $0x7FFF, v24;
	v35 =	vshrl.u32 v24, $0xF  }
0x269: {  	v36 =	vand.u32 $0x7FFF, v27;
	v41 =	vshrl.u32 v26, $0xF;
	v37 =	vand.u32 $0x7FFF, v30  }
0x26a: {  	v42 =	vshrl.u32 v30, $0xF;
	v38 =	vshrl.u32 v33, $0xF;
	v39 =	vshrl.u32 v27, $0xF  }
0x26b: {  	v58 =	vand.u32 $0x7FFF, v23;
	v48 =	vshrl.u32 v23, $0xF;
	v43 =	vshll.u32 v27, $0x11  }
0x26c: {  	v24 =	vshll.u32 v24, $0x11;
	v30 =	vshll.u32 v30, $0x11;
	v26 =	vshll.u32 v26, $0x11  }
0x26d: {  	s15 =	sadd.s32 $0xFFFFFFF8, s6;
	vm15 =	vle.s32 v20, v10;
	vm14 =	vle.s32 v21, v11;
	v20 =	vshll.u32 v21, $0x11  }
0x26e: {  	s10 =	sadd.s32 $0x9, s15;
	v21 =	vshll.u32 v23, $0x11;
	vm0 =	vle.s32 v42, v11;
	v22 =	vshll.u32 v35, $0x11  }
0x26f: {  	vm9 =	vle.s32 v37, v10;
	v46 =	vadd.s32 s10, v25;
	vm1 =	vle.s32 v28, v10  }
0x270: {  	vm2 =	vle.s32 v19, v11;
	vm6 =	vle.s32 v34, v10;
	vm5 =	vle.s32 v35, v11  }
0x271: {  	vm10 =	vle.s32 v36, v10;
	vm3 =	vle.s32 v29, v10;
	vm12 =	vle.s32 v38, v11  }
0x272: {  	v29 =	vshll.u32 v38, $0x11;
	vm11 =	vle.s32 v39, v11;
	v37 =	vshll.u32 v33, $0x11  }
0x273: {  	s18 =	sadd.s32 $0xB, s15;
	s16 =	sadd.s32 $0xD, s15;
	vm13 =	vle.s32 v58, v10;
	vm4 =	vle.s32 v48, v11;
	vm7 =	vle.s32 v41, v11  }
0x274: {  	v62 =	vshll.u32 v39, $0x11;
	v35 =	vadd.s32 s16, v24;
	v39 =	vadd.s32 s18, v43  }
0x275: {  	s5 =	sadd.s32 $0xC, s15;
	v63 =	vshll.u32 v48, $0x11;
	v41 =	vshll.u32 v41, $0x11;
	v31 =	vsel vm15, $0x1, v4  }
0x276: {  	v32 =	vsel vm14, $0x1, v4;
	v45 =	vadd.s32 s10, v20;
	v20 =	vadd.s32 s5, v21  }
0x277: {  	v21 =	vand.u32 $0x7FFF, v33;
	v57 =	vsel vm0, $0x1, v4;
	v25 =	vsel vm3, $0x1, v4  }
0x278: {  	v59 =	vsel vm12, $0x1, v4;
	v28 =	vsel vm6, $0x1, v4;
	v27 =	vsel vm5, $0x1, v4  }
0x279: {  	v23 =	vsel vm11, $0x1, v4;
	v61 =	vsel vm9, $0x1, v4;
	v49 =	vadd.s32 v57, v16  }
0x27a: {  	v60 =	vsel vm4, $0x1, v4;
	v50 =	vadd.s32 v61, v18;
	v32 =	vadd.s32 v32, v49  }
0x27b: {  	v44 =	vsel vm7, $0x1, v4;
	v36 =	vadd.s32 s18, v62;
	v34 =	vadd.s32 v59, v32  }
0x27c: {  	v40 =	vsel vm10, $0x1, v4;
	vm8 =	vle.s32 v21, v10;
	v23 =	vadd.s32 v23, v34  }
0x27d: {  	v43 =	vsel vm13, $0x1, v4;
	v38 =	vadd.s32 v31, v50;
	v31 =	vadd.s32 v60, v23  }
0x27e: {  	s11 =	sadd.s32 $0x8, s15;
	v21 =	vsel vm2, $0x1, v4;
	v47 =	vsel vm8, $0x1, v4;
	v27 =	vadd.s32 v27, v31  }
0x27f: {  	s12 =	sadd.s32 $0xA, s15;
	[tilespmem:v50+s21+$0x0] =	vst.idx.msk vm15, v46;
	v24 =	vadd.s32 v44, v27;
	v44 =	vadd.s32 s11, v30;
	v30 =	vshll.u32 v42, $0x11  }
0x280: {  	s1 =	sadd.s32 $0xE, s15;
	s10 =	simm.s32 $0x0;
	v42 =	vadd.s32 v47, v38;
	[tilespmem:v49+s21+$0x0] =	vst.idx.msk vm14, v45;
	v33 =	vadd.s32 s11, v30;
	v30 =	vadd.s32 s5, v63;
	s11 =	simm.s32 $0xC0  }
.LBB2_24:
0x281: {  	v45 =	vld [tilespmem:s11+$0xFFFFFFD0];
	[tilespmem:v18+s21+$0x0] =	vst.idx.msk vm9, v44;
	v18 =	vadd.s32 s12, v37;
	v37 =	vadd.s32 v40, v42;
	v40 =	vadd.s32 s1, v26;
	s5 =	smov.u32 s10;
	s10 =	sadd.s32 $0x8, s10  }
0x282: {  	v44 =	vld [tilespmem:s11+$0x30];
	p0 =	slt.u32 s10, $0x7C8;
	[tilespmem:v38+s21+$0x0] =	vst.idx.msk vm8, v18;
	v18 =	vadd.s32 s12, v29;
	v29 =	vadd.s32 v43, v37;
	v38 =	vadd.s32 s1, v41  }
0x283: {  	v22 =	vadd.s32 s16, v22;
	v41 =	vld [tilespmem:s11+$0x0];
	[tilespmem:v32+s21+$0x0] =	vst.idx.msk vm12, v18;
	v28 =	vadd.s32 v28, v29;
	v18 =	vsel vm1, $0x1, v4  }
0x284: {  	v17 =	vshll.u32 v17, $0x11;
	s1 =	sadd.s32 $0xF, s15;
	v32 =	vadd.s32 v21, v24;
	v26 =	vld [tilespmem:s11+$0x20];
	[tilespmem:v42+s21+$0x0] =	vst.idx.msk vm10, v39;
	v25 =	vadd.s32 v25, v28  }
0x285: {  	v46 =	vshll.u32 v19, $0x11;
	v21 =	vadd.s32 s1, v17;
	v39 =	vld [tilespmem:s11+$0x10];
	[tilespmem:v34+s21+$0x0] =	vst.idx.msk vm11, v36;
	v18 =	vadd.s32 v18, v25  }
0x286: {  	v19 =	vand.u32 $0x7FFF, v45;
	v34 =	vshrl.u32 v45, $0xF;
	v36 =	vshll.u32 v45, $0x11;
	v42 =	vld [tilespmem:s11+$0xFFFFFFF0];
	[tilespmem:v37+s21+$0x0] =	vst.idx.msk vm13, v20  }
0x287: {  	s15 =	sadd.s32 s5, s6;
	v43 =	vld [tilespmem:s11+$0xFFFFFFC0];
	vm14 =	vle.s32 v19, v10;
	v37 =	vand.u32 $0x7FFF, v44;
	[tilespmem:v29+s21+$0x0] =	vst.idx.msk vm6, v35;
	v29 =	vadd.s32 s1, v46;
	v17 =	vmovc v44  }
0x288: {  	s5 =	sadd.s32 $0x9, s15;
	vm15 =	vle.s32 v34, v11;
	s1 =	sadd.s32 $0xC, s15;
	v35 =	vsel vm14, $0x1, v4;
	v44 =	vld [tilespmem:s11+$0xFFFFFFE0];
	v19 =	vshrl.u32 v17, $0xF;
	[tilespmem:v31+s21+$0x0] =	vst.idx.msk vm5, v22  }
0x289: {  	v20 =	vshll.u32 v34, $0x11;
	v31 =	vsel vm15, $0x1, v4;
	v34 =	vand.u32 $0x7FFF, v26;
	[tilespmem:v25+s21+$0x0] =	vst.idx.msk vm1, v21  }
0x28a: {  	v21 =	vshll.u32 v41, $0x11;
	v25 =	vand.u32 $0x7FFF, v39;
	v45 =	vshrl.u32 v39, $0xF;
	[tilespmem:v28+s21+$0x0] =	vst.idx.msk vm3, v40  }
0x28b: {  	v46 =	vadd.s32 s5, v20;
	v47 =	vshrl.u32 v26, $0xF;
	v28 =	vand.u32 $0x7FFF, v42;
	[tilespmem:v27+s21+$0x0] =	vst.idx.msk vm7, v38  }
0x28c: {  	v20 =	vadd.s32 s1, v21;
	v27 =	vand.u32 $0x7FFF, v43;
	v48 =	vshrl.u32 v43, $0xF;
	[tilespmem:v16+s21+$0x0] =	vst.idx.msk vm0, v33;
	v16 =	vmovc v32  }
0x28d: {  	v22 =	vshll.u32 v45, $0x11;
	vm0 =	vle.s32 v48, v11;
	v33 =	vshrl.u32 v44, $0xF;
	[tilespmem:v24+s21+$0x0] =	vst.idx.msk vm2, v29  }
0x28e: {  	s12 =	sadd.s32 $0xA, s15;
	v49 =	vadd.s32 s5, v36;
	vm9 =	vle.s32 v27, v10;
	v21 =	vand.u32 $0x7FFF, v44;
	[tilespmem:v23+s21+$0x0] =	vst.idx.msk vm4, v30  }
0x28f: {  	vm1 =	vle.s32 v37, v10;
	v23 =	vsel vm0, $0x1, v4;
	vm8 =	vle.s32 v21, v10  }
0x290: {  	v24 =	vshrl.u32 v42, $0xF;
	vm2 =	vle.s32 v19, v11;
	v30 =	vsel vm8, $0x1, v4  }
0x291: {  	vm6 =	vle.s32 v25, v10;
	vm5 =	vle.s32 v45, v11;
	v21 =	vsel vm2, $0x1, v4  }
0x292: {  	vm3 =	vle.s32 v34, v10;
	vm10 =	vle.s32 v28, v10;
	v27 =	vand.u32 $0x7FFF, v41  }
0x293: {  	v25 =	vsel vm3, $0x1, v4;
	vm12 =	vle.s32 v33, v11;
	v29 =	vshll.u32 v33, $0x11  }
0x294: {  	v28 =	vsel vm6, $0x1, v4;
	v41 =	vshrl.u32 v41, $0xF;
	v33 =	vsel vm12, $0x1, v4  }
0x295: {  	v42 =	vshll.u32 v42, $0x11;
	vm11 =	vle.s32 v24, v11;
	v45 =	vadd.s32 v23, v32  }
0x296: {  	v37 =	vshll.u32 v44, $0x11;
	v44 =	vsel vm5, $0x1, v4;
	v32 =	vadd.s32 v31, v45  }
0x297: {  	vm7 =	vle.s32 v47, v11;
	vm13 =	vle.s32 v27, v10;
	vm4 =	vle.s32 v41, v11  }
0x298: {  	v50 =	vsel vm7, $0x1, v4;
	v23 =	vsel vm11, $0x1, v4;
	v27 =	vsel vm4, $0x1, v4  }
0x299: {  	s5 =	sadd.s32 $0xB, s15;
	v24 =	vshll.u32 v24, $0x11;
	v31 =	vsel vm9, $0x1, v4;
	v34 =	vadd.s32 v33, v32  }
0x29a: {  	v36 =	vadd.s32 s5, v24;
	v33 =	vadd.s32 v31, v18;
	v23 =	vadd.s32 v23, v34  }
0x29b: {  	s16 =	sadd.s32 $0xD, s15;
	v24 =	vshll.u32 v39, $0x11;
	v38 =	vadd.s32 v35, v33;
	v31 =	vadd.s32 v27, v23  }
.Ltmp12:
0x29c: {  	v40 =	vsel vm10, $0x1, v4;
	v35 =	vadd.s32 s16, v24;
	v27 =	vadd.s32 v44, v31;
	(pc) =	sbr.rel @p0 .LBB2_24-.Ltmp12, $4  }
0x29d: {  	s18 =	sadd.s32 $0x8, s15;
	v43 =	vshll.u32 v43, $0x11;
	v39 =	vadd.s32 s5, v42;
	v24 =	vadd.s32 v50, v27  }
0x29e: {  	v48 =	vshll.u32 v48, $0x11;
	v44 =	vadd.s32 s18, v43;
	v43 =	vsel vm13, $0x1, v4  }
0x29f: {  	v42 =	vadd.s32 v30, v38;
	v30 =	vshll.u32 v41, $0x11;
	v41 =	vshll.u32 v47, $0x11;
	[tilespmem:v33+s21+$0x0] =	vst.idx.msk vm14, v49  }
0x2a0: {  	s11 =	sadd.s32 $0x80, s11;
	v26 =	vshll.u32 v26, $0x11;
	v30 =	vadd.s32 s1, v30;
	s1 =	sadd.s32 $0xE, s15;
	v33 =	vadd.s32 s18, v48;
	[tilespmem:v45+s21+$0x0] =	vst.idx.msk vm15, v46  }
0x2a1: {  	_ =	sdelay $0x4  }
0x2a2: {  	[tilespmem:v18+s21+$0x0] =	vst.idx.msk vm9, v44  }
0x2a3: {  	v18 =	vadd.s32 s12, v37;
	v61 =	vadd.s32 v40, v42;
	[tilespmem:v42+s21+$0x0] =	vst.idx.msk vm10, v39  }
0x2a4: {  	[tilespmem:v38+s21+$0x0] =	vst.idx.msk vm8, v18;
	v18 =	vadd.s32 s12, v29;
	v29 =	vadd.s32 v43, v61  }
0x2a5: {  	[tilespmem:v34+s21+$0x0] =	vst.idx.msk vm11, v36  }
0x2a6: {  	[tilespmem:v32+s21+$0x0] =	vst.idx.msk vm12, v18;
	v18 =	vadd.s32 v28, v29  }
0x2a7: {  	[tilespmem:v16+s21+$0x0] =	vst.idx.msk vm0, v33;
	v25 =	vadd.s32 v25, v18  }
0x2a8: {  	[tilespmem:v61+s21+$0x0] =	vst.idx.msk vm13, v20  }
0x2a9: {  	[tilespmem:v29+s21+$0x0] =	vst.idx.msk vm6, v35  }
0x2aa: {  	s5 =	sadd.s32 $0xF, s15;
	v17 =	vshll.u32 v17, $0x11;
	p0 =	seq.s32 s9, $0x18;
	v20 =	vadd.s32 s16, v22;
	[tilespmem:v23+s21+$0x0] =	vst.idx.msk vm4, v30  }
0x2ab: {  	v17 =	vadd.s32 s5, v17;
	s10 =	smul.u32 @!p0 $0x1F4000, s9;
	[tilespmem:v31+s21+$0x0] =	vst.idx.msk vm5, v20  }
0x2ac: {  	v20 =	vadd.s32 s1, v26;
	[tilespmem:v25+s21+$0x0] =	vst.idx.msk vm1, v17  }
0x2ad: {  	v17 =	vadd.s32 s1, v41;
	[tilespmem:v18+s21+$0x0] =	vst.idx.msk vm3, v20;
	v18 =	vshll.u32 v19, $0x11;
	s1 =	sadd.s32 @!p0 s13, s10  }
0x2ae: {  	s11 =	simm.s32 @!p0 $0x0;
	[tilespmem:v27+s21+$0x0] =	vst.idx.msk vm7, v17;
	v17 =	vadd.s32 s5, v18;
	s1 =	sshrl.u32 @!p0 s1, $0x3  }
0x2af: {  	s10 =	simm.s32 @!p0 $0x200;
	s5 =	simm.s32 @!p0 $0x10;
	[tilespmem:v24+s21+$0x0] =	vst.idx.msk vm2, v17;
	s1 =	sadd.s32 @!p0 s3, s1  }
0x2b0: {  	[tilespmem:s11], [sflag:$0x1] =	stream.strided.gather @!p0 [hbm4b:s1+s5], $0x7D00, s10, s5, $0x200038;
	[tilespmem:$0x193C8] =	vst v63  }
0x2b1: {  	_ =	swait.ge [sflag:s28], $0x7D00  }
0x2b2: {  	[sflag:s28] =	ssyncset.done $0x0  }
0x2b3: {  	s10 =	simm.s32 $0x7D40;
	[sflag:s28] =	ssyncadd.s32 $0xFFFF8300  }
0x2b4: {  	v18 =	vld [tilespmem:s10+$0xFFFFFFD0]  }
0x2b5: {  	v17 =	vld [tilespmem:s10+$0x30]  }
0x2b6: {  	v26 =	vld [tilespmem:s10+$0x20]  }
0x2b7: {  	v19 =	vsel vm1, $0x1, v4;
	v27 =	vld [tilespmem:s10+$0x10]  }
0x2b8: {  	v19 =	vadd.s32 v19, v25;
	v25 =	vld [tilespmem:s10+$0xFFFFFFF0]  }
0x2b9: {  	v31 =	vld [tilespmem:s10+$0xFFFFFFC0]  }
0x2ba: {  	v62 =	vld [tilespmem:s10+$0xFFFFFFE0]  }
0x2bb: {  	v16 =	vadd.s32 v21, v24;
	v23 =	vld [tilespmem:s10+$0x0];
	v20 =	vand.u32 $0x7FFF, v18;
	v21 =	vshrl.u32 v18, $0xF  }
0x2bc: {  	v22 =	vshll.u32 v18, $0x11;
	v24 =	vand.u32 $0x7FFF, v17;
	v18 =	vshrl.u32 v17, $0xF  }
0x2bd: {  	v28 =	vand.u32 $0x7FFF, v26;
	v29 =	vand.u32 $0x7FFF, v27;
	v49 =	vshrl.u32 v27, $0xF  }
0x2be: {  	v50 =	vand.u32 $0x7FFF, v25;
	v42 =	vshrl.u32 v26, $0xF;
	v51 =	vand.u32 $0x7FFF, v31  }
0x2bf: {  	v52 =	vshrl.u32 v31, $0xF;
	v53 =	vshrl.u32 v62, $0xF;
	v55 =	vshrl.u32 v25, $0xF  }
0x2c0: {  	v56 =	vand.u32 $0x7FFF, v23;
	v48 =	vshrl.u32 v23, $0xF;
	v25 =	vshll.u32 v25, $0x11  }
0x2c1: {  	v37 =	vshll.u32 v62, $0x11;
	v27 =	vshll.u32 v27, $0x11;
	v31 =	vshll.u32 v31, $0x11  }
0x2c2: {  	s15 =	sadd.s32 $0xFFFFFFF8, s6;
	v26 =	vshll.u32 v26, $0x11;
	vm15 =	vle.s32 v20, v10;
	vm14 =	vle.s32 v21, v11  }
0x2c3: {  	s11 =	sadd.s32 $0x7D9, s15;
	v20 =	vshll.u32 v21, $0x11;
	v21 =	vshll.u32 v23, $0x11;
	vm0 =	vle.s32 v52, v11  }
0x2c4: {  	vm9 =	vle.s32 v51, v10;
	v46 =	vadd.s32 s11, v22;
	v22 =	vand.u32 $0x7FFF, v62  }
0x2c5: {  	vm2 =	vle.s32 v24, v10;
	vm1 =	vle.s32 v18, v11;
	vm6 =	vle.s32 v29, v10  }
0x2c6: {  	vm5 =	vle.s32 v49, v11;
	vm10 =	vle.s32 v50, v10;
	vm3 =	vle.s32 v28, v10  }
0x2c7: {  	vm12 =	vle.s32 v53, v11;
	v29 =	vshll.u32 v53, $0x11;
	vm11 =	vle.s32 v55, v11  }
0x2c8: {  	s12 =	sadd.s32 $0x7DB, s15;
	s16 =	sadd.s32 $0x7DD, s15;
	vm13 =	vle.s32 v56, v10;
	vm4 =	vle.s32 v48, v11;
	vm7 =	vle.s32 v42, v11  }
0x2c9: {  	s18 =	sadd.s32 $0x7D8, s15;
	v62 =	vshll.u32 v55, $0x11;
	v35 =	vadd.s32 s16, v27;
	v39 =	vadd.s32 s12, v25  }
0x2ca: {  	v44 =	vadd.s32 s18, v31;
	v31 =	vshll.u32 v52, $0x11;
	v42 =	vshll.u32 v42, $0x11  }
0x2cb: {  	s1 =	sadd.s32 $0x7DC, s15;
	v30 =	vsel vm15, $0x1, v4;
	v63 =	vsel vm14, $0x1, v4;
	v45 =	vadd.s32 s11, v20  }
0x2cc: {  	v20 =	vadd.s32 s1, v21;
	v21 =	vshll.u32 v49, $0x11;
	v54 =	vsel vm0, $0x1, v4  }
0x2cd: {  	vm8 =	vle.s32 v22, v10;
	v22 =	vsel vm1, $0x1, v4;
	v24 =	vsel vm3, $0x1, v4  }
0x2ce: {  	v57 =	vsel vm12, $0x1, v4;
	v28 =	vsel vm6, $0x1, v4;
	v61 =	vsel vm9, $0x1, v4  }
0x2cf: {  	v58 =	vsel vm5, $0x1, v4;
	v49 =	vadd.s32 v54, v16;
	v50 =	vadd.s32 v61, v19  }
0x2d0: {  	v23 =	vsel vm11, $0x1, v4;
	v59 =	vsel vm4, $0x1, v4;
	v32 =	vadd.s32 v63, v49  }
0x2d1: {  	v60 =	vsel vm7, $0x1, v4;
	v36 =	vadd.s32 s12, v62;
	v34 =	vadd.s32 v57, v32  }
0x2d2: {  	v40 =	vsel vm10, $0x1, v4;
	v38 =	vadd.s32 v30, v50;
	v23 =	vadd.s32 v23, v34  }
0x2d3: {  	v43 =	vsel vm13, $0x1, v4;
	v33 =	vadd.s32 s18, v31;
	v30 =	vadd.s32 v59, v23  }
0x2d4: {  	s10 =	simm.s32 $0x0;
	v47 =	vsel vm8, $0x1, v4;
	v63 =	vshll.u32 v48, $0x11;
	v27 =	vadd.s32 v58, v30;
	[tilespmem:v50+s21+$0x0] =	vst.idx.msk vm15, v46  }
0x2d5: {  	s12 =	sadd.s32 $0x7DA, s15;
	s11 =	simm.s32 $0x7DC0;
	v41 =	vadd.s32 v47, v38;
	v31 =	vadd.s32 s1, v63;
	s1 =	sadd.s32 $0x7DE, s15;
	v25 =	vadd.s32 v60, v27;
	[tilespmem:v49+s21+$0x0] =	vst.idx.msk vm14, v45  }
.LBB2_26:
0x2d6: {  	v45 =	vld [tilespmem:s11+$0xFFFFFFD0];
	[tilespmem:v19+s21+$0x0] =	vst.idx.msk vm9, v44;
	v19 =	vadd.s32 s12, v37;
	v37 =	vadd.s32 v40, v41;
	v40 =	vadd.s32 s1, v26;
	s5 =	smov.u32 s10;
	s10 =	sadd.s32 $0x8, s10  }
0x2d7: {  	v44 =	vld [tilespmem:s11+$0x30];
	p1 =	slt.u32 s10, $0x7C8;
	[tilespmem:v38+s21+$0x0] =	vst.idx.msk vm8, v19;
	v19 =	vadd.s32 s12, v29;
	v29 =	vadd.s32 v43, v37;
	v38 =	vadd.s32 s1, v42  }
0x2d8: {  	v21 =	vadd.s32 s16, v21;
	v42 =	vld [tilespmem:s11+$0x0];
	[tilespmem:v32+s21+$0x0] =	vst.idx.msk vm12, v19;
	v28 =	vadd.s32 v28, v29;
	v19 =	vsel vm2, $0x1, v4  }
0x2d9: {  	v17 =	vshll.u32 v17, $0x11;
	s1 =	sadd.s32 $0x7DF, s15;
	v32 =	vadd.s32 v22, v25;
	v26 =	vld [tilespmem:s11+$0x20];
	[tilespmem:v41+s21+$0x0] =	vst.idx.msk vm10, v39;
	v24 =	vadd.s32 v24, v28  }
0x2da: {  	v46 =	vshll.u32 v18, $0x11;
	v22 =	vadd.s32 s1, v17;
	v39 =	vld [tilespmem:s11+$0x10];
	[tilespmem:v34+s21+$0x0] =	vst.idx.msk vm11, v36;
	v19 =	vadd.s32 v19, v24  }
0x2db: {  	v18 =	vand.u32 $0x7FFF, v45;
	v34 =	vshrl.u32 v45, $0xF;
	v36 =	vshll.u32 v45, $0x11;
	v41 =	vld [tilespmem:s11+$0xFFFFFFF0];
	[tilespmem:v37+s21+$0x0] =	vst.idx.msk vm13, v20  }
0x2dc: {  	s15 =	sadd.s32 s5, s6;
	v43 =	vld [tilespmem:s11+$0xFFFFFFC0];
	vm14 =	vle.s32 v18, v10;
	v37 =	vand.u32 $0x7FFF, v44;
	[tilespmem:v29+s21+$0x0] =	vst.idx.msk vm6, v35;
	v29 =	vadd.s32 s1, v46;
	v17 =	vmovc v44  }
0x2dd: {  	s5 =	sadd.s32 $0x7D9, s15;
	vm15 =	vle.s32 v34, v11;
	s1 =	sadd.s32 $0x7DC, s15;
	v35 =	vsel vm14, $0x1, v4;
	v44 =	vld [tilespmem:s11+$0xFFFFFFE0];
	v18 =	vshrl.u32 v17, $0xF;
	[tilespmem:v30+s21+$0x0] =	vst.idx.msk vm5, v21  }
0x2de: {  	v20 =	vshll.u32 v34, $0x11;
	v30 =	vsel vm15, $0x1, v4;
	v34 =	vand.u32 $0x7FFF, v26;
	[tilespmem:v24+s21+$0x0] =	vst.idx.msk vm2, v22  }
0x2df: {  	v21 =	vshll.u32 v42, $0x11;
	v22 =	vand.u32 $0x7FFF, v39;
	v24 =	vshrl.u32 v39, $0xF;
	[tilespmem:v28+s21+$0x0] =	vst.idx.msk vm3, v40  }
0x2e0: {  	v45 =	vadd.s32 s5, v20;
	v46 =	vshrl.u32 v26, $0xF;
	v28 =	vand.u32 $0x7FFF, v41;
	[tilespmem:v27+s21+$0x0] =	vst.idx.msk vm7, v38  }
0x2e1: {  	v20 =	vadd.s32 s1, v21;
	v27 =	vand.u32 $0x7FFF, v43;
	v47 =	vshrl.u32 v43, $0xF;
	[tilespmem:v16+s21+$0x0] =	vst.idx.msk vm0, v33;
	v16 =	vmovc v32  }
0x2e2: {  	v21 =	vshll.u32 v24, $0x11;
	vm0 =	vle.s32 v47, v11;
	v33 =	vshrl.u32 v44, $0xF;
	[tilespmem:v25+s21+$0x0] =	vst.idx.msk vm1, v29  }
0x2e3: {  	s12 =	sadd.s32 $0x7DA, s15;
	v48 =	vadd.s32 s5, v36;
	vm9 =	vle.s32 v27, v10;
	v25 =	vand.u32 $0x7FFF, v44;
	[tilespmem:v23+s21+$0x0] =	vst.idx.msk vm4, v31  }
0x2e4: {  	vm2 =	vle.s32 v37, v10;
	v23 =	vsel vm0, $0x1, v4;
	vm8 =	vle.s32 v25, v10  }
0x2e5: {  	vm1 =	vle.s32 v18, v11;
	v25 =	vshrl.u32 v41, $0xF;
	v31 =	vsel vm8, $0x1, v4  }
0x2e6: {  	vm6 =	vle.s32 v22, v10;
	vm5 =	vle.s32 v24, v11;
	v22 =	vsel vm1, $0x1, v4  }
0x2e7: {  	vm3 =	vle.s32 v34, v10;
	vm10 =	vle.s32 v28, v10;
	v27 =	vand.u32 $0x7FFF, v42  }
0x2e8: {  	v24 =	vsel vm3, $0x1, v4;
	vm12 =	vle.s32 v33, v11;
	v29 =	vshll.u32 v33, $0x11  }
0x2e9: {  	v28 =	vsel vm6, $0x1, v4;
	v42 =	vshrl.u32 v42, $0xF;
	v33 =	vsel vm12, $0x1, v4  }
0x2ea: {  	v41 =	vshll.u32 v41, $0x11;
	v49 =	vadd.s32 v23, v32;
	vm11 =	vle.s32 v25, v11  }
0x2eb: {  	v37 =	vshll.u32 v44, $0x11;
	v44 =	vsel vm5, $0x1, v4;
	v32 =	vadd.s32 v30, v49  }
0x2ec: {  	vm7 =	vle.s32 v46, v11;
	vm13 =	vle.s32 v27, v10;
	vm4 =	vle.s32 v42, v11  }
0x2ed: {  	v50 =	vsel vm7, $0x1, v4;
	v27 =	vsel vm4, $0x1, v4;
	v23 =	vsel vm11, $0x1, v4  }
0x2ee: {  	s5 =	sadd.s32 $0x7DB, s15;
	v25 =	vshll.u32 v25, $0x11;
	v30 =	vsel vm9, $0x1, v4;
	v34 =	vadd.s32 v33, v32  }
0x2ef: {  	v36 =	vadd.s32 s5, v25;
	v33 =	vadd.s32 v30, v19;
	v23 =	vadd.s32 v23, v34  }
0x2f0: {  	s16 =	sadd.s32 $0x7DD, s15;
	v25 =	vshll.u32 v39, $0x11;
	v38 =	vadd.s32 v35, v33;
	v30 =	vadd.s32 v27, v23  }
.Ltmp13:
0x2f1: {  	v40 =	vsel vm10, $0x1, v4;
	v35 =	vadd.s32 s16, v25;
	v27 =	vadd.s32 v44, v30;
	(pc) =	sbr.rel @p1 .LBB2_26-.Ltmp13, $4  }
0x2f2: {  	s18 =	sadd.s32 $0x7D8, s15;
	v43 =	vshll.u32 v43, $0x11;
	v39 =	vadd.s32 s5, v41;
	v25 =	vadd.s32 v50, v27  }
0x2f3: {  	v47 =	vshll.u32 v47, $0x11;
	v44 =	vadd.s32 s18, v43;
	v43 =	vsel vm13, $0x1, v4  }
0x2f4: {  	v41 =	vadd.s32 v31, v38;
	v31 =	vshll.u32 v42, $0x11;
	v42 =	vshll.u32 v46, $0x11;
	[tilespmem:v33+s21+$0x0] =	vst.idx.msk vm14, v48  }
0x2f5: {  	s11 =	sadd.s32 $0x80, s11;
	v26 =	vshll.u32 v26, $0x11;
	v31 =	vadd.s32 s1, v31;
	s1 =	sadd.s32 $0x7DE, s15;
	v33 =	vadd.s32 s18, v47;
	[tilespmem:v49+s21+$0x0] =	vst.idx.msk vm15, v45  }
0x2f6: {  	_ =	sdelay $0x4  }
0x2f7: {  	[tilespmem:v19+s21+$0x0] =	vst.idx.msk vm9, v44;
	v19 =	vadd.s32 s12, v37;
	v62 =	vadd.s32 v40, v41  }
0x2f8: {  	[tilespmem:v38+s21+$0x0] =	vst.idx.msk vm8, v19;
	v19 =	vadd.s32 s12, v29;
	v63 =	vadd.s32 v43, v62  }
0x2f9: {  	[tilespmem:v32+s21+$0x0] =	vst.idx.msk vm12, v19;
	v19 =	vadd.s32 v28, v63  }
0x2fa: {  	v24 =	vadd.s32 v24, v19;
	_ =	sdelay $0x1  }
0x2fb: {  	[tilespmem:v62+s21+$0x0] =	vst.idx.msk vm13, v20  }
0x2fc: {  	s5 =	sadd.s32 $0x7DF, s15;
	v17 =	vshll.u32 v17, $0x11;
	v20 =	vadd.s32 s16, v21;
	[tilespmem:v63+s21+$0x0] =	vst.idx.msk vm6, v35  }
0x2fd: {  	v17 =	vadd.s32 s5, v17;
	[tilespmem:v30+s21+$0x0] =	vst.idx.msk vm5, v20  }
0x2fe: {  	v20 =	vadd.s32 s1, v26;
	[tilespmem:v24+s21+$0x0] =	vst.idx.msk vm2, v17  }
0x2ff: {  	v18 =	vshll.u32 v18, $0x11;
	v17 =	vadd.s32 s1, v42;
	[tilespmem:v19+s21+$0x0] =	vst.idx.msk vm3, v20  }
0x300: {  	[tilespmem:v27+s21+$0x0] =	vst.idx.msk vm7, v17;
	v17 =	vadd.s32 s5, v18;
	v18 =	vsel vm2, $0x1, v4  }
.Ltmp14:
0x301: {  	[tilespmem:v41+s21+$0x0] =	vst.idx.msk vm10, v39;
	v18 =	vadd.s32 v18, v24;
	(pc) =	sbr.rel @p0 .LBB2_33-.Ltmp14, $4  }
0x302: {  	[tilespmem:v34+s21+$0x0] =	vst.idx.msk vm11, v36  }
0x303: {  	[tilespmem:v16+s21+$0x0] =	vst.idx.msk vm0, v33  }
0x304: {  	[tilespmem:v23+s21+$0x0] =	vst.idx.msk vm4, v31  }
0x305: {  	v16 =	vadd.s32 v22, v25;
	[tilespmem:v25+s21+$0x0] =	vst.idx.msk vm1, v17  }
0x306: {  	s1 =	smul.u32 $0x1F4000, s9  }
.Ltmp15:
0x307: {  	_ = 	snop;
	(pc) =	sbr.rel .LBB2_23-.Ltmp15, $4  }
0x308: {  	s1 =	sadd.s32 s14, s1  }
0x309: {  	s1 =	sshrl.u32 s1, $0x3  }
0x30a: {  	s9 =	sadd.s32 $0x1, s9;
	s6 =	sadd.s32 $0xFA0, s6;
	s1 =	sadd.s32 s3, s1  }
0x30b: {  	[tilespmem:s24], [sflag:$0x2] =	stream.strided.gather [hbm4b:s1+s22], $0x7D00, s23, s22, $0x200038;
	[tilespmem:$0x193C8] =	vst v63  }
.LBB2_33:
0x30c: {  	p0 =	sgt.s32 s7, $0x0  }
.Ltmp16:
0x30d: {  	_ = 	snop;
	(pc) =	sbr.rel @!p0 .LBB2_34-.Ltmp16, $3  }
0x30e: {  	_ = 	snop  }
0x30f: {  	v17 =	vmul.u32 $0x40, v0;
	_ =	sdelay $0x1  }
0x310: {  	s1 =	simm.s32 $0x0;
	v16 =	vimm.s32 $0x0;
	v18 =	vimm.s32 $0x0;
	s6 =	simm.s32 $0x0;
	v19 =	vmov v17  }
.LBB2_29:
0x311: {  	v20 =	vmul.u32 $0x200, v0;
	_ =	sdelay $0x1  }
0x312: {  	v21 =	vadd.s32 s6, v20;
	_ =	sdelay $0x4  }
0x313: {  	v21 =	vld.idx.msk [tilespmem:v21+s21+$0x0], $0xffff;
	_ =	sdelay $0x4  }
0x314: {  	v22 =	vmov s6;
	v23 =	vshrl.u32 v21, $0x11  }
0x315: {  	vm0 =	vlt.s32 v22, v15;
	vm1 =	veq.s32 v23, v10  }
0x316: {  	vm3 =	vlt.s32 v18, v13;
	vm2 =	vlt.s32 v23, v10;
	vm1 =	vmand vm0, vm1  }
0x317: {  	vm0 =	vmand vm0, vm2;
	vm15 =	vmand vm3, vm1  }
0x318: {  	vm0 =	vmor vm0, vm15  }
0x319: {  	s6 =	sadd.s32 $0x1, s6  }
0x31a: {  	p0 =	sne.s32 s7, s6  }
.Ltmp17:
0x31b: {  	_ = 	snop;
	(pc) =	sbr.rel @p0 .LBB2_29-.Ltmp17, $3  }
0x31c: {  	_ =	sdelay $0x1  }
0x31d: {  	v22 =	vsel vm1, $0x1, v4;
	[tilespmem:v19+s29+$0x0] =	vst.idx.msk vm0, v21;
	v21 =	vsel vm0, $0x1, v4  }
0x31e: {  	v18 =	vadd.s32 v22, v18;
	v19 =	vadd.s32 v21, v19  }
0x31f: {  	v10 =	vor.u32 $0x2000, v20  }
0x320: {  	v13 =	vadd.s32 s1, v10;
	_ =	sdelay $0x4  }
0x321: {  	v13 =	vld.idx.msk [tilespmem:v13+s21+$0x0], $0xffff;
	_ =	sdelay $0x4  }
0x322: {  	v18 =	vmov s1;
	v19 =	vshrl.u32 v13, $0x11  }
0x323: {  	p0 =	seq.s32 s7, $0x1;
	vm0 =	vlt.s32 v18, v14;
	vm1 =	veq.s32 v19, v11  }
.Ltmp18:
0x324: {  	vm1 =	vmand vm0, vm1;
	(pc) =	sbr.rel @p0 .LBB2_32-.Ltmp18, $4  }
0x325: {  	v15 =	vor.u32 $0x400, v17;
	v17 =	vsel vm1, $0x1, v4  }
0x326: {  	vm3 =	vlt.s32 v16, v12;
	vm2 =	vlt.s32 v19, v11  }
0x327: {  	vm0 =	vmand vm0, vm2;
	vm2 =	vmand vm3, vm1  }
0x328: {  	s1 =	simm.s32 $0x1;
	vm0 =	vmor vm0, vm2;
	v16 =	vadd.s32 v17, v16;
	v17 =	vmov v15  }
.LBB2_31:
0x329: {  	v18 =	vsel vm0, $0x1, v4;
	s5 =	smov.u32 s1;
	s1 =	sadd.s32 $0x1, s1  }
0x32a: {  	v19 =	vadd.s32 s5, v10;
	p0 =	seq.s32 s7, s1;
	v17 =	vadd.s32 v18, v17;
	_ =	sdelay $0x3  }
0x32b: {  	[tilespmem:v15+s29+$0x0] =	vst.idx.msk vm0, v13;
	v15 =	vmov v17  }
0x32c: {  	v13 =	vld.idx.msk [tilespmem:v19+s21+$0x0], $0xffff;
	_ =	sdelay $0x5  }
.Ltmp19:
0x32d: {  	v18 =	vmov s5;
	v19 =	vshrl.u32 v13, $0x11;
	(pc) =	sbr.rel @!p0 .LBB2_31-.Ltmp19, $4  }
0x32e: {  	vm0 =	vlt.s32 v18, v14;
	vm1 =	veq.s32 v19, v11;
	vm2 =	vlt.s32 v19, v11  }
0x32f: {  	vm3 =	vlt.s32 v16, v12;
	vm1 =	vmand vm0, vm1  }
0x330: {  	vm0 =	vmand vm0, vm2;
	vm2 =	vmand vm3, vm1;
	v18 =	vsel vm1, $0x1, v4  }
0x331: {  	vm0 =	vmor vm0, vm2;
	v16 =	vadd.s32 v18, v16  }
.LBB2_32:
0x332: {  	_ =	sdelay $0x4  }
0x333: {  	[tilespmem:v15+s29+$0x0] =	vst.idx.msk vm0, v13  }
.LBB2_34:
0x334: {  	_ =	strace $0x9000004D  }
0x335: {  	s1 =	simm.s32 $0x0;
	_ =	strace $0x8000004E  }
0x336: {  	v10 =	vld [tilespmem:s1+$0x12D00]  }
0x337: {  	s6 =	simm.s32 $0x0;
	s7 =	simm.s32 $0x40  }
.LBB2_35:
0x338: {  	p0 =	sne.s32 s7, $0x1FC0  }
.Ltmp20:
0x339: {  	_ = 	snop;
	(pc) =	sbr.rel @p0 .LBB2_35-.Ltmp20, $4  }
0x33a: {  	_ = 	snop  }
0x33b: {  	s5 =	sshra.s32 s7, $0x2;
	s7 =	sadd.s32 $0x40, s7;
	v11 =	vand.u32 $0x1FFFF, v10;
	v12 =	vshrl.u32 v10, $0x11  }
0x33c: {  	v10 =	vld [tilespmem:s5+$0x12D00];
	[tilespmem:s1+$0x17D00] =	vst v12  }
0x33d: {  	[tilespmem:s1+$0x17500] =	vst v11;
	s1 =	smov.u32 s5  }
0x33e: {  	_ =	sdelay $0x2  }
0x33f: {  	v11 =	vshrl.u32 v10, $0x11  }
0x340: {  	v10 =	vand.u32 $0x1FFFF, v10;
	[tilespmem:s1+$0x17D00] =	vst v11  }
0x341: {  	s7 =	simm.s32 $0x0;
	[tilespmem:s1+$0x17500] =	vst v10  }
.LBB2_37:
0x342: {  	s18 =	sadd.s32 $0xFFFFFFFB, s6  }
0x343: {  	s1 =	sshll.u32 s7, $0x6;
	s5 =	sadd.s32 $0x6, s18  }
0x344: {  	s1 =	sadd.s32 $0x17500, s1;
	s9 =	sadd.s32 $0x7, s18;
	s10 =	sadd.s32 $0x8, s18;
	v10 =	vmov s5  }
0x345: {  	[tilespmem:s31], [sflag:$0x3] =	stream.indirect.gather [hbm4b:s4+s30], $0x10, s1, s30, $0x2000b8;
	v11 =	vmov s9;
	[tilespmem:$0x193C8] =	vst v63  }
0x346: {  	v12 =	vmov s10;
	_ =	swait.ge [sflag:s0], $0x320  }
0x347: {  	[sflag:s0] =	ssyncset.done $0x0  }
0x348: {  	[sflag:s0] =	ssyncadd.s32 $0xFFFFFCE0  }
0x349: {  	v10 =	vld.idx.msk [tilespmem:v10+s2+$0x0], $0xffff  }
0x34a: {  	s11 =	sadd.s32 $0x5, s18;
	v11 =	vld.idx.msk [tilespmem:v11+s2+$0x0], $0xffff  }
0x34b: {  	v13 =	vmov s11;
	v12 =	vld.idx.msk [tilespmem:v12+s2+$0x0], $0xffff  }
0x34c: {  	s12 =	simm.s32 $0x18520;
	s1 =	sadd.s32 $0x9, s18  }
0x34d: {  	v14 =	vmov s1;
	v30 =	vld [tilespmem:s12+$0x20]  }
0x34e: {  	v28 =	vld [tilespmem:s12+$0x0];
	v10 =	vbroadcast v10, $0x0  }
0x34f: {  	v35 =	vld [tilespmem:s12+$0xFFFFFFE0];
	v11 =	vbroadcast v11, $0x0  }
0x350: {  	s15 =	sadd.s32 $0x0, s6;
	v13 =	vld.idx.msk [tilespmem:v13+s2+$0x0], $0xffff;
	v12 =	vbroadcast v12, $0x0  }
0x351: {  	s16 =	sadd.s32 $0x6, s15;
	v31 =	vld [tilespmem:s12+$0xFFFFFFF0]  }
0x352: {  	s10 =	sadd.s32 $0x7, s15;
	v15 =	vmov s16;
	v14 =	vld.idx.msk [tilespmem:v14+s2+$0x0], $0xffff  }
0x353: {  	s18 =	sadd.s32 $0x5, s15;
	v16 =	vmov s10;
	v29 =	vld [tilespmem:s12+$0x10]  }
0x354: {  	s9 =	sadd.s32 $0x8, s15;
	v17 =	vmov s18;
	v36 =	vld.idx.msk [tilespmem:v10+s17+$0x0], $0xffff  }
0x355: {  	(xrf2) =	vadd.scan.msk.f32 $0xffff, v28;
	v10 =	vbroadcast v13, $0x0;
	v13 =	vmov s9;
	v34 =	vld.idx.msk [tilespmem:v11+s17+$0x0], $0xffff  }
0x356: {  	s10 =	sadd.s32 $0x9, s15;
	(xrf2) =	vadd.scan.msk.f32 $0xffff, v35;
	v21 =	vld.idx.msk [tilespmem:v12+s17+$0x0], $0xffff  }
0x357: {  	v11 =	vbroadcast v14, $0x0;
	v12 =	vmov s10;
	v14 =	vld.idx.msk [tilespmem:v15+s2+$0x0], $0xffff  }
0x358: {  	(xrf2) =	vadd.scan.msk.f32 $0xffff, v31;
	v15 =	vld.idx.msk [tilespmem:v16+s2+$0x0], $0xffff  }
0x359: {  	v16 =	vld.idx.msk [tilespmem:v17+s2+$0x0], $0xffff  }
0x35a: {  	s11 =	sadd.s32 $0x5, s6;
	v17 =	vld.idx.msk [tilespmem:v13+s2+$0x0], $0xffff  }
0x35b: {  	s5 =	sadd.s32 $0x9, s11;
	(xrf2) =	vadd.scan.msk.f32 $0xffff, v29;
	v37 =	vld.idx.msk [tilespmem:v10+s17+$0x0], $0xffff  }
0x35c: {  	v27 =	vmov s5;
	v10 =	vld.idx.msk [tilespmem:v12+s2+$0x0], $0xffff;
	v12 =	vbroadcast v14, $0x0  }
0x35d: {  	s1 =	simm.s32 $0x18570;
	v33 =	vld.idx.msk [tilespmem:v11+s17+$0x0], $0xffff;
	v14 =	vbroadcast v15, $0x0  }
0x35e: {  	v23 =	vld [tilespmem:s1+$0xFFFFFFE0];
	(xrf2) =	vadd.scan.msk.f32 $0xffff, v30;
	(v2sf) =	vpush v36, $0x0  }
0x35f: {  	v20 =	vld [tilespmem:s1+$0xFFFFFFF0];
	v18, _, _ =	vpop (xrf2);
	(v2sf) =	vpush v34, $0x0;
	v17 =	vbroadcast v17, $0x0  }
0x360: {  	s12 =	sadd.s32 $0x6, s11;
	v13 =	vld [tilespmem:s1+$0x0];
	v15, _, _ =	vpop (xrf2);
	(v2sf) =	vpush v37, $0x0  }
0x361: {  	s15 =	sadd.s32 $0x5, s11;
	v22 =	vmov s12;
	v32 =	vld.idx.msk [tilespmem:v27+s2+$0x0], $0xffff;
	(v2sf) =	vpush v15, $0xF  }
0x362: {  	s16 =	sadd.s32 $0x7, s11;
	v25 =	vmov s15;
	v24 =	vld.idx.msk [tilespmem:v12+s17+$0x0], $0xffff;
	v12, _, _ =	vpop (xrf2);
	(v2sf) =	vpush v33, $0x0  }
0x363: {  	v26 =	vmov s16;
	v19 =	vld.idx.msk [tilespmem:v14+s17+$0x0], $0xffff;
	(v2sf) =	vpush v12, $0xF  }
0x364: {  	v15 =	vld [tilespmem:s1+$0x10];
	v14 =	vbroadcast v16, $0x0;
	(v2sf) =	vpush v21, $0x0  }
0x365: {  	s18 =	sadd.s32 $0x8, s11;
	(xrf2) =	vadd.scan.msk.f32 $0xffff, v13;
	v16 =	vld.idx.msk [tilespmem:v17+s17+$0x0], $0xffff;
	(v2sf) =	vpush v18, $0xF;
	v17, _, _ =	vpop (xrf2)  }
0x366: {  	v12 =	vmov s18;
	v18 =	vld.idx.msk [tilespmem:v22+s2+$0x0], $0xffff;
	(xrf2) =	vadd.scan.msk.f32 $0xffff, v23;
	(v2sf) =	vpush v17, $0xF  }
0x367: {  	s10 =	sadd.s32 $0xA, s6;
	v10 =	vbroadcast v10, $0x0;
	v17 =	vld.idx.msk [tilespmem:v25+s2+$0x0], $0xffff;
	(v2sf) =	vpush v24, $0x0  }
0x368: {  	s12 =	sadd.s32 $0x6, s10;
	v25 =	vld.idx.msk [tilespmem:v26+s2+$0x0], $0xffff;
	(xrf2) =	vadd.scan.msk.f32 $0xffff, v20;
	v22, _, _ =	vpop (xrf2);
	(v2sf) =	vpush v19, $0x0  }
0x369: {  	s11 =	sadd.s32 $0x5, s10;
	v43 =	vmov s12;
	v11 =	vld [tilespmem:s1+$0x20];
	(v2sf) =	vpush v22, $0xF  }
0x36a: {  	v44 =	vmov s11;
	v27 =	vld.idx.msk [tilespmem:v14+s17+$0x0], $0xffff  }
0x36b: {  	s5 =	simm.s32 $0x185C0;
	(xrf2) =	vadd.scan.msk.f32 $0xffff, v15;
	v26 =	vld.idx.msk [tilespmem:v12+s2+$0x0], $0xffff  }
0x36c: {  	v12 =	vld [tilespmem:s5+$0x0];
	v38 =	vbroadcast v18, $0x0  }
0x36d: {  	v22 =	vld.idx.msk [tilespmem:v10+s17+$0x0], $0xffff;
	s9 =	spop (v2sf);
	v25 =	vbroadcast v25, $0x0  }
0x36e: {  	v55 =	vld.idx.msk [tilespmem:v43+s2+$0x0], $0xffff;
	(xrf2) =	vadd.scan.msk.f32 $0xffff, v11;
	s1 =	spop (v2sf)  }
0x36f: {  	v41 =	vimm.f32 $0.0e+00;
	v49 =	vld.idx.msk [tilespmem:v44+s2+$0x0], $0xffff;
	v40, _, _ =	vpop (xrf2);
	s16 =	spop (v2sf)  }
0x370: {  	v45 =	vbroadcast v32, $0x0;
	s12 =	sadd.s32 $0x8, s10;
	s18 =	sadd.s32 $0x7, s10;
	v18 =	vld [tilespmem:s5+$0xFFFFFFE0];
	(v2sf) =	vpush v27, $0x0;
	v39 =	vbroadcast v26, $0x0;
	v26, _, _ =	vpop (xrf2);
	s15 =	spop (v2sf)  }
0x371: {  	v48 =	vmov s18;
	s18 =	simm.f32 $0.0e+00;
	v42 =	vbroadcast v17, $0x0;
	v17 =	vld [tilespmem:s5+$0xFFFFFFF0];
	(v2sf) =	vpush v26, $0xF;
	s11 =	smul.f32 $6.250000000e-02, s15;
	s15 =	spop (v2sf)  }
0x372: {  	v46 =	vmov s12;
	v32 =	vbroadcast v21, $0x0;
	s10 =	sadd.s32 $0x9, s10;
	(xrf2) =	vadd.scan.msk.f32 $0xffff, v12;
	v26 =	vld.idx.msk [tilespmem:v38+s17+$0x0], $0xffff;
	v53, _, _ =	vpop (xrf2);
	s16 =	sadd.f32 s16, s18;
	(v2sf) =	vpush v22, $0x0;
	s12 =	spop (v2sf)  }
0x373: {  	v47 =	vmov s10;
	v25 =	vld.idx.msk [tilespmem:v25+s17+$0x0], $0xffff;
	(v2sf) =	vpush v53, $0xF;
	v54 =	vmov s11;
	s10 =	smul.f32 $6.250000000e-02, s12;
	s12 =	spop (v2sf)  }
0x374: {  	v37 =	vbroadcast v37, $0x0;
	v14 =	vld [tilespmem:s5+$0x10];
	s16 =	sadd.f32 s9, s16;
	(v2sf) =	vpush v16, $0x0;
	v35 =	vsub.f32 v35, v54;
	s18 =	spop (v2sf)  }
0x375: {  	v36 =	vbroadcast v36, $0x0;
	v10 =	vld [tilespmem:s5+$0x20];
	v56, _, _ =	vpop (xrf2);
	(xrf2) =	vadd.scan.msk.f32 $0xffff, v18;
	(v2sf) =	vpush v40, $0xF;
	v57 =	vmov s10;
	s11 =	smul.f32 $6.250000000e-02, s18;
	s18 =	spop (v2sf)  }
0x376: {  	v58 =	vld.idx.msk [tilespmem:v48+s2+$0x0], $0xffff;
	(v2sf) =	vpush v56, $0xF;
	s10 =	spop (v2sf);
	v35 =	vmul.f32 v35, v37;
	v31 =	vsub.f32 v31, v57  }
0x377: {  	v60 =	vbroadcast v34, $0x0;
	v38 =	vld.idx.msk [tilespmem:v46+s2+$0x0], $0xffff;
	s1 =	sadd.f32 s1, s16;
	(v2sf) =	vpush v26, $0x0;
	s9 =	spop (v2sf);
	v59 =	vmov s11  }
0x378: {  	v61, _, _ =	vpop (xrf2);
	(xrf2) =	vadd.scan.msk.f32 $0xffff, v17;
	v21 =	vld.idx.msk [tilespmem:v39+s17+$0x0], $0xffff;
	s11 =	smul.f32 $6.250000000e-02, s18;
	(v2sf) =	vpush v25, $0x0;
	v35 =	vadd.f32 v35, v41;
	v36 =	vmul.f32 v31, v36;
	s16 =	spop (v2sf)  }
0x379: {  	v34 =	vbroadcast v55, $0x0;
	v40 =	vld.idx.msk [tilespmem:v47+s2+$0x0], $0xffff;
	(v2sf) =	vpush v61, $0xF;
	v28 =	vsub.f32 v28, v59;
	s18 =	smul.f32 $6.250000000e-02, s16  }
0x37a: {  	s1 =	sadd.f32 s12, s1;
	v31 =	vld.idx.msk [tilespmem:v42+s17+$0x0], $0xffff;
	v41 =	vbroadcast v33, $0x0;
	v62 =	vmov s11;
	v43 =	vadd.f32 v36, v35  }
0x37b: {  	s11 =	simm.s32 $0x18610;
	v44 =	vsub.f32 v29, v62;
	v29 =	vld.idx.msk [tilespmem:v45+s17+$0x0], $0xffff;
	v46 =	vmul.f32 v28, v60;
	v63 =	vmov s18  }
0x37c: {  	(xrf2) =	vadd.scan.msk.f32 $0xffff, v14;
	s12 =	simm.s32 $0xF;
	s1 =	sadd.f32 s15, s1;
	v42 =	vbroadcast v58, $0x0;
	v39, _, _ =	vpop (xrf2);
	v36 =	vbroadcast v49, $0x0;
	v28 =	vld [tilespmem:s11+$0x20];
	v45 =	vsub.f32 v30, v63  }
.LBB2_38:
0x37d: {  	s5 =	sadd.s32 s12, s6;
	s12 =	sadd.s32 $0x5, s12;
	v30 =	vld [tilespmem:s11+$0x0];
	v33 =	vbroadcast v38, $0x0;
	v35 =	vadd.f32 v46, v43;
	v32 =	vmul.f32 v44, v32;
	v37 =	vmovc v26;
	v43 =	vmovc v19  }
0x37e: {  	v44 =	vbroadcast v40, $0x0;
	v19 =	vmovc v25;
	s15 =	sadd.s32 $0x5, s5;
	s16 =	sadd.s32 $0x6, s5;
	s18 =	sadd.s32 $0x7, s5;
	v38 =	vld [tilespmem:s11+$0xFFFFFFE0];
	(xrf2) =	vadd.scan.msk.f32 $0xffff, v10;
	v40 =	vmul.f32 v45, v41;
	v41 =	vmov v27  }
0x37f: {  	v45 =	vmov s15;
	v46 =	vmov s16;
	s15 =	sadd.s32 $0x8, s5;
	s5 =	sadd.s32 $0x9, s5;
	v47 =	vld [tilespmem:s11+$0xFFFFFFF0];
	v25, _, _ =	vpop (xrf2);
	s16 =	spop (v2sf);
	v32 =	vadd.f32 v32, v35  }
0x380: {  	v50 =	vmovc v22;
	p0 =	slt.u32 s12, $0x2D;
	v27 =	vmovc v31;
	v35 =	vmov s15;
	v48 =	vmov s5;
	v49 =	vld [tilespmem:s11+$0x10];
	(v2sf) =	vpush v31, $0x0;
	s5 =	sadd.f32 s16, s1;
	s1 =	spop (v2sf)  }
0x381: {  	v51 =	vmovc v11;
	v22 =	vmovc v29;
	v31 =	vmov s18;
	v26 =	vld.idx.msk [tilespmem:v34+s17+$0x0], $0xffff;
	(v2sf) =	vpush v25, $0xF;
	s15 =	smul.f32 $6.250000000e-02, s1;
	s1 =	spop (v2sf);
	v34 =	vadd.f32 v40, v32  }
0x382: {  	v11 =	vmov v10;
	v10 =	vmov v28;
	v25 =	vld.idx.msk [tilespmem:v42+s17+$0x0], $0xffff;
	(xrf2) =	vadd.scan.msk.f32 $0xffff, v30;
	v29, _, _ =	vpop (xrf2);
	(v2sf) =	vpush v22, $0x0;
	s5 =	sadd.f32 s10, s5;
	s10 =	spop (v2sf)  }
0x383: {  	v32 =	vbroadcast v16, $0x0;
	v16 =	vmovc v21;
	(v2sf) =	vpush v29, $0xF;
	v28 =	vmov s15;
	s10 =	smul.f32 $6.250000000e-02, s10;
	s15 =	spop (v2sf);
	v21 =	vld.idx.msk [tilespmem:v33+s17+$0x0], $0xffff  }
0x384: {  	s5 =	sadd.f32 s9, s5;
	s9 =	spop (v2sf)  }
0x385: {  	v29 =	vbroadcast v41, $0x0;
	v33 =	vld.idx.msk [tilespmem:v46+s2+$0x0], $0xffff;
	(v2sf) =	vpush v16, $0x0;
	v28 =	vsub.f32 v23, v28;
	v23 =	vmovc v18;
	v18 =	vmovc v38;
	s16 =	smul.f32 $6.250000000e-02, s9  }
0x386: {  	v41 =	vbroadcast v24, $0x0;
	v42 =	vld.idx.msk [tilespmem:v45+s2+$0x0], $0xffff;
	(xrf2) =	vadd.scan.msk.f32 $0xffff, v18;
	(v2sf) =	vpush v39, $0xF;
	v38, _, _ =	vpop (xrf2);
	v39 =	vmov s10;
	s18 =	spop (v2sf);
	s5 =	sadd.f32 s15, s5  }
0x387: {  	v45 =	vld.idx.msk [tilespmem:v31+s2+$0x0], $0xffff;
	s10 =	spop (v2sf);
	(v2sf) =	vpush v38, $0xF;
	v28 =	vmul.f32 v28, v29;
	v29 =	vsub.f32 v20, v39;
	v20 =	vmovc v17;
	s15 =	smul.f32 $6.250000000e-02, s18  }
0x388: {  	v24 =	vmovc v37;
	v39 =	vbroadcast v43, $0x0;
	v17 =	vmovc v47;
	v38 =	vld.idx.msk [tilespmem:v35+s2+$0x0], $0xffff;
	(v2sf) =	vpush v26, $0x0;
	s9 =	spop (v2sf);
	v35 =	vmov s16;
	s1 =	sadd.f32 s1, s5  }
.Ltmp21:
0x389: {  	v40 =	vld.idx.msk [tilespmem:v48+s2+$0x0], $0xffff;
	(xrf2) =	vadd.scan.msk.f32 $0xffff, v17;
	(v2sf) =	vpush v25, $0x0;
	v37, _, _ =	vpop (xrf2);
	v28 =	vadd.f32 v28, v34;
	v34 =	vmul.f32 v29, v41;
	s5 =	spop (v2sf);
	(pc) =	sbr.rel @p0 .LBB2_38-.Ltmp21, $4  }
0x38a: {  	v35 =	vsub.f32 v13, v35;
	v13 =	vmovc v12;
	v12 =	vmovc v30;
	v31 =	vld.idx.msk [tilespmem:v36+s17+$0x0], $0xffff;
	(v2sf) =	vpush v37, $0xF;
	v36 =	vmov s15;
	s5 =	smul.f32 $6.250000000e-02, s5  }
0x38b: {  	v41 =	vbroadcast v50, $0x0;
	v29 =	vld.idx.msk [tilespmem:v44+s17+$0x0], $0xffff;
	v43 =	vadd.f32 v34, v28;
	v44 =	vsub.f32 v15, v36;
	v15 =	vmovc v14  }
0x38c: {  	s11 =	sadd.s32 $0x50, s11;
	v34 =	vbroadcast v33, $0x0;
	v46 =	vmul.f32 v35, v39;
	v14 =	vmovc v49;
	(xrf2) =	vadd.scan.msk.f32 $0xffff, v49;
	v30 =	vmov s5  }
0x38d: {  	v36 =	vbroadcast v42, $0x0;
	v42 =	vbroadcast v45, $0x0;
	v28 =	vld [tilespmem:s11+$0x20];
	v39, _, _ =	vpop (xrf2);
	v45 =	vsub.f32 v51, v30  }
0x38e: {  	v30 =	vld [tilespmem:s11+$0x0]  }
0x38f: {  	v35 =	vld [tilespmem:s11+$0xFFFFFFE0]  }
0x390: {  	(xrf2) =	vadd.scan.msk.f32 $0xffff, v10  }
0x391: {  	v33 =	vld [tilespmem:s11+$0xFFFFFFF0];
	(v2sf) =	vpush v31, $0x0;
	v37, _, _ =	vpop (xrf2)  }
0x392: {  	(v2sf) =	vpush v37, $0xF  }
0x393: {  	v37 =	vld.idx.msk [tilespmem:v34+s17+$0x0], $0xffff;
	(v2sf) =	vpush v29, $0x0;
	v49, _, _ =	vpop (xrf2);
	(xrf2) =	vadd.scan.msk.f32 $0xffff, v30  }
0x394: {  	s5 =	spop (v2sf);
	v34 =	vld.idx.msk [tilespmem:v42+s17+$0x0], $0xffff;
	(v2sf) =	vpush v49, $0xF;
	(xrf2) =	vadd.scan.msk.f32 $0xffff, v35  }
0x395: {  	v50 =	vbroadcast v40, $0x0;
	s12 =	spop (v2sf);
	(v2sf) =	vpush v21, $0x0  }
0x396: {  	v52 =	vmul.f32 v44, v32;
	v32 =	vld [tilespmem:s11+$0x10];
	s1 =	sadd.f32 s5, s1;
	s11 =	spop (v2sf);
	(v2sf) =	vpush v39, $0xF;
	v53, _, _ =	vpop (xrf2);
	(xrf2) =	vadd.scan.msk.f32 $0xffff, v33  }
0x397: {  	v38 =	vbroadcast v38, $0x0;
	v36 =	vld.idx.msk [tilespmem:v36+s17+$0x0], $0xffff;
	s16 =	smul.f32 $6.250000000e-02, s12;
	s18 =	spop (v2sf);
	(v2sf) =	vpush v53, $0xF  }
0x398: {  	v51 =	vadd.f32 v46, v43;
	s15 =	smul.f32 $6.250000000e-02, s18;
	(v2sf) =	vpush v37, $0x0  }
0x399: {  	s1 =	sadd.f32 s10, s1;
	v54 =	vmov s16;
	s16 =	spop (v2sf);
	(v2sf) =	vpush v34, $0x0  }
0x39a: {  	v40 =	vadd.f32 v52, v51;
	v55 =	vmov s15;
	v56, _, _ =	vpop (xrf2)  }
0x39b: {  	v27 =	vbroadcast v27, $0x0;
	s1 =	sadd.f32 s9, s1;
	s18 =	spop (v2sf);
	v57 =	vsub.f32 v20, v55;
	v20 =	vld.idx.msk [tilespmem:v50+s17+$0x0], $0xffff;
	(xrf2) =	vadd.scan.msk.f32 $0xffff, v32;
	(v2sf) =	vpush v56, $0xF  }
0x39c: {  	v41 =	vmul.f32 v45, v41;
	v23 =	vsub.f32 v23, v54;
	s15 =	spop (v2sf);
	(v2sf) =	vpush v36, $0x0  }
0x39d: {  	v38 =	vld.idx.msk [tilespmem:v38+s17+$0x0], $0xffff;
	s1 =	sadd.f32 s16, s1;
	s12 =	spop (v2sf);
	v59, _, _ =	vpop (xrf2);
	(xrf2) =	vadd.scan.msk.f32 $0xffff, v28  }
0x39e: {  	v40 =	vadd.f32 v41, v40;
	s9 =	smul.f32 $6.250000000e-02, s18;
	v23 =	vmul.f32 v23, v27;
	s10 =	spop (v2sf);
	v60, _, _ =	vpop (xrf2)  }
0x39f: {  	v24 =	vbroadcast v24, $0x0;
	v19 =	vbroadcast v19, $0x0;
	s1 =	sadd.f32 s11, s1;
	s18 =	spop (v2sf);
	(v2sf) =	vpush v60, $0xF  }
0x3a0: {  	s16 =	smul.f32 $6.250000000e-02, s15;
	v58 =	vmov s9;
	v23 =	vadd.f32 v23, v40;
	s11 =	spop (v2sf);
	v62, _, _ =	vpop (xrf2);
	(v2sf) =	vpush v20, $0x0  }
0x3a1: {  	v24 =	vmul.f32 v57, v24;
	v13 =	vsub.f32 v13, v58;
	s1 =	sadd.f32 s11, s1;
	s15 =	spop (v2sf);
	(v2sf) =	vpush v62, $0xF  }
0x3a2: {  	v16 =	vbroadcast v16, $0x0;
	v61 =	vmov s16;
	s9 =	smul.f32 $6.250000000e-02, s18;
	s5 =	spop (v2sf);
	(v2sf) =	vpush v38, $0x0  }
0x3a3: {  	v23 =	vadd.f32 v24, v23;
	v15 =	vsub.f32 v15, v61;
	v13 =	vmul.f32 v13, v19;
	s1 =	sadd.f32 s12, s1;
	s18 =	spop (v2sf)  }
0x3a4: {  	v22 =	vbroadcast v22, $0x0;
	v63 =	vmov s9;
	s16 =	smul.f32 $6.250000000e-02, s15;
	s12 =	spop (v2sf);
	(v2sf) =	vpush v59, $0xF  }
0x3a5: {  	v15 =	vmul.f32 v15, v16;
	v11 =	vsub.f32 v11, v63;
	v13 =	vadd.f32 v13, v23;
	v24, _, _ =	vpop (xrf2);
	s1 =	sadd.f32 s10, s1;
	s15 =	spop (v2sf)  }
0x3a6: {  	v27 =	vbroadcast v31, $0x0;
	s11 =	smul.f32 $6.250000000e-02, s18;
	s18 =	spop (v2sf);
	(v2sf) =	vpush v24, $0xF  }
0x3a7: {  	p0 =	slt.u32 s7, $0x10;
	v11 =	vmul.f32 v11, v22;
	v13 =	vadd.f32 v15, v13;
	v23 =	vmov s16;
	s16 =	smul.f32 $6.250000000e-02, s15;
	s15 =	spop (v2sf);
	v31, _, _ =	vpop (xrf2)  }
0x3a8: {  	v15 =	vsub.f32 v18, v23;
	s1 =	sadd.f32 s12, s1;
	s12 =	sadd.s32 $0x1F0, s7;
	s9 =	spop (v2sf);
	(v2sf) =	vpush v31, $0xF  }
0x3a9: {  	v40 =	vbroadcast v26, $0x0;
	v11 =	vadd.f32 v11, v13;
	v39 =	vmov s11;
	s12 =	smov.u32 @p0 s7  }
0x3aa: {  	v15 =	vmul.f32 v15, v27;
	v16 =	vsub.f32 v17, v39;
	s1 =	sadd.f32 s5, s1;
	v41 =	vmov s16;
	s16 =	sadd.s32 s8, s12;
	s5 =	spop (v2sf)  }
0x3ab: {  	v42 =	vbroadcast v25, $0x0;
	s11 =	smul.f32 $6.250000000e-02, s18;
	v43 =	vmov s16;
	s18 =	spop (v2sf)  }
0x3ac: {  	v11 =	vadd.f32 v15, v11;
	v13 =	vmul.f32 v16, v40;
	v12 =	vsub.f32 v12, v41;
	s1 =	sadd.f32 s18, s1  }
0x3ad: {  	v44 =	vbroadcast v21, $0x0;
	v45 =	vmov s11;
	s5 =	smul.f32 $6.250000000e-02, s5  }
0x3ae: {  	v46 =	vsub.f32 v14, v45;
	v11 =	vadd.f32 v13, v11;
	v12 =	vmul.f32 v12, v42;
	s1 =	sadd.f32 s15, s1;
	s11 =	spop (v2sf)  }
0x3af: {  	v47 =	vbroadcast v29, $0x0;
	v48 =	vmov s5;
	s5 =	smul.f32 $6.250000000e-02, s11;
	s10 =	spop (v2sf)  }
0x3b0: {  	v49 =	vmul.f32 v46, v44;
	v10 =	vsub.f32 v10, v48;
	v11 =	vadd.f32 v12, v11;
	v50 =	vld.idx.msk [tilespmem:v43+s20+$0x0], $0xffff;
	s1 =	sadd.f32 s9, s1;
	s12 =	spop (v2sf)  }
0x3b1: {  	v52 =	vbroadcast v36, $0x0;
	v51 =	vmov s5;
	s16 =	spop (v2sf)  }
0x3b2: {  	v10 =	vmul.f32 v10, v47;
	v11 =	vadd.f32 v49, v11;
	s15 =	smul.f32 $6.250000000e-02, s12;
	v12 =	vsub.f32 v35, v51;
	s1 =	sadd.f32 s16, s1  }
0x3b3: {  	v55 =	vbroadcast v34, $0x0;
	s18 =	spop (v2sf)  }
0x3b4: {  	v10 =	vadd.f32 v10, v11;
	v11 =	vmov s15;
	s11 =	smul.f32 $6.250000000e-02, s18;
	v12 =	vmul.f32 v12, v52;
	s1 =	sadd.f32 s10, s1  }
0x3b5: {  	v53 =	vbroadcast v37, $0x0;
	v11 =	vsub.f32 v33, v11;
	s12 =	spop (v2sf);
	(v2sf) =	vpush v50, $0x0  }
0x3b6: {  	v54 =	vmov s11;
	s5 =	smul.f32 $6.250000000e-02, s12;
	v10 =	vadd.f32 v12, v10;
	v56 =	vmov s1  }
0x3b7: {  	v11 =	vmul.f32 v11, v53;
	s15 =	spop (v2sf);
	v14 =	vsub.f32 v30, v54;
	(erf) = vrcp.f32 v56  }
0x3b8: {  	v57 =	vbroadcast v38, $0x0;
	v58 =	vmov s5;
	s1 =	smul.f32 $6.250000000e-02, s15  }
0x3b9: {  	v10 =	vadd.f32 v11, v10;
	v11 =	vsub.f32 v32, v58;
	v13 =	vmul.f32 v14, v55  }
0x3ba: {  	v59 =	vbroadcast v20, $0x0;
	v60 =	vmov s1  }
0x3bb: {  	v16 =	vsub.f32 v28, v60;
	v10 =	vadd.f32 v13, v10;
	v11 =	vmul.f32 v11, v57  }
0x3bc: {  	v61 =	vld.idx.msk [tilespmem:v43+s19+$0x0], $0xffff  }
0x3bd: {  	v62 =	vmul.f32 v16, v59;
	v10 =	vadd.f32 v11, v10;
	_ =	sdelay $0x1  }
0x3be: {  	v10 =	vadd.f32 v62, v10  }
0x3bf: {  	s16 =	sadd.s32 $0xFFFFFFF0, s7;
	v11 =	vpop (erf)  }
0x3c0: {  	s1 =	smin.u32 s7, s16;
	v10 =	vmul.f32 v11, v10;
	v11 =	vbroadcast v61, $0x0  }
0x3c1: {  	s1 =	sshll.u32 s1, $0x4  }
0x3c2: {  	v63 =	vld [tilespmem:$0x191B8];
	s7 =	sadd.s32 $0x1, s7;
	v10 =	vadd.f32 v11, v10;
	v11 =	vor.u32 s1, v0;
	s1 =	simm.s32 $0x191C8  }
0x3c3: {  	s1 =	simm.s32 @!p0 $0x192C8;
	p0 =	sne.s32 s7, $0x20  }
.Ltmp22:
0x3c4: {  	s18 =	spop (v2sf);
	(pc) =	sbr.rel @p0 .LBB2_37-.Ltmp22, $4  }
0x3c5: {  	v10 =	vmax.f32 v10, $0.0e+00;
	p1 =	sgt.f32 s18, $5.000000000e-01  }
0x3c6: {  	v10 =	vmin.f32 v10, $5.000000000e+00  }
0x3c7: {  	v10 =	vpsel p1, v63, v10  }
0x3c8: {  	s6 =	sadd.s32 $0x40, s6;
	[tilespmem:v11+s1+$0x0] =	vst.idx.msk $0xffff, v10  }
0x3c9: {  	s7 =	simm.s32 $0x0  }
0x3ca: {  	s1 =	rddreg [dreg:$0x9];
	s5 =	simm.s32 $0x191C8;
	s6 =	simm.s32 $0x4  }
0x3cb: {  	[hbm4b:s1+s7] =	stream.linear.scatter [tilespmem:s5], [sflag:$0x4], $0x100, $0x200038;
	[tilespmem:$0x193C8] =	vst v63  }
0x3cc: {  	_ =	swait.ge [sflag:s6], $0x100  }
0x3cd: {  	[sflag:s6] =	ssyncset.done $0x0  }
0x3ce: {  	s16 =	simm.s32 $0x192C8;
	s15 =	rddreg [dreg:$0xa];
	[sflag:s6] =	ssyncadd.s32 $0xFFFFFF00  }
0x3cf: {  	[hbm4b:s15+s7] =	stream.linear.scatter [tilespmem:s16], [sflag:$0x4], $0x100, $0x200038;
	[tilespmem:$0x193C8] =	vst v63  }
0x3d0: {  	_ =	swait.ge [sflag:s6], $0x100  }
0x3d1: {  	s9 =	rddreg [dreg:$0xc]  }
0x3d2: {  	s18 =	rddreg [dreg:$0xb];
	s9 =	sadd.s32 $0x1, s9  }
0x3d3: {  	p0 =	sne.s32 s9, s18  }
.Ltmp23:
0x3d4: {  	[sflag:s6] =	ssyncset.done $0x0;
	(pc) =	sbr.rel @p0 .LBB2_1-.Ltmp23, $4  }
0x3d5: {  	[sflag:s6] =	ssyncadd.s32 $0xFFFFFF00  }
0x3d6: {  	_ =	strace $0x9000004E  }
0x3d7: {  	s12 =	rddreg [dreg:$0x7]  }
0x3d8: {  	s5 =	rddreg [dreg:$0x8]  }
0x3d9: {  	_ =	sfence.sel $0x180000  }
0x3da: {  	[bflag:$0x0] =	sbarrier.arrive $0xFFFF  }
0x3db: {  	_ =	strace $0x9000004A  }
0x3dc: {  	s0 =	stileid.u32;
	[bflag:$0x2] =	sbarrier.arrive $0xFFFF  }
0x3dd: {  	p0 =	sne.s32 s0, $0x0;
	s0 =	rddreg [dreg:$0x2]  }
0x3de: {  	s0 =	sadd.s32 @!p0 $0x100000, s0  }
0x3df: {  	[sflag:s0] =	ssyncadd.tile.s32 @!p0 $0x1;
	_ =	shalt  }
.Lfunc_end2:
_tile_overlayer_lowered:
.L_overlay_start_2:
0x3e0: {  	(tag) =	ssettag $0x2  }
0x3e1: {  	s0 =	rddreg [dreg:$0x0];
	s2 =	stileid.u32  }
0x3e2: {  	s1 =	rddreg [dreg:$0x1];
	p0 =	sne.s32 s2, $0x0  }
0x3e3: {  	s3 =	rddreg [dreg:$0x2];
	[bflag:$0x3] =	sbarrier.arrive $0xFFFF;
	s2 =	simm.s32 @!p0 $0x1C04  }
0x3e4: {  	[timem:s3], [sflag:s2] =	dma.local @!p0 [hbm:s0], s1  }
0x3e5: {  	s0 =	simm.s32 @!p0 $0x4  }
0x3e6: {  	_ =	swait.ge @!p0 [sflag:s0], s1  }
0x3e7: {  	s1 =	ssub.s32 @!p0 $0x0, s1;
	[sflag:s0] =	ssyncset.done @!p0 $0x0  }
0x3e8: {  	[sflag:s0] =	ssyncadd.s32 @!p0 s1  }
0x3e9: {  	[bflag:$0x3] =	sbarrier.arrive $0xFFFF  }
0x3ea: {  	_ =	shalt  }

// kernel: sparse-core-data-format-call.cloned.1.call-start
scs
called_computation_lowered:
.L_overlay_start_0:
0x0: {  	s1 =	sld [smem:$0x3FD9]  }
0x1: {  	s2 =	sld [smem:$0x3FFE];
	_ =	sdelay $0x1  }
0x2: {  	s3 =	srdreg.scid  }
0x3: {  	s0 =	sand.u32 $0x1, s3  }
0x4: {  	s17 =	sshll.u32 s0, $0xA;
	s1 =	sadd.s32 s2, s1  }
0x5: {  	s1 =	sadd.s32 s1, s17  }
0x6: {  	[smem:$0x3FC5] =	sst s1  }
0x7: {  	_ = 	snop  }
0x8: {  	(tm) =	ssettm $0x1  }
0x9: {  	s18 =	sld [smem:$0x3FFB];
	_ =	sdelay $0x3  }
0xa: {  	_ =	strace s18  }
0xb: {  	s1 =	sld [smem:$0x3FFC];
	_ =	sdelay $0x3  }
0xc: {  	_ =	strace s1  }
0xd: {  	s1 =	sld [smem:$0x3FFD];
	_ =	sdelay $0x3  }
0xe: {  	_ =	strace s1  }
0xf: {  	_ =	strace $0x8FFFFFFF  }
0x10: {  	s19 =	sld [smem:$0x3FDB];
	_ =	sdelay $0x1  }
0x11: {  	s20 =	simm.s32 $_scs_section_size  }
0x12: {  	s4 =	simm.s32 $_size__tile_overlayer_lowered;
	s5 =	simm.s32 $_tile_overlayer_lowered  }
0x13: {  	s23 =	simm.s32 $0x1BFF;
	s22 =	sshll.u32 s5, $0x1;
	s1 =	sadd.s32 s20, s19  }
0x14: {  	s6 =	simm.s32 $0x0;
	s21 =	sshll.u32 s4, $0x1;
	s4 =	sadd.s32 s22, s1  }
0x15: {  	[timem:s6], [sflag:s23] =	dma.local [hbm:s4], s21  }
0x16: {  	_ =	swait.ge [sflag:s23], s21  }
0x17: {  	s2 =	ssub.s32 $0x0, s21;
	[sflag:s23] =	ssyncset.done $0x0  }
0x18: {  	[sflag:s23] =	ssyncadd.s32 s2;
	_ =	sdelay $0x1  }
0x19: {  	s24 =	simm.s32 $0x1B8B  }
0x1a: {  	_ =	swait.ge [sflag:s24], $0x1  }
0x1b: {  	[sflag:s24] =	ssyncset.done $0x0  }
0x1c: {  	s26 =	simm.s32 $0x1B8E;
	s25 =	sld [smem:$0x3FFE];
	[sflag:s24] =	ssyncadd.s32 $0xFFFFFFFF  }
0x1d: {  	s27 =	simm.s32 $execute0_lowered;
	[smem:$0x3FD2] =	sst s26  }
0x1e: {  	s4 =	sshll.u32 s27, $0x1;
	_ =	strace $0x80000046;
	[dreg:$0x1] =	wrdreg $0xFFFFFFFF  }
0x1f: {  	s28 =	simm.s32 $_size_execute0_lowered;
	s1 =	sadd.s32 s1, s4;
	[dreg:$0x0] =	wrdreg $0x0  }
0x20: {  	s4 =	sshll.u32 s28, $0x1;
	[dreg:$0x2] =	wrdreg s1  }
0x21: {  	[dreg:$0x3] =	wrdreg s4  }
0x22: {  	[dreg:$0x4] =	wrdreg $0xC0  }
0x23: {  	_ =	task [dreg:s6], $0x5FFFF  }
0x24: {  	[dreg:$0x1] =	wrdreg $0xFFFFFFFF  }
0x25: {  	[dreg:$0x0] =	wrdreg $0x60  }
0x26: {  	[dreg:$0x2] =	wrdreg s25  }
0x27: {  	[dreg:$0x3] =	wrdreg $0x9  }
0x28: {  	_ =	task.clear_ibuf [dreg:s6], $0x4FFFF;
	_ =	strace $0x90000046  }
0x29: {  	s29 =	simm.s32 $0x9;
	_ =	strace $0x80000048  }
0x2a: {  	_ =	swait.ge [sflag:s29], $0x1  }
0x2b: {  	[sflag:s29] =	ssyncadd.s32 $0xFFFFFFFF  }
0x2c: {  	_ =	strace $0x90000048  }
0x2d: {  	_ =	sfence  }
0x2e: {  	s30 =	sld [smem:$0x0];
	_ =	sdelay $0x2  }
0x2f: {  	s31 =	sshll.u32 s3, $0xD;
	s3 =	sshrl.u32 s3, $0x2  }
0x30: {  	s2 =	sand.u32 $0x4000, s31;
	s1 =	sadd.s32 s3, s30  }
0x31: {  	s0 =	sor.u32 s2, s0;
	s1 =	sshll.u32 s1, $0x11  }
0x32: {  	s0 =	sor.u32 s1, s0  }
0x33: {  	s0 =	sadd.s32 $0x8F2B, s0  }
0x34: {  	[sflag:s0] =	ssyncadd.remote.s32 $0x1  }
0x35: {  	_ =	sfence.sel $0xFFFF  }
0x36: {  	[dreg:$0x0] =	wrdreg $0xFFFFFFFF;
	(pc) =	sbr.abs _section_cstart, $3  }
0x37: {  	[dreg:$0x1] =	wrdreg $0xFFFFFFFF  }
0x38: {  	_ =	task.clear_ibuf [dreg:s6], $0x2FFFF;
	_ =	strace $0x9FFFFFFF  }
0x39: {  	(tm) =	ssettm $0x7FFFFFFF  }
tec
execute0_lowered:
.L_overlay_start_1:
0x0: {  	(tag) =	ssettag $0x1  }
0x1: {  	s0 =	srdreg.scid  }
0x2: {  	s1 =	sshll.u32 s0, $0x4  }
0x3: {  	s4 =	rddreg [dreg:$0x0];
	s0 =	stileid.u32;
	s1 =	sand.u32 $0x10, s1  }
0x4: {  	s7 =	simm.s32 $0x1;
	s8 =	simm.s32 $0x2;
	s2 =	sor.u32 s0, s1  }
0x5: {  	s9 =	simm.s32 $0x0;
	s12 =	simm.s32 $0x0;
	s2 =	sshll.u32 s2, $0x2  }
0x6: {  	s11 =	simm.s32 $0x0;
	s3 =	sadd.s32 $0x187E00, s4;
	s6 =	ssub.s32 $0x30D4, s2  }
.Ltmp0:
0x7: {  	s4 =	sadd.s32 $0x7A2A00, s4;
	s5 =	sand.u32 $0x7C, s6;
	(pc) =	sbr.rel .LBB1_1-.Ltmp0, $4  }
0x8: {  	s1 =	rddreg [dreg:$0x1];
	_ =	strace $0x80000047;
	p0 =	sne.s32 s5, $0x0  }
0x9: {  	s6 =	sshrl.u32 s6, $0x7;
	s5 =	simm.s32 $0x1;
	s7 =	simm.s32 @!p0 $0x0  }
0xa: {  	s10 =	smov.u32 s2;
	[sflag:s5] =	ssyncpa.u1 $0x0;
	s6 =	sadd.s32 s7, s6  }
0xb: {  	[sflag:s8] =	ssyncpa.u1 $0x0;
	s8 =	simm.s32 $0x0;
	s7 =	sadd.s32 $0x1, s6  }
.LBB1_9:
0xc: {  	s14 =	sadd.s32 $0x80, s10  }
0xd: {  	p1 =	sgt.s32 s14, $0x30D3  }
0xe: {  	s14 =	smov.u32 @p1 s2;
	p1 =	sne.s32 s11, s7  }
.Ltmp1:
0xf: {  	p0 =	slt.u32 s11, $0x2;
	(pc) =	sbr.rel @!p1 .LBB1_10-.Ltmp1, $4  }
0x10: {  	s13 =	simm.s32 @!p0 $0x2  }
0x11: {  	s15 =	sadd.s32 $0x1, s11;
	_ =	swait.ge @!p0 [sflag:s13], $0x4000  }
0x12: {  	s12 =	smov.u32 s10;
	s9 =	sadd.s32 $0x4000, s9;
	[sflag:s13] =	ssyncset.done @!p0 $0x0  }
0x13: {  	s11 =	smov.u32 s15;
	s10 =	smov.u32 s14;
	[sflag:s13] =	ssyncadd.s32 @!p0 $0xFFFFC000  }
.LBB1_1:
0x14: {  	p0 =	sge.u32 s11, s6  }
0x15: {  	s13 =	sxor.u32 @!p0 $0xFFFFFFFF, s11  }
0x16: {  	s31 =	sadd.s32 $0xFFFFFFFF, s11;
	s14 =	sshll.u32 @!p0 s10, $0x9;
	s13 =	sshll.u32 @!p0 s13, $0xE  }
0x17: {  	s15 =	simm.s32 @!p0 $0x0;
	s14 =	sadd.s32 @!p0 s3, s14;
	s13 =	sand.u32 @!p0 $0x4000, s13  }
0x18: {  	[tilespmem:s13], [sflag:$0x1] =	stream.linear.gather @!p0 [hbm4b:s14+s15], $0x4000, $0x38;
	[tilespmem:$0x10000] =	vst v63  }
0x19: {  	p0 =	sge.u32 s31, s6  }
.Ltmp2:
0x1a: {  	_ = 	snop;
	(pc) =	sbr.rel @p0 .LBB1_9-.Ltmp2, $1  }
0x1b: {  	_ =	sdelay $0x3  }
0x1c: {  	s14 =	sand.u32 $0x4000, s9  }
0x1d: {  	_ =	swait.ge [sflag:s5], $0x4000;
	s15 =	sshll.u32 s11, $0xE;
	s16 =	simm.s32 $0x0  }
0x1e: {  	s13 =	sor.u32 $0x40, s14;
	[sflag:s5] =	ssyncset.done $0x0;
	s15 =	sand.u32 $0x4000, s15  }
0x1f: {  	s14 =	sor.u32 $0x8040, s14;
	[sflag:s5] =	ssyncadd.s32 $0xFFFFC000;
	s15 =	sor.u32 $0x8000, s15  }
.LBB1_3:
0x20: {  	s17 =	smov.u32 s14;
	s18 =	smov.u32 s13;
	s19 =	simm.s32 $0x0  }
.LBB1_4:
0x21: {  	v0 =	vmov s17;
	v2 =	vld [tilespmem:s18+$0x30]  }
0x22: {  	v4 =	vld [tilespmem:s18+$0xFFFFFFD0]  }
0x23: {  	v6 =	vld [tilespmem:s18+$0xFFFFFFE0]  }
0x24: {  	v7 =	vld [tilespmem:s18+$0xFFFFFFF0]  }
0x25: {  	s20 =	simm.s32 $0x0;
	v1 =	vld [tilespmem:s18+$0x0]  }
0x26: {  	v3 =	vld [tilespmem:s18+$0x10];
	[tilespmem:v0+s20+$0x30 ss:$0x1] =	vst.idx.msk $0xffff, v2  }
0x27: {  	v5 =	vld [tilespmem:s18+$0x20];
	[tilespmem:v0+s20+$0xFFFFFFD0 ss:$0x1] =	vst.idx.msk $0xffff, v4  }
0x28: {  	s21 =	sadd.s32 $0x80, s18;
	v2 =	vld [tilespmem:s18+$0xFFFFFFC0];
	[tilespmem:v0+s20+$0xFFFFFFE0 ss:$0x1] =	vst.idx.msk $0xffff, v6  }
0x29: {  	s22 =	simm.s32 $0x800;
	s23 =	simm.s32 $0x1000;
	v4 =	vld [tilespmem:s21+$0x30];
	[tilespmem:v0+s20+$0xFFFFFFF0 ss:$0x1] =	vst.idx.msk $0xffff, v7  }
.LBB1_5:
0x2a: {  	p0 =	sne.s32 s23, $0x3800;
	v6 =	vld [tilespmem:s21+$0xFFFFFFD0];
	[tilespmem:v0+s20+$0x0 ss:$0x1] =	vst.idx.msk $0xffff, v1  }
0x2b: {  	v7 =	vld [tilespmem:s21+$0xFFFFFFE0];
	[tilespmem:v0+s20+$0x10 ss:$0x1] =	vst.idx.msk $0xffff, v3  }
0x2c: {  	v8 =	vld [tilespmem:s21+$0xFFFFFFF0];
	[tilespmem:v0+s20+$0x20 ss:$0x1] =	vst.idx.msk $0xffff, v5  }
.Ltmp3:
0x2d: {  	v1 =	vld [tilespmem:s21+$0x0];
	[tilespmem:v0+s20+$0xFFFFFFC0 ss:$0x1] =	vst.idx.msk $0xffff, v2;
	s20 =	sshra.s32 s22, $0x2;
	s22 =	smov.u32 s23;
	(pc) =	sbr.rel @p0 .LBB1_5-.Ltmp3, $4  }
0x2e: {  	v3 =	vld [tilespmem:s21+$0x10];
	[tilespmem:v0+s20+$0x30 ss:$0x1] =	vst.idx.msk $0xffff, v4  }
0x2f: {  	[tilespmem:v0+s20+$0xFFFFFFD0 ss:$0x1] =	vst.idx.msk $0xffff, v6;
	v5 =	vld [tilespmem:s21+$0x20]  }
0x30: {  	v2 =	vld [tilespmem:s21+$0xFFFFFFC0];
	[tilespmem:v0+s20+$0xFFFFFFE0 ss:$0x1] =	vst.idx.msk $0xffff, v7;
	s21 =	sadd.s32 $0x80, s21  }
0x31: {  	s23 =	sadd.s32 $0x800, s23;
	v4 =	vld [tilespmem:s21+$0x30];
	[tilespmem:v0+s20+$0xFFFFFFF0 ss:$0x1] =	vst.idx.msk $0xffff, v8  }
0x32: {  	_ =	sdelay $0x3  }
0x33: {  	v6 =	vld [tilespmem:s21+$0xFFFFFFD0];
	[tilespmem:v0+s20+$0x0 ss:$0x1] =	vst.idx.msk $0xffff, v1  }
0x34: {  	v58 =	vld [tilespmem:s21+$0xFFFFFFE0];
	[tilespmem:v0+s20+$0x10 ss:$0x1] =	vst.idx.msk $0xffff, v3  }
0x35: {  	v59 =	vld [tilespmem:s21+$0xFFFFFFF0];
	[tilespmem:v0+s20+$0x20 ss:$0x1] =	vst.idx.msk $0xffff, v5  }
0x36: {  	s22 =	sshra.s32 s22, $0x2;
	v60 =	vld [tilespmem:s21+$0x0];
	[tilespmem:v0+s20+$0xFFFFFFC0 ss:$0x1] =	vst.idx.msk $0xffff, v2  }
0x37: {  	v61 =	vld [tilespmem:s21+$0x10];
	[tilespmem:v0+s22+$0x30 ss:$0x1] =	vst.idx.msk $0xffff, v4  }
0x38: {  	v62 =	vld [tilespmem:s21+$0x20];
	s19 =	sadd.s32 $0x1, s19;
	[tilespmem:v0+s22+$0xFFFFFFD0 ss:$0x1] =	vst.idx.msk $0xffff, v6  }
0x39: {  	v63 =	vld [tilespmem:s21+$0xFFFFFFC0];
	p0 =	sne.s32 s19, $0x4;
	[tilespmem:v0+s22+$0xFFFFFFE0 ss:$0x1] =	vst.idx.msk $0xffff, v58  }
.Ltmp4:
0x3a: {  	[tilespmem:v0+s22+$0xFFFFFFF0 ss:$0x1] =	vst.idx.msk $0xffff, v59;
	(pc) =	sbr.rel @p0 .LBB1_4-.Ltmp4, $4  }
0x3b: {  	[tilespmem:v0+s22+$0x0 ss:$0x1] =	vst.idx.msk $0xffff, v60  }
0x3c: {  	[tilespmem:v0+s22+$0x10 ss:$0x1] =	vst.idx.msk $0xffff, v61  }
0x3d: {  	[tilespmem:v0+s22+$0x20 ss:$0x1] =	vst.idx.msk $0xffff, v62  }
0x3e: {  	s18 =	sadd.s32 $0x400, s18;
	s17 =	sadd.s32 $0x80, s17;
	[tilespmem:v0+s22+$0xFFFFFFC0 ss:$0x1] =	vst.idx.msk $0xffff, v63  }
0x3f: {  	s16 =	sadd.s32 $0x1, s16  }
0x40: {  	p0 =	sne.s32 s16, $0x4  }
.Ltmp5:
0x41: {  	_ = 	snop;
	(pc) =	sbr.rel @p0 .LBB1_3-.Ltmp5, $2  }
0x42: {  	_ =	sdelay $0x2  }
0x43: {  	s13 =	sadd.s32 $0x1000, s13;
	s14 =	sadd.s32 $0x1000, s14  }
.Ltmp6:
0x44: {  	(pc) =	sbr.rel .LBB1_9-.Ltmp6, $4  }
0x45: {  	_ = 	snop  }
0x46: {  	s12 =	sshll.u32 s12, $0x9  }
0x47: {  	s12 =	sadd.s32 s4, s12  }
0x48: {  	[hbm4b:s12+s8] =	stream.linear.scatter [tilespmem:s15], [sflag:$0x2], $0x4000, $0x38;
	[tilespmem:$0x10000] =	vst v63  }
.LBB1_10:
0x49: {  	_ =	sfence.sel $0x180000  }
0x4a: {  	s2 =	simm.s32 $0x1;
	[bflag:$0x0] =	sbarrier.arrive $0xFFFF  }
0x4b: {  	s31 =	simm.s32 $0x2;
	[sflag:s2] =	ssyncpa.u1 $0x1  }
0x4c: {  	[sflag:s31] =	ssyncpa.u1 $0x1  }
0x4d: {  	p0 =	sne.s32 s0, $0x0;
	_ =	strace $0x90000047  }
0x4e: {  	s0 =	sadd.s32 @!p0 $0x100000, s1;
	[bflag:$0x2] =	sbarrier.arrive $0xFFFF  }
0x4f: {  	[sflag:s0] =	ssyncadd.tile.s32 @!p0 $0x1;
	_ =	shalt  }
.Lfunc_end1:
_tile_overlayer_lowered:
.L_overlay_start_2:
0x50: {  	(tag) =	ssettag $0x2  }
0x51: {  	s0 =	rddreg [dreg:$0x0];
	s2 =	stileid.u32  }
0x52: {  	s1 =	rddreg [dreg:$0x1];
	p0 =	sne.s32 s2, $0x0  }
0x53: {  	s3 =	rddreg [dreg:$0x2];
	[bflag:$0x3] =	sbarrier.arrive $0xFFFF;
	s2 =	simm.s32 @!p0 $0x1C01  }
0x54: {  	[timem:s3], [sflag:s2] =	dma.local @!p0 [hbm:s0], s1  }
0x55: {  	s0 =	simm.s32 @!p0 $0x1  }
0x56: {  	_ =	swait.ge @!p0 [sflag:s0], s1  }
0x57: {  	s1 =	ssub.s32 @!p0 $0x0, s1;
	[sflag:s0] =	ssyncset.done @!p0 $0x0  }
0x58: {  	[sflag:s0] =	ssyncadd.s32 @!p0 s1  }
0x59: {  	[bflag:$0x3] =	sbarrier.arrive $0xFFFF  }
0x5a: {  	_ =	shalt  }

</sc_bundles>
